<compile_context>
chip_gen: v7x
topology: tpu7x:2x2x1
jax: 0.10.2.dev20260603
libtpu: 0.0.44.dev20260713+nightly
codegen_flags: <defaults>
</compile_context>

<pallas_src>
import jax
import jax.numpy as jnp
from jax import lax
from jax.experimental import pallas as pl
from jax.experimental.pallas import tpu as pltpu
from jax.experimental.pallas import tpu_sc as plsc

N_NODES = 100000
STALK = 8
NFEAT = 4
NATTR = 16
EB = 4096
CH = 1280
K = CH // 128
CHG = 1280
KG = CHG // 128
NR = 100096
RPT = NR // 16


def _compute_block(attrT_ref, xuT_ref, xvT_ref, bpj_ref, bpi_ref, out_ref):
    a_t = attrT_ref[...]
    gj = jnp.dot(bpj_ref[...], a_t, preferred_element_type=jnp.float32,
                 precision=jax.lax.Precision.HIGHEST)
    gi = jnp.dot(bpi_ref[...], a_t, preferred_element_type=jnp.float32,
                 precision=jax.lax.Precision.HIGHEST)
    xu_t = xuT_ref[...]
    xv_t = xvT_ref[...]
    cu = [None] * NFEAT
    cv = [None] * NFEAT
    for f in range(NFEAT):
        dxf = gj[0:8, :] * xu_t[f:f + 1, :]
        for j in range(1, STALK):
            dxf = dxf + gj[8 * j:8 * j + 8, :] * xu_t[4 * j + f:4 * j + f + 1, :]
        for j in range(STALK):
            dxf = dxf + gj[64 + 8 * j:64 + 8 * j + 8, :] * xv_t[4 * j + f:4 * j + f + 1, :]
        cuf = gi[0:8, :] * dxf[0:1, :]
        cvf = gi[8:16, :] * dxf[0:1, :]
        for i in range(1, STALK):
            cuf = cuf + gi[16 * i:16 * i + 8, :] * dxf[i:i + 1, :]
            cvf = cvf + gi[16 * i + 8:16 * i + 16, :] * dxf[i:i + 1, :]
        cu[f] = cuf
        cv[f] = cvf
    pieces = [
        jnp.concatenate([cu[0], cu[1]], axis=0),
        jnp.concatenate([cu[2], cu[3]], axis=0),
        jnp.concatenate([cv[0], cv[1]], axis=0),
        jnp.concatenate([cv[2], cv[3]], axis=0),
    ]
    out_ref[...] = jnp.stack([p.T for p in pieces], axis=0)


def _gather_body(xflat_ref, up_ref, vp_ref, out_ref, idx_v, rows_v, sem):
    c = lax.axis_index("c")
    s = lax.axis_index("s")
    w = s * 2 + c
    ep = up_ref.shape[0] * 128
    rows_per_tile = ep // 32
    nchunk = rows_per_tile // CHG

    def do_side(idx_hbm, side):
        def chunk(it, carry):
            base = pl.multiple_of(w * rows_per_tile + it * CHG, 128)
            rowb = pl.multiple_of(base // 128, 2)
            pltpu.sync_copy(idx_hbm.at[pl.ds(rowb, KG), :], idx_v)
            cps = [
                pltpu.async_copy(xflat_ref.at[idx_v.at[j]],
                                 rows_v.at[pl.ds(j * 128, 128), :], sem)
                for j in range(KG)
            ]
            for cp in cps:
                cp.wait()
            pltpu.sync_copy(rows_v, out_ref.at[side, pl.ds(base, CHG), :])
            return carry
        lax.fori_loop(0, nchunk, chunk, 0)

    do_side(up_ref, 0)
    do_side(vp_ref, 1)


def _scatter_body(contrib_ref, up_ref, vp_ref, zeros_ref, out_ref,
                  idx_v, data_v, acc, sem):
    c = lax.axis_index("c")
    s = lax.axis_index("s")
    ep = up_ref.shape[0] * 128
    rows_per_tile = ep // 16
    nchunk = rows_per_tile // CH
    pltpu.sync_copy(zeros_ref, acc.at[pl.ds(pl.multiple_of(s * RPT, 16), RPT)])
    plsc.subcore_barrier()

    def do_piece(idx_hbm, piece):
        def chunk(it, carry):
            base = pl.multiple_of(s * rows_per_tile + it * CH, 128)
            rowb = pl.multiple_of(base // 128, 2)
            pltpu.sync_copy(idx_hbm.at[pl.ds(rowb, K), :], idx_v)
            pltpu.sync_copy(contrib_ref.at[piece, pl.ds(base, CH), :], data_v)
            for j in range(K):
                pltpu.sync_copy(data_v.at[pl.ds(j * 128, 128), :],
                                acc.at[idx_v.at[j]], add=True)
            return carry
        lax.fori_loop(0, nchunk, chunk, 0)

    do_piece(up_ref, c)
    do_piece(vp_ref, 2 + c)
    plsc.subcore_barrier()
    @pl.when(s < 15)
    def _():
        off = pl.multiple_of(s * RPT, 16)
        pltpu.sync_copy(acc.at[pl.ds(off, RPT)],
                        out_ref.at[c, pl.ds(off, RPT), :])
    @pl.when(s == 15)
    def _():
        pltpu.sync_copy(acc.at[pl.ds(15 * RPT, N_NODES - 15 * RPT)],
                        out_ref.at[c, pl.ds(15 * RPT, N_NODES - 15 * RPT), :])


def kernel(x, edge_index, edge_attr, restriction_maps):
    E = edge_attr.shape[0]
    EP = ((E + EB - 1) // EB) * EB
    nb = EP // EB

    attr_p = jnp.pad(edge_attr, ((0, EP - E), (0, 0)))
    attrT = attr_p.T
    dummy = jnp.arange(EP - E, dtype=jnp.int32) * 997 % N_NODES
    up = jnp.concatenate([edge_index[0], dummy])
    vp = jnp.concatenate([edge_index[1], dummy])
    up_g = jnp.where(up >= N_NODES, 0, up)
    vp_g = jnp.where(vp >= N_NODES, 0, vp)

    xflat = x.reshape(N_NODES, STALK * NFEAT)
    xuT = jnp.take(xflat, up_g, axis=0).T
    xvT = jnp.take(xflat, vp_g, axis=0).T

    rm0 = restriction_maps[:, 0]
    rm1 = restriction_maps[:, 1]
    bpj = jnp.concatenate([
        jnp.transpose(rm0, (2, 1, 0)).reshape(64, NATTR),
        -jnp.transpose(rm1, (2, 1, 0)).reshape(64, NATTR),
    ], axis=0)
    bpi = jnp.concatenate([
        jnp.transpose(rm0, (1, 2, 0)),
        -jnp.transpose(rm1, (1, 2, 0)),
    ], axis=1).reshape(128, NATTR)

    contribT = pl.pallas_call(
        _compute_block,
        grid=(nb,),
        in_specs=[
            pl.BlockSpec((NATTR, EB), lambda b: (0, b)),
            pl.BlockSpec((2 * NATTR, EB), lambda b: (0, b)),
            pl.BlockSpec((2 * NATTR, EB), lambda b: (0, b)),
            pl.BlockSpec((128, NATTR), lambda b: (0, 0)),
            pl.BlockSpec((128, NATTR), lambda b: (0, 0)),
        ],
        out_specs=pl.BlockSpec((4, EB, 16), lambda b: (0, b, 0)),
        out_shape=jax.ShapeDtypeStruct((4, EP, 16), jnp.float32),
    )(attrT, xuT, xvT, bpj, bpi)
    contrib = contribT

    cu = jnp.concatenate([contrib[0], contrib[1]], axis=1)
    cv = jnp.concatenate([contrib[2], contrib[3]], axis=1)
    outflat = jnp.zeros((N_NODES, 32), jnp.float32)
    outflat = outflat.at[up_g].add(cu)
    outflat = outflat.at[vp_g].add(cv)
    out = outflat.reshape(N_NODES, NFEAT, STALK).transpose(0, 2, 1)
    return out

# --- scband reference (transcript-rebuilt; emitter-appended) ---
"""Pipeline reference for scband-sheaf-layer-48893907698074 (READ-ONLY COPY).

The authoritative reference and input builder live on the scoring server;
editing this copy changes nothing except your own understanding.
"""

import jax, jax.numpy as jnp
import numpy as np

N_NODES = 100000
N_EDGES = 1600000
STALK_DIM = 8
N_FEAT = 4
N_EDGE_ATTR = 16


def setup_inputs(seed: int = 0) -> dict:
    key = jax.random.key(seed)
    k1, k2, k3, k4 = jax.random.split(key, 4)
    x = jax.random.normal(k1, (N_NODES, STALK_DIM, N_FEAT), dtype=jnp.float32)
    edge_index = jax.random.randint(k2, (2, N_EDGES), 0, N_NODES, dtype=jnp.int32)
    edge_attr = jax.random.normal(k3, (N_EDGES, N_EDGE_ATTR), dtype=jnp.float32)
    # learned parameter: basic restriction maps, shape (n_edge_attr, 2, stalk_dim, stalk_dim)
    restriction_maps = jax.random.normal(k4, (N_EDGE_ATTR, 2, STALK_DIM, STALK_DIM), dtype=jnp.float32) / STALK_DIM
    return {"x": x, "edge_index": edge_index, "edge_attr": edge_attr, "restriction_maps": restriction_maps}


def reference(x, edge_index, edge_attr, restriction_maps):
    # SheafLayer with layertype='Laplacian', matrix_weighted=False, signtype=None.
    # Restriction maps per edge: linear combination of basis maps via edge_attr (float path).
    stalk_dim = restriction_maps.shape[-1]
    n_edge_attr = restriction_maps.shape[0]
    F = (edge_attr @ restriction_maps.reshape((n_edge_attr, 2 * stalk_dim * stalk_dim)))
    F = F.reshape((-1, 2, stalk_dim, stalk_dim))
    F_left = F[:, 0, :, :]
    F_right = F[:, 1, :, :]
    # gather node cochains to edges
    x_left = jnp.take(x, edge_index[0, :], axis=0)
    x_right = jnp.take(x, edge_index[1, :], axis=0)
    # coboundary: dx_e = F_left x_u - F_right x_v
    dx = F_left @ x_left - F_right @ x_right
    # boundary (adjoint): scatter F^T dx back to nodes with signs
    y_left = jnp.swapaxes(F_left, 1, 2) @ dx
    y_right = jnp.swapaxes(F_right, 1, 2) @ dx
    Lx = jnp.zeros_like(x)
    Lx = Lx.at[edge_index[0, :]].add(y_left)
    Lx = Lx.at[edge_index[1, :]].add(-y_right)
    return Lx

if __name__ == "__main__":
    import jax
    _d = setup_inputs()
    print(jax.jit(kernel)(*tuple(_d.values())))

</pallas_src>

<mosaic_0001>
module attributes {stable_mosaic.version = 14 : i64} {
  func.func @_compute_block(%arg0: i32, %arg1: memref<16x4096xf32, #tpu.memory_space<vmem>>, %arg2: memref<32x4096xf32, #tpu.memory_space<vmem>>, %arg3: memref<32x4096xf32, #tpu.memory_space<vmem>>, %arg4: memref<128x16xf32, #tpu.memory_space<vmem>>, %arg5: memref<128x16xf32, #tpu.memory_space<vmem>>, %arg6: memref<4x4096x16xf32, #tpu.memory_space<vmem>>) attributes {dimension_semantics = [#tpu.dimension_semantics<arbitrary>], iteration_bounds = array<i64: 391>, scalar_prefetch = 0 : i64, scratch_operands = 0 : i64, tpu.core_type = #tpu.core_type<tc>, window_params = [{transform_indices = @transform_0, window_bounds = array<i64: 16, 4096>}, {transform_indices = @transform_1, window_bounds = array<i64: 32, 4096>}, {transform_indices = @transform_2, window_bounds = array<i64: 32, 4096>}, {pipeline_mode = #tpu.pipeline_mode<synchronous>, transform_indices = @transform_3, window_bounds = array<i64: 128, 16>}, {pipeline_mode = #tpu.pipeline_mode<synchronous>, transform_indices = @transform_4, window_bounds = array<i64: 128, 16>}, {transform_indices = @transform_5, window_bounds = array<i64: 4, 4096, 16>}]} {
    %get3A = arith.constant 0 : index
    %get3A_0 = arith.constant 0 : index
    %get3A_1 = vector.load %arg1[%get3A, %get3A_0] : memref<16x4096xf32, #tpu.memory_space<vmem>>, vector<16x4096xf32>
    %get3A_2 = arith.constant 0 : index
    %get3A_3 = arith.constant 0 : index
    %get3A_4 = vector.load %arg4[%get3A_2, %get3A_3] : memref<128x16xf32, #tpu.memory_space<vmem>>, vector<128x16xf32>
    %dot_general3A = arith.constant dense<0.000000e+00> : vector<128x4096xf32>
    %dot_general3A_5 = tpu.matmul %get3A_4, %get3A_1, %dot_general3A {dimension_numbers = #tpu.dot_dimension_numbers<[1], [0], [0], [1], [0, 0, 1, 1], [], []>, precision = #tpu.contract_precision<fp32>, transpose_lhs_hint = false} : vector<128x16xf32>, vector<16x4096xf32>, vector<128x4096xf32> -> vector<128x4096xf32>
    %get3A_6 = arith.constant 0 : index
    %get3A_7 = arith.constant 0 : index
    %get3A_8 = vector.load %arg5[%get3A_6, %get3A_7] : memref<128x16xf32, #tpu.memory_space<vmem>>, vector<128x16xf32>
    %dot_general3A_9 = arith.constant dense<0.000000e+00> : vector<128x4096xf32>
    %dot_general3A_10 = tpu.matmul %get3A_8, %get3A_1, %dot_general3A_9 {dimension_numbers = #tpu.dot_dimension_numbers<[1], [0], [0], [1], [0, 0, 1, 1], [], []>, precision = #tpu.contract_precision<fp32>, transpose_lhs_hint = false} : vector<128x16xf32>, vector<16x4096xf32>, vector<128x4096xf32> -> vector<128x4096xf32>
    %get3A_11 = arith.constant 0 : index
    %get3A_12 = arith.constant 0 : index
    %get3A_13 = vector.load %arg2[%get3A_11, %get3A_12] : memref<32x4096xf32, #tpu.memory_space<vmem>>, vector<32x4096xf32>
    %get3A_14 = arith.constant 0 : index
    %get3A_15 = arith.constant 0 : index
    %get3A_16 = vector.load %arg3[%get3A_14, %get3A_15] : memref<32x4096xf32, #tpu.memory_space<vmem>>, vector<32x4096xf32>
    %slice3A = vector.extract_strided_slice %dot_general3A_5 {offsets = [0, 0], sizes = [8, 4096], strides = [1, 1]} : vector<128x4096xf32> to vector<8x4096xf32>
    %slice3A_17 = vector.extract_strided_slice %get3A_13 {offsets = [0, 0], sizes = [1, 4096], strides = [1, 1]} : vector<32x4096xf32> to vector<1x4096xf32>
    %mul3A = vector.broadcast %slice3A_17 : vector<1x4096xf32> to vector<8x4096xf32>
    %mul3A_18 = arith.mulf %slice3A, %mul3A : vector<8x4096xf32>
    %slice3A_19 = vector.extract_strided_slice %dot_general3A_5 {offsets = [8, 0], sizes = [8, 4096], strides = [1, 1]} : vector<128x4096xf32> to vector<8x4096xf32>
    %slice3A_20 = vector.extract_strided_slice %get3A_13 {offsets = [4, 0], sizes = [1, 4096], strides = [1, 1]} : vector<32x4096xf32> to vector<1x4096xf32>
    %mul3A_21 = vector.broadcast %slice3A_20 : vector<1x4096xf32> to vector<8x4096xf32>
    %mul3A_22 = arith.mulf %slice3A_19, %mul3A_21 : vector<8x4096xf32>
    %add3A = arith.addf %mul3A_18, %mul3A_22 : vector<8x4096xf32>
    %slice3A_23 = vector.extract_strided_slice %dot_general3A_5 {offsets = [16, 0], sizes = [8, 4096], strides = [1, 1]} : vector<128x4096xf32> to vector<8x4096xf32>
    %slice3A_24 = vector.extract_strided_slice %get3A_13 {offsets = [8, 0], sizes = [1, 4096], strides = [1, 1]} : vector<32x4096xf32> to vector<1x4096xf32>
    %mul3A_25 = vector.broadcast %slice3A_24 : vector<1x4096xf32> to vector<8x4096xf32>
    %mul3A_26 = arith.mulf %slice3A_23, %mul3A_25 : vector<8x4096xf32>
    %add3A_27 = arith.addf %add3A, %mul3A_26 : vector<8x4096xf32>
    %slice3A_28 = vector.extract_strided_slice %dot_general3A_5 {offsets = [24, 0], sizes = [8, 4096], strides = [1, 1]} : vector<128x4096xf32> to vector<8x4096xf32>
    %slice3A_29 = vector.extract_strided_slice %get3A_13 {offsets = [12, 0], sizes = [1, 4096], strides = [1, 1]} : vector<32x4096xf32> to vector<1x4096xf32>
    %mul3A_30 = vector.broadcast %slice3A_29 : vector<1x4096xf32> to vector<8x4096xf32>
    %mul3A_31 = arith.mulf %slice3A_28, %mul3A_30 : vector<8x4096xf32>
    %add3A_32 = arith.addf %add3A_27, %mul3A_31 : vector<8x4096xf32>
    %slice3A_33 = vector.extract_strided_slice %dot_general3A_5 {offsets = [32, 0], sizes = [8, 4096], strides = [1, 1]} : vector<128x4096xf32> to vector<8x4096xf32>
    %slice3A_34 = vector.extract_strided_slice %get3A_13 {offsets = [16, 0], sizes = [1, 4096], strides = [1, 1]} : vector<32x4096xf32> to vector<1x4096xf32>
    %mul3A_35 = vector.broadcast %slice3A_34 : vector<1x4096xf32> to vector<8x4096xf32>
    %mul3A_36 = arith.mulf %slice3A_33, %mul3A_35 : vector<8x4096xf32>
    %add3A_37 = arith.addf %add3A_32, %mul3A_36 : vector<8x4096xf32>
    %slice3A_38 = vector.extract_strided_slice %dot_general3A_5 {offsets = [40, 0], sizes = [8, 4096], strides = [1, 1]} : vector<128x4096xf32> to vector<8x4096xf32>
    %slice3A_39 = vector.extract_strided_slice %get3A_13 {offsets = [20, 0], sizes = [1, 4096], strides = [1, 1]} : vector<32x4096xf32> to vector<1x4096xf32>
    %mul3A_40 = vector.broadcast %slice3A_39 : vector<1x4096xf32> to vector<8x4096xf32>
    %mul3A_41 = arith.mulf %slice3A_38, %mul3A_40 : vector<8x4096xf32>
    %add3A_42 = arith.addf %add3A_37, %mul3A_41 : vector<8x4096xf32>
    %slice3A_43 = vector.extract_strided_slice %dot_general3A_5 {offsets = [48, 0], sizes = [8, 4096], strides = [1, 1]} : vector<128x4096xf32> to vector<8x4096xf32>
    %slice3A_44 = vector.extract_strided_slice %get3A_13 {offsets = [24, 0], sizes = [1, 4096], strides = [1, 1]} : vector<32x4096xf32> to vector<1x4096xf32>
    %mul3A_45 = vector.broadcast %slice3A_44 : vector<1x4096xf32> to vector<8x4096xf32>
    %mul3A_46 = arith.mulf %slice3A_43, %mul3A_45 : vector<8x4096xf32>
    %add3A_47 = arith.addf %add3A_42, %mul3A_46 : vector<8x4096xf32>
    %slice3A_48 = vector.extract_strided_slice %dot_general3A_5 {offsets = [56, 0], sizes = [8, 4096], strides = [1, 1]} : vector<128x4096xf32> to vector<8x4096xf32>
    %slice3A_49 = vector.extract_strided_slice %get3A_13 {offsets = [28, 0], sizes = [1, 4096], strides = [1, 1]} : vector<32x4096xf32> to vector<1x4096xf32>
    %mul3A_50 = vector.broadcast %slice3A_49 : vector<1x4096xf32> to vector<8x4096xf32>
    %mul3A_51 = arith.mulf %slice3A_48, %mul3A_50 : vector<8x4096xf32>
    %add3A_52 = arith.addf %add3A_47, %mul3A_51 : vector<8x4096xf32>
    %slice3A_53 = vector.extract_strided_slice %dot_general3A_5 {offsets = [64, 0], sizes = [8, 4096], strides = [1, 1]} : vector<128x4096xf32> to vector<8x4096xf32>
    %slice3A_54 = vector.extract_strided_slice %get3A_16 {offsets = [0, 0], sizes = [1, 4096], strides = [1, 1]} : vector<32x4096xf32> to vector<1x4096xf32>
    %mul3A_55 = vector.broadcast %slice3A_54 : vector<1x4096xf32> to vector<8x4096xf32>
    %mul3A_56 = arith.mulf %slice3A_53, %mul3A_55 : vector<8x4096xf32>
    %add3A_57 = arith.addf %add3A_52, %mul3A_56 : vector<8x4096xf32>
    %slice3A_58 = vector.extract_strided_slice %dot_general3A_5 {offsets = [72, 0], sizes = [8, 4096], strides = [1, 1]} : vector<128x4096xf32> to vector<8x4096xf32>
    %slice3A_59 = vector.extract_strided_slice %get3A_16 {offsets = [4, 0], sizes = [1, 4096], strides = [1, 1]} : vector<32x4096xf32> to vector<1x4096xf32>
    %mul3A_60 = vector.broadcast %slice3A_59 : vector<1x4096xf32> to vector<8x4096xf32>
    %mul3A_61 = arith.mulf %slice3A_58, %mul3A_60 : vector<8x4096xf32>
    %add3A_62 = arith.addf %add3A_57, %mul3A_61 : vector<8x4096xf32>
    %slice3A_63 = vector.extract_strided_slice %dot_general3A_5 {offsets = [80, 0], sizes = [8, 4096], strides = [1, 1]} : vector<128x4096xf32> to vector<8x4096xf32>
    %slice3A_64 = vector.extract_strided_slice %get3A_16 {offsets = [8, 0], sizes = [1, 4096], strides = [1, 1]} : vector<32x4096xf32> to vector<1x4096xf32>
    %mul3A_65 = vector.broadcast %slice3A_64 : vector<1x4096xf32> to vector<8x4096xf32>
    %mul3A_66 = arith.mulf %slice3A_63, %mul3A_65 : vector<8x4096xf32>
    %add3A_67 = arith.addf %add3A_62, %mul3A_66 : vector<8x4096xf32>
    %slice3A_68 = vector.extract_strided_slice %dot_general3A_5 {offsets = [88, 0], sizes = [8, 4096], strides = [1, 1]} : vector<128x4096xf32> to vector<8x4096xf32>
    %slice3A_69 = vector.extract_strided_slice %get3A_16 {offsets = [12, 0], sizes = [1, 4096], strides = [1, 1]} : vector<32x4096xf32> to vector<1x4096xf32>
    %mul3A_70 = vector.broadcast %slice3A_69 : vector<1x4096xf32> to vector<8x4096xf32>
    %mul3A_71 = arith.mulf %slice3A_68, %mul3A_70 : vector<8x4096xf32>
    %add3A_72 = arith.addf %add3A_67, %mul3A_71 : vector<8x4096xf32>
    %slice3A_73 = vector.extract_strided_slice %dot_general3A_5 {offsets = [96, 0], sizes = [8, 4096], strides = [1, 1]} : vector<128x4096xf32> to vector<8x4096xf32>
    %slice3A_74 = vector.extract_strided_slice %get3A_16 {offsets = [16, 0], sizes = [1, 4096], strides = [1, 1]} : vector<32x4096xf32> to vector<1x4096xf32>
    %mul3A_75 = vector.broadcast %slice3A_74 : vector<1x4096xf32> to vector<8x4096xf32>
    %mul3A_76 = arith.mulf %slice3A_73, %mul3A_75 : vector<8x4096xf32>
    %add3A_77 = arith.addf %add3A_72, %mul3A_76 : vector<8x4096xf32>
    %slice3A_78 = vector.extract_strided_slice %dot_general3A_5 {offsets = [104, 0], sizes = [8, 4096], strides = [1, 1]} : vector<128x4096xf32> to vector<8x4096xf32>
    %slice3A_79 = vector.extract_strided_slice %get3A_16 {offsets = [20, 0], sizes = [1, 4096], strides = [1, 1]} : vector<32x4096xf32> to vector<1x4096xf32>
    %mul3A_80 = vector.broadcast %slice3A_79 : vector<1x4096xf32> to vector<8x4096xf32>
    %mul3A_81 = arith.mulf %slice3A_78, %mul3A_80 : vector<8x4096xf32>
    %add3A_82 = arith.addf %add3A_77, %mul3A_81 : vector<8x4096xf32>
    %slice3A_83 = vector.extract_strided_slice %dot_general3A_5 {offsets = [112, 0], sizes = [8, 4096], strides = [1, 1]} : vector<128x4096xf32> to vector<8x4096xf32>
    %slice3A_84 = vector.extract_strided_slice %get3A_16 {offsets = [24, 0], sizes = [1, 4096], strides = [1, 1]} : vector<32x4096xf32> to vector<1x4096xf32>
    %mul3A_85 = vector.broadcast %slice3A_84 : vector<1x4096xf32> to vector<8x4096xf32>
    %mul3A_86 = arith.mulf %slice3A_83, %mul3A_85 : vector<8x4096xf32>
    %add3A_87 = arith.addf %add3A_82, %mul3A_86 : vector<8x4096xf32>
    %slice3A_88 = vector.extract_strided_slice %dot_general3A_5 {offsets = [120, 0], sizes = [8, 4096], strides = [1, 1]} : vector<128x4096xf32> to vector<8x4096xf32>
    %slice3A_89 = vector.extract_strided_slice %get3A_16 {offsets = [28, 0], sizes = [1, 4096], strides = [1, 1]} : vector<32x4096xf32> to vector<1x4096xf32>
    %mul3A_90 = vector.broadcast %slice3A_89 : vector<1x4096xf32> to vector<8x4096xf32>
    %mul3A_91 = arith.mulf %slice3A_88, %mul3A_90 : vector<8x4096xf32>
    %add3A_92 = arith.addf %add3A_87, %mul3A_91 : vector<8x4096xf32>
    %slice3A_93 = vector.extract_strided_slice %dot_general3A_10 {offsets = [0, 0], sizes = [8, 4096], strides = [1, 1]} : vector<128x4096xf32> to vector<8x4096xf32>
    %slice3A_94 = vector.extract_strided_slice %add3A_92 {offsets = [0, 0], sizes = [1, 4096], strides = [1, 1]} : vector<8x4096xf32> to vector<1x4096xf32>
    %mul3A_95 = vector.broadcast %slice3A_94 : vector<1x4096xf32> to vector<8x4096xf32>
    %mul3A_96 = arith.mulf %slice3A_93, %mul3A_95 : vector<8x4096xf32>
    %slice3A_97 = vector.extract_strided_slice %dot_general3A_10 {offsets = [8, 0], sizes = [8, 4096], strides = [1, 1]} : vector<128x4096xf32> to vector<8x4096xf32>
    %slice3A_98 = vector.extract_strided_slice %add3A_92 {offsets = [0, 0], sizes = [1, 4096], strides = [1, 1]} : vector<8x4096xf32> to vector<1x4096xf32>
    %mul3A_99 = vector.broadcast %slice3A_98 : vector<1x4096xf32> to vector<8x4096xf32>
    %mul3A_100 = arith.mulf %slice3A_97, %mul3A_99 : vector<8x4096xf32>
    %slice3A_101 = vector.extract_strided_slice %dot_general3A_10 {offsets = [16, 0], sizes = [8, 4096], strides = [1, 1]} : vector<128x4096xf32> to vector<8x4096xf32>
    %slice3A_102 = vector.extract_strided_slice %add3A_92 {offsets = [1, 0], sizes = [1, 4096], strides = [1, 1]} : vector<8x4096xf32> to vector<1x4096xf32>
    %mul3A_103 = vector.broadcast %slice3A_102 : vector<1x4096xf32> to vector<8x4096xf32>
    %mul3A_104 = arith.mulf %slice3A_101, %mul3A_103 : vector<8x4096xf32>
    %add3A_105 = arith.addf %mul3A_96, %mul3A_104 : vector<8x4096xf32>
    %slice3A_106 = vector.extract_strided_slice %dot_general3A_10 {offsets = [24, 0], sizes = [8, 4096], strides = [1, 1]} : vector<128x4096xf32> to vector<8x4096xf32>
    %slice3A_107 = vector.extract_strided_slice %add3A_92 {offsets = [1, 0], sizes = [1, 4096], strides = [1, 1]} : vector<8x4096xf32> to vector<1x4096xf32>
    %mul3A_108 = vector.broadcast %slice3A_107 : vector<1x4096xf32> to vector<8x4096xf32>
    %mul3A_109 = arith.mulf %slice3A_106, %mul3A_108 : vector<8x4096xf32>
    %add3A_110 = arith.addf %mul3A_100, %mul3A_109 : vector<8x4096xf32>
    %slice3A_111 = vector.extract_strided_slice %dot_general3A_10 {offsets = [32, 0], sizes = [8, 4096], strides = [1, 1]} : vector<128x4096xf32> to vector<8x4096xf32>
    %slice3A_112 = vector.extract_strided_slice %add3A_92 {offsets = [2, 0], sizes = [1, 4096], strides = [1, 1]} : vector<8x4096xf32> to vector<1x4096xf32>
    %mul3A_113 = vector.broadcast %slice3A_112 : vector<1x4096xf32> to vector<8x4096xf32>
    %mul3A_114 = arith.mulf %slice3A_111, %mul3A_113 : vector<8x4096xf32>
    %add3A_115 = arith.addf %add3A_105, %mul3A_114 : vector<8x4096xf32>
    %slice3A_116 = vector.extract_strided_slice %dot_general3A_10 {offsets = [40, 0], sizes = [8, 4096], strides = [1, 1]} : vector<128x4096xf32> to vector<8x4096xf32>
    %slice3A_117 = vector.extract_strided_slice %add3A_92 {offsets = [2, 0], sizes = [1, 4096], strides = [1, 1]} : vector<8x4096xf32> to vector<1x4096xf32>
    %mul3A_118 = vector.broadcast %slice3A_117 : vector<1x4096xf32> to vector<8x4096xf32>
    %mul3A_119 = arith.mulf %slice3A_116, %mul3A_118 : vector<8x4096xf32>
    %add3A_120 = arith.addf %add3A_110, %mul3A_119 : vector<8x4096xf32>
    %slice3A_121 = vector.extract_strided_slice %dot_general3A_10 {offsets = [48, 0], sizes = [8, 4096], strides = [1, 1]} : vector<128x4096xf32> to vector<8x4096xf32>
    %slice3A_122 = vector.extract_strided_slice %add3A_92 {offsets = [3, 0], sizes = [1, 4096], strides = [1, 1]} : vector<8x4096xf32> to vector<1x4096xf32>
    %mul3A_123 = vector.broadcast %slice3A_122 : vector<1x4096xf32> to vector<8x4096xf32>
    %mul3A_124 = arith.mulf %slice3A_121, %mul3A_123 : vector<8x4096xf32>
    %add3A_125 = arith.addf %add3A_115, %mul3A_124 : vector<8x4096xf32>
    %slice3A_126 = vector.extract_strided_slice %dot_general3A_10 {offsets = [56, 0], sizes = [8, 4096], strides = [1, 1]} : vector<128x4096xf32> to vector<8x4096xf32>
    %slice3A_127 = vector.extract_strided_slice %add3A_92 {offsets = [3, 0], sizes = [1, 4096], strides = [1, 1]} : vector<8x4096xf32> to vector<1x4096xf32>
    %mul3A_128 = vector.broadcast %slice3A_127 : vector<1x4096xf32> to vector<8x4096xf32>
    %mul3A_129 = arith.mulf %slice3A_126, %mul3A_128 : vector<8x4096xf32>
    %add3A_130 = arith.addf %add3A_120, %mul3A_129 : vector<8x4096xf32>
    %slice3A_131 = vector.extract_strided_slice %dot_general3A_10 {offsets = [64, 0], sizes = [8, 4096], strides = [1, 1]} : vector<128x4096xf32> to vector<8x4096xf32>
    %slice3A_132 = vector.extract_strided_slice %add3A_92 {offsets = [4, 0], sizes = [1, 4096], strides = [1, 1]} : vector<8x4096xf32> to vector<1x4096xf32>
    %mul3A_133 = vector.broadcast %slice3A_132 : vector<1x4096xf32> to vector<8x4096xf32>
    %mul3A_134 = arith.mulf %slice3A_131, %mul3A_133 : vector<8x4096xf32>
    %add3A_135 = arith.addf %add3A_125, %mul3A_134 : vector<8x4096xf32>
    %slice3A_136 = vector.extract_strided_slice %dot_general3A_10 {offsets = [72, 0], sizes = [8, 4096], strides = [1, 1]} : vector<128x4096xf32> to vector<8x4096xf32>
    %slice3A_137 = vector.extract_strided_slice %add3A_92 {offsets = [4, 0], sizes = [1, 4096], strides = [1, 1]} : vector<8x4096xf32> to vector<1x4096xf32>
    %mul3A_138 = vector.broadcast %slice3A_137 : vector<1x4096xf32> to vector<8x4096xf32>
    %mul3A_139 = arith.mulf %slice3A_136, %mul3A_138 : vector<8x4096xf32>
    %add3A_140 = arith.addf %add3A_130, %mul3A_139 : vector<8x4096xf32>
    %slice3A_141 = vector.extract_strided_slice %dot_general3A_10 {offsets = [80, 0], sizes = [8, 4096], strides = [1, 1]} : vector<128x4096xf32> to vector<8x4096xf32>
    %slice3A_142 = vector.extract_strided_slice %add3A_92 {offsets = [5, 0], sizes = [1, 4096], strides = [1, 1]} : vector<8x4096xf32> to vector<1x4096xf32>
    %mul3A_143 = vector.broadcast %slice3A_142 : vector<1x4096xf32> to vector<8x4096xf32>
    %mul3A_144 = arith.mulf %slice3A_141, %mul3A_143 : vector<8x4096xf32>
    %add3A_145 = arith.addf %add3A_135, %mul3A_144 : vector<8x4096xf32>
    %slice3A_146 = vector.extract_strided_slice %dot_general3A_10 {offsets = [88, 0], sizes = [8, 4096], strides = [1, 1]} : vector<128x4096xf32> to vector<8x4096xf32>
    %slice3A_147 = vector.extract_strided_slice %add3A_92 {offsets = [5, 0], sizes = [1, 4096], strides = [1, 1]} : vector<8x4096xf32> to vector<1x4096xf32>
    %mul3A_148 = vector.broadcast %slice3A_147 : vector<1x4096xf32> to vector<8x4096xf32>
    %mul3A_149 = arith.mulf %slice3A_146, %mul3A_148 : vector<8x4096xf32>
    %add3A_150 = arith.addf %add3A_140, %mul3A_149 : vector<8x4096xf32>
    %slice3A_151 = vector.extract_strided_slice %dot_general3A_10 {offsets = [96, 0], sizes = [8, 4096], strides = [1, 1]} : vector<128x4096xf32> to vector<8x4096xf32>
    %slice3A_152 = vector.extract_strided_slice %add3A_92 {offsets = [6, 0], sizes = [1, 4096], strides = [1, 1]} : vector<8x4096xf32> to vector<1x4096xf32>
    %mul3A_153 = vector.broadcast %slice3A_152 : vector<1x4096xf32> to vector<8x4096xf32>
    %mul3A_154 = arith.mulf %slice3A_151, %mul3A_153 : vector<8x4096xf32>
    %add3A_155 = arith.addf %add3A_145, %mul3A_154 : vector<8x4096xf32>
    %slice3A_156 = vector.extract_strided_slice %dot_general3A_10 {offsets = [104, 0], sizes = [8, 4096], strides = [1, 1]} : vector<128x4096xf32> to vector<8x4096xf32>
    %slice3A_157 = vector.extract_strided_slice %add3A_92 {offsets = [6, 0], sizes = [1, 4096], strides = [1, 1]} : vector<8x4096xf32> to vector<1x4096xf32>
    %mul3A_158 = vector.broadcast %slice3A_157 : vector<1x4096xf32> to vector<8x4096xf32>
    %mul3A_159 = arith.mulf %slice3A_156, %mul3A_158 : vector<8x4096xf32>
    %add3A_160 = arith.addf %add3A_150, %mul3A_159 : vector<8x4096xf32>
    %slice3A_161 = vector.extract_strided_slice %dot_general3A_10 {offsets = [112, 0], sizes = [8, 4096], strides = [1, 1]} : vector<128x4096xf32> to vector<8x4096xf32>
    %slice3A_162 = vector.extract_strided_slice %add3A_92 {offsets = [7, 0], sizes = [1, 4096], strides = [1, 1]} : vector<8x4096xf32> to vector<1x4096xf32>
    %mul3A_163 = vector.broadcast %slice3A_162 : vector<1x4096xf32> to vector<8x4096xf32>
    %mul3A_164 = arith.mulf %slice3A_161, %mul3A_163 : vector<8x4096xf32>
    %add3A_165 = arith.addf %add3A_155, %mul3A_164 : vector<8x4096xf32>
    %slice3A_166 = vector.extract_strided_slice %dot_general3A_10 {offsets = [120, 0], sizes = [8, 4096], strides = [1, 1]} : vector<128x4096xf32> to vector<8x4096xf32>
    %slice3A_167 = vector.extract_strided_slice %add3A_92 {offsets = [7, 0], sizes = [1, 4096], strides = [1, 1]} : vector<8x4096xf32> to vector<1x4096xf32>
    %mul3A_168 = vector.broadcast %slice3A_167 : vector<1x4096xf32> to vector<8x4096xf32>
    %mul3A_169 = arith.mulf %slice3A_166, %mul3A_168 : vector<8x4096xf32>
    %add3A_170 = arith.addf %add3A_160, %mul3A_169 : vector<8x4096xf32>
    %slice3A_171 = vector.extract_strided_slice %dot_general3A_5 {offsets = [0, 0], sizes = [8, 4096], strides = [1, 1]} : vector<128x4096xf32> to vector<8x4096xf32>
    %slice3A_172 = vector.extract_strided_slice %get3A_13 {offsets = [1, 0], sizes = [1, 4096], strides = [1, 1]} : vector<32x4096xf32> to vector<1x4096xf32>
    %mul3A_173 = vector.broadcast %slice3A_172 : vector<1x4096xf32> to vector<8x4096xf32>
    %mul3A_174 = arith.mulf %slice3A_171, %mul3A_173 : vector<8x4096xf32>
    %slice3A_175 = vector.extract_strided_slice %dot_general3A_5 {offsets = [8, 0], sizes = [8, 4096], strides = [1, 1]} : vector<128x4096xf32> to vector<8x4096xf32>
    %slice3A_176 = vector.extract_strided_slice %get3A_13 {offsets = [5, 0], sizes = [1, 4096], strides = [1, 1]} : vector<32x4096xf32> to vector<1x4096xf32>
    %mul3A_177 = vector.broadcast %slice3A_176 : vector<1x4096xf32> to vector<8x4096xf32>
    %mul3A_178 = arith.mulf %slice3A_175, %mul3A_177 : vector<8x4096xf32>
    %add3A_179 = arith.addf %mul3A_174, %mul3A_178 : vector<8x4096xf32>
    %slice3A_180 = vector.extract_strided_slice %dot_general3A_5 {offsets = [16, 0], sizes = [8, 4096], strides = [1, 1]} : vector<128x4096xf32> to vector<8x4096xf32>
    %slice3A_181 = vector.extract_strided_slice %get3A_13 {offsets = [9, 0], sizes = [1, 4096], strides = [1, 1]} : vector<32x4096xf32> to vector<1x4096xf32>
    %mul3A_182 = vector.broadcast %slice3A_181 : vector<1x4096xf32> to vector<8x4096xf32>
    %mul3A_183 = arith.mulf %slice3A_180, %mul3A_182 : vector<8x4096xf32>
    %add3A_184 = arith.addf %add3A_179, %mul3A_183 : vector<8x4096xf32>
    %slice3A_185 = vector.extract_strided_slice %dot_general3A_5 {offsets = [24, 0], sizes = [8, 4096], strides = [1, 1]} : vector<128x4096xf32> to vector<8x4096xf32>
    %slice3A_186 = vector.extract_strided_slice %get3A_13 {offsets = [13, 0], sizes = [1, 4096], strides = [1, 1]} : vector<32x4096xf32> to vector<1x4096xf32>
    %mul3A_187 = vector.broadcast %slice3A_186 : vector<1x4096xf32> to vector<8x4096xf32>
    %mul3A_188 = arith.mulf %slice3A_185, %mul3A_187 : vector<8x4096xf32>
    %add3A_189 = arith.addf %add3A_184, %mul3A_188 : vector<8x4096xf32>
    %slice3A_190 = vector.extract_strided_slice %dot_general3A_5 {offsets = [32, 0], sizes = [8, 4096], strides = [1, 1]} : vector<128x4096xf32> to vector<8x4096xf32>
    %slice3A_191 = vector.extract_strided_slice %get3A_13 {offsets = [17, 0], sizes = [1, 4096], strides = [1, 1]} : vector<32x4096xf32> to vector<1x4096xf32>
    %mul3A_192 = vector.broadcast %slice3A_191 : vector<1x4096xf32> to vector<8x4096xf32>
    %mul3A_193 = arith.mulf %slice3A_190, %mul3A_192 : vector<8x4096xf32>
    %add3A_194 = arith.addf %add3A_189, %mul3A_193 : vector<8x4096xf32>
    %slice3A_195 = vector.extract_strided_slice %dot_general3A_5 {offsets = [40, 0], sizes = [8, 4096], strides = [1, 1]} : vector<128x4096xf32> to vector<8x4096xf32>
    %slice3A_196 = vector.extract_strided_slice %get3A_13 {offsets = [21, 0], sizes = [1, 4096], strides = [1, 1]} : vector<32x4096xf32> to vector<1x4096xf32>
    %mul3A_197 = vector.broadcast %slice3A_196 : vector<1x4096xf32> to vector<8x4096xf32>
    %mul3A_198 = arith.mulf %slice3A_195, %mul3A_197 : vector<8x4096xf32>
    %add3A_199 = arith.addf %add3A_194, %mul3A_198 : vector<8x4096xf32>
    %slice3A_200 = vector.extract_strided_slice %dot_general3A_5 {offsets = [48, 0], sizes = [8, 4096], strides = [1, 1]} : vector<128x4096xf32> to vector<8x4096xf32>
    %slice3A_201 = vector.extract_strided_slice %get3A_13 {offsets = [25, 0], sizes = [1, 4096], strides = [1, 1]} : vector<32x4096xf32> to vector<1x4096xf32>
    %mul3A_202 = vector.broadcast %slice3A_201 : vector<1x4096xf32> to vector<8x4096xf32>
    %mul3A_203 = arith.mulf %slice3A_200, %mul3A_202 : vector<8x4096xf32>
    %add3A_204 = arith.addf %add3A_199, %mul3A_203 : vector<8x4096xf32>
    %slice3A_205 = vector.extract_strided_slice %dot_general3A_5 {offsets = [56, 0], sizes = [8, 4096], strides = [1, 1]} : vector<128x4096xf32> to vector<8x4096xf32>
    %slice3A_206 = vector.extract_strided_slice %get3A_13 {offsets = [29, 0], sizes = [1, 4096], strides = [1, 1]} : vector<32x4096xf32> to vector<1x4096xf32>
    %mul3A_207 = vector.broadcast %slice3A_206 : vector<1x4096xf32> to vector<8x4096xf32>
    %mul3A_208 = arith.mulf %slice3A_205, %mul3A_207 : vector<8x4096xf32>
    %add3A_209 = arith.addf %add3A_204, %mul3A_208 : vector<8x4096xf32>
    %slice3A_210 = vector.extract_strided_slice %dot_general3A_5 {offsets = [64, 0], sizes = [8, 4096], strides = [1, 1]} : vector<128x4096xf32> to vector<8x4096xf32>
    %slice3A_211 = vector.extract_strided_slice %get3A_16 {offsets = [1, 0], sizes = [1, 4096], strides = [1, 1]} : vector<32x4096xf32> to vector<1x4096xf32>
    %mul3A_212 = vector.broadcast %slice3A_211 : vector<1x4096xf32> to vector<8x4096xf32>
    %mul3A_213 = arith.mulf %slice3A_210, %mul3A_212 : vector<8x4096xf32>
    %add3A_214 = arith.addf %add3A_209, %mul3A_213 : vector<8x4096xf32>
    %slice3A_215 = vector.extract_strided_slice %dot_general3A_5 {offsets = [72, 0], sizes = [8, 4096], strides = [1, 1]} : vector<128x4096xf32> to vector<8x4096xf32>
    %slice3A_216 = vector.extract_strided_slice %get3A_16 {offsets = [5, 0], sizes = [1, 4096], strides = [1, 1]} : vector<32x4096xf32> to vector<1x4096xf32>
    %mul3A_217 = vector.broadcast %slice3A_216 : vector<1x4096xf32> to vector<8x4096xf32>
    %mul3A_218 = arith.mulf %slice3A_215, %mul3A_217 : vector<8x4096xf32>
    %add3A_219 = arith.addf %add3A_214, %mul3A_218 : vector<8x4096xf32>
    %slice3A_220 = vector.extract_strided_slice %dot_general3A_5 {offsets = [80, 0], sizes = [8, 4096], strides = [1, 1]} : vector<128x4096xf32> to vector<8x4096xf32>
    %slice3A_221 = vector.extract_strided_slice %get3A_16 {offsets = [9, 0], sizes = [1, 4096], strides = [1, 1]} : vector<32x4096xf32> to vector<1x4096xf32>
    %mul3A_222 = vector.broadcast %slice3A_221 : vector<1x4096xf32> to vector<8x4096xf32>
    %mul3A_223 = arith.mulf %slice3A_220, %mul3A_222 : vector<8x4096xf32>
    %add3A_224 = arith.addf %add3A_219, %mul3A_223 : vector<8x4096xf32>
    %slice3A_225 = vector.extract_strided_slice %dot_general3A_5 {offsets = [88, 0], sizes = [8, 4096], strides = [1, 1]} : vector<128x4096xf32> to vector<8x4096xf32>
    %slice3A_226 = vector.extract_strided_slice %get3A_16 {offsets = [13, 0], sizes = [1, 4096], strides = [1, 1]} : vector<32x4096xf32> to vector<1x4096xf32>
    %mul3A_227 = vector.broadcast %slice3A_226 : vector<1x4096xf32> to vector<8x4096xf32>
    %mul3A_228 = arith.mulf %slice3A_225, %mul3A_227 : vector<8x4096xf32>
    %add3A_229 = arith.addf %add3A_224, %mul3A_228 : vector<8x4096xf32>
    %slice3A_230 = vector.extract_strided_slice %dot_general3A_5 {offsets = [96, 0], sizes = [8, 4096], strides = [1, 1]} : vector<128x4096xf32> to vector<8x4096xf32>
    %slice3A_231 = vector.extract_strided_slice %get3A_16 {offsets = [17, 0], sizes = [1, 4096], strides = [1, 1]} : vector<32x4096xf32> to vector<1x4096xf32>
    %mul3A_232 = vector.broadcast %slice3A_231 : vector<1x4096xf32> to vector<8x4096xf32>
    %mul3A_233 = arith.mulf %slice3A_230, %mul3A_232 : vector<8x4096xf32>
    %add3A_234 = arith.addf %add3A_229, %mul3A_233 : vector<8x4096xf32>
    %slice3A_235 = vector.extract_strided_slice %dot_general3A_5 {offsets = [104, 0], sizes = [8, 4096], strides = [1, 1]} : vector<128x4096xf32> to vector<8x4096xf32>
    %slice3A_236 = vector.extract_strided_slice %get3A_16 {offsets = [21, 0], sizes = [1, 4096], strides = [1, 1]} : vector<32x4096xf32> to vector<1x4096xf32>
    %mul3A_237 = vector.broadcast %slice3A_236 : vector<1x4096xf32> to vector<8x4096xf32>
    %mul3A_238 = arith.mulf %slice3A_235, %mul3A_237 : vector<8x4096xf32>
    %add3A_239 = arith.addf %add3A_234, %mul3A_238 : vector<8x4096xf32>
    %slice3A_240 = vector.extract_strided_slice %dot_general3A_5 {offsets = [112, 0], sizes = [8, 4096], strides = [1, 1]} : vector<128x4096xf32> to vector<8x4096xf32>
    %slice3A_241 = vector.extract_strided_slice %get3A_16 {offsets = [25, 0], sizes = [1, 4096], strides = [1, 1]} : vector<32x4096xf32> to vector<1x4096xf32>
    %mul3A_242 = vector.broadcast %slice3A_241 : vector<1x4096xf32> to vector<8x4096xf32>
    %mul3A_243 = arith.mulf %slice3A_240, %mul3A_242 : vector<8x4096xf32>
    %add3A_244 = arith.addf %add3A_239, %mul3A_243 : vector<8x4096xf32>
    %slice3A_245 = vector.extract_strided_slice %dot_general3A_5 {offsets = [120, 0], sizes = [8, 4096], strides = [1, 1]} : vector<128x4096xf32> to vector<8x4096xf32>
    %slice3A_246 = vector.extract_strided_slice %get3A_16 {offsets = [29, 0], sizes = [1, 4096], strides = [1, 1]} : vector<32x4096xf32> to vector<1x4096xf32>
    %mul3A_247 = vector.broadcast %slice3A_246 : vector<1x4096xf32> to vector<8x4096xf32>
    %mul3A_248 = arith.mulf %slice3A_245, %mul3A_247 : vector<8x4096xf32>
    %add3A_249 = arith.addf %add3A_244, %mul3A_248 : vector<8x4096xf32>
    %slice3A_250 = vector.extract_strided_slice %dot_general3A_10 {offsets = [0, 0], sizes = [8, 4096], strides = [1, 1]} : vector<128x4096xf32> to vector<8x4096xf32>
    %slice3A_251 = vector.extract_strided_slice %add3A_249 {offsets = [0, 0], sizes = [1, 4096], strides = [1, 1]} : vector<8x4096xf32> to vector<1x4096xf32>
    %mul3A_252 = vector.broadcast %slice3A_251 : vector<1x4096xf32> to vector<8x4096xf32>
    %mul3A_253 = arith.mulf %slice3A_250, %mul3A_252 : vector<8x4096xf32>
    %slice3A_254 = vector.extract_strided_slice %dot_general3A_10 {offsets = [8, 0], sizes = [8, 4096], strides = [1, 1]} : vector<128x4096xf32> to vector<8x4096xf32>
    %slice3A_255 = vector.extract_strided_slice %add3A_249 {offsets = [0, 0], sizes = [1, 4096], strides = [1, 1]} : vector<8x4096xf32> to vector<1x4096xf32>
    %mul3A_256 = vector.broadcast %slice3A_255 : vector<1x4096xf32> to vector<8x4096xf32>
    %mul3A_257 = arith.mulf %slice3A_254, %mul3A_256 : vector<8x4096xf32>
    %slice3A_258 = vector.extract_strided_slice %dot_general3A_10 {offsets = [16, 0], sizes = [8, 4096], strides = [1, 1]} : vector<128x4096xf32> to vector<8x4096xf32>
    %slice3A_259 = vector.extract_strided_slice %add3A_249 {offsets = [1, 0], sizes = [1, 4096], strides = [1, 1]} : vector<8x4096xf32> to vector<1x4096xf32>
    %mul3A_260 = vector.broadcast %slice3A_259 : vector<1x4096xf32> to vector<8x4096xf32>
    %mul3A_261 = arith.mulf %slice3A_258, %mul3A_260 : vector<8x4096xf32>
    %add3A_262 = arith.addf %mul3A_253, %mul3A_261 : vector<8x4096xf32>
    %slice3A_263 = vector.extract_strided_slice %dot_general3A_10 {offsets = [24, 0], sizes = [8, 4096], strides = [1, 1]} : vector<128x4096xf32> to vector<8x4096xf32>
    %slice3A_264 = vector.extract_strided_slice %add3A_249 {offsets = [1, 0], sizes = [1, 4096], strides = [1, 1]} : vector<8x4096xf32> to vector<1x4096xf32>
    %mul3A_265 = vector.broadcast %slice3A_264 : vector<1x4096xf32> to vector<8x4096xf32>
    %mul3A_266 = arith.mulf %slice3A_263, %mul3A_265 : vector<8x4096xf32>
    %add3A_267 = arith.addf %mul3A_257, %mul3A_266 : vector<8x4096xf32>
    %slice3A_268 = vector.extract_strided_slice %dot_general3A_10 {offsets = [32, 0], sizes = [8, 4096], strides = [1, 1]} : vector<128x4096xf32> to vector<8x4096xf32>
    %slice3A_269 = vector.extract_strided_slice %add3A_249 {offsets = [2, 0], sizes = [1, 4096], strides = [1, 1]} : vector<8x4096xf32> to vector<1x4096xf32>
    %mul3A_270 = vector.broadcast %slice3A_269 : vector<1x4096xf32> to vector<8x4096xf32>
    %mul3A_271 = arith.mulf %slice3A_268, %mul3A_270 : vector<8x4096xf32>
    %add3A_272 = arith.addf %add3A_262, %mul3A_271 : vector<8x4096xf32>
    %slice3A_273 = vector.extract_strided_slice %dot_general3A_10 {offsets = [40, 0], sizes = [8, 4096], strides = [1, 1]} : vector<128x4096xf32> to vector<8x4096xf32>
    %slice3A_274 = vector.extract_strided_slice %add3A_249 {offsets = [2, 0], sizes = [1, 4096], strides = [1, 1]} : vector<8x4096xf32> to vector<1x4096xf32>
    %mul3A_275 = vector.broadcast %slice3A_274 : vector<1x4096xf32> to vector<8x4096xf32>
    %mul3A_276 = arith.mulf %slice3A_273, %mul3A_275 : vector<8x4096xf32>
    %add3A_277 = arith.addf %add3A_267, %mul3A_276 : vector<8x4096xf32>
    %slice3A_278 = vector.extract_strided_slice %dot_general3A_10 {offsets = [48, 0], sizes = [8, 4096], strides = [1, 1]} : vector<128x4096xf32> to vector<8x4096xf32>
    %slice3A_279 = vector.extract_strided_slice %add3A_249 {offsets = [3, 0], sizes = [1, 4096], strides = [1, 1]} : vector<8x4096xf32> to vector<1x4096xf32>
    %mul3A_280 = vector.broadcast %slice3A_279 : vector<1x4096xf32> to vector<8x4096xf32>
    %mul3A_281 = arith.mulf %slice3A_278, %mul3A_280 : vector<8x4096xf32>
    %add3A_282 = arith.addf %add3A_272, %mul3A_281 : vector<8x4096xf32>
    %slice3A_283 = vector.extract_strided_slice %dot_general3A_10 {offsets = [56, 0], sizes = [8, 4096], strides = [1, 1]} : vector<128x4096xf32> to vector<8x4096xf32>
    %slice3A_284 = vector.extract_strided_slice %add3A_249 {offsets = [3, 0], sizes = [1, 4096], strides = [1, 1]} : vector<8x4096xf32> to vector<1x4096xf32>
    %mul3A_285 = vector.broadcast %slice3A_284 : vector<1x4096xf32> to vector<8x4096xf32>
    %mul3A_286 = arith.mulf %slice3A_283, %mul3A_285 : vector<8x4096xf32>
    %add3A_287 = arith.addf %add3A_277, %mul3A_286 : vector<8x4096xf32>
    %slice3A_288 = vector.extract_strided_slice %dot_general3A_10 {offsets = [64, 0], sizes = [8, 4096], strides = [1, 1]} : vector<128x4096xf32> to vector<8x4096xf32>
    %slice3A_289 = vector.extract_strided_slice %add3A_249 {offsets = [4, 0], sizes = [1, 4096], strides = [1, 1]} : vector<8x4096xf32> to vector<1x4096xf32>
    %mul3A_290 = vector.broadcast %slice3A_289 : vector<1x4096xf32> to vector<8x4096xf32>
    %mul3A_291 = arith.mulf %slice3A_288, %mul3A_290 : vector<8x4096xf32>
    %add3A_292 = arith.addf %add3A_282, %mul3A_291 : vector<8x4096xf32>
    %slice3A_293 = vector.extract_strided_slice %dot_general3A_10 {offsets = [72, 0], sizes = [8, 4096], strides = [1, 1]} : vector<128x4096xf32> to vector<8x4096xf32>
    %slice3A_294 = vector.extract_strided_slice %add3A_249 {offsets = [4, 0], sizes = [1, 4096], strides = [1, 1]} : vector<8x4096xf32> to vector<1x4096xf32>
    %mul3A_295 = vector.broadcast %slice3A_294 : vector<1x4096xf32> to vector<8x4096xf32>
    %mul3A_296 = arith.mulf %slice3A_293, %mul3A_295 : vector<8x4096xf32>
    %add3A_297 = arith.addf %add3A_287, %mul3A_296 : vector<8x4096xf32>
    %slice3A_298 = vector.extract_strided_slice %dot_general3A_10 {offsets = [80, 0], sizes = [8, 4096], strides = [1, 1]} : vector<128x4096xf32> to vector<8x4096xf32>
    %slice3A_299 = vector.extract_strided_slice %add3A_249 {offsets = [5, 0], sizes = [1, 4096], strides = [1, 1]} : vector<8x4096xf32> to vector<1x4096xf32>
    %mul3A_300 = vector.broadcast %slice3A_299 : vector<1x4096xf32> to vector<8x4096xf32>
    %mul3A_301 = arith.mulf %slice3A_298, %mul3A_300 : vector<8x4096xf32>
    %add3A_302 = arith.addf %add3A_292, %mul3A_301 : vector<8x4096xf32>
    %slice3A_303 = vector.extract_strided_slice %dot_general3A_10 {offsets = [88, 0], sizes = [8, 4096], strides = [1, 1]} : vector<128x4096xf32> to vector<8x4096xf32>
    %slice3A_304 = vector.extract_strided_slice %add3A_249 {offsets = [5, 0], sizes = [1, 4096], strides = [1, 1]} : vector<8x4096xf32> to vector<1x4096xf32>
    %mul3A_305 = vector.broadcast %slice3A_304 : vector<1x4096xf32> to vector<8x4096xf32>
    %mul3A_306 = arith.mulf %slice3A_303, %mul3A_305 : vector<8x4096xf32>
    %add3A_307 = arith.addf %add3A_297, %mul3A_306 : vector<8x4096xf32>
    %slice3A_308 = vector.extract_strided_slice %dot_general3A_10 {offsets = [96, 0], sizes = [8, 4096], strides = [1, 1]} : vector<128x4096xf32> to vector<8x4096xf32>
    %slice3A_309 = vector.extract_strided_slice %add3A_249 {offsets = [6, 0], sizes = [1, 4096], strides = [1, 1]} : vector<8x4096xf32> to vector<1x4096xf32>
    %mul3A_310 = vector.broadcast %slice3A_309 : vector<1x4096xf32> to vector<8x4096xf32>
    %mul3A_311 = arith.mulf %slice3A_308, %mul3A_310 : vector<8x4096xf32>
    %add3A_312 = arith.addf %add3A_302, %mul3A_311 : vector<8x4096xf32>
    %slice3A_313 = vector.extract_strided_slice %dot_general3A_10 {offsets = [104, 0], sizes = [8, 4096], strides = [1, 1]} : vector<128x4096xf32> to vector<8x4096xf32>
    %slice3A_314 = vector.extract_strided_slice %add3A_249 {offsets = [6, 0], sizes = [1, 4096], strides = [1, 1]} : vector<8x4096xf32> to vector<1x4096xf32>
    %mul3A_315 = vector.broadcast %slice3A_314 : vector<1x4096xf32> to vector<8x4096xf32>
    %mul3A_316 = arith.mulf %slice3A_313, %mul3A_315 : vector<8x4096xf32>
    %add3A_317 = arith.addf %add3A_307, %mul3A_316 : vector<8x4096xf32>
    %slice3A_318 = vector.extract_strided_slice %dot_general3A_10 {offsets = [112, 0], sizes = [8, 4096], strides = [1, 1]} : vector<128x4096xf32> to vector<8x4096xf32>
    %slice3A_319 = vector.extract_strided_slice %add3A_249 {offsets = [7, 0], sizes = [1, 4096], strides = [1, 1]} : vector<8x4096xf32> to vector<1x4096xf32>
    %mul3A_320 = vector.broadcast %slice3A_319 : vector<1x4096xf32> to vector<8x4096xf32>
    %mul3A_321 = arith.mulf %slice3A_318, %mul3A_320 : vector<8x4096xf32>
    %add3A_322 = arith.addf %add3A_312, %mul3A_321 : vector<8x4096xf32>
    %slice3A_323 = vector.extract_strided_slice %dot_general3A_10 {offsets = [120, 0], sizes = [8, 4096], strides = [1, 1]} : vector<128x4096xf32> to vector<8x4096xf32>
    %slice3A_324 = vector.extract_strided_slice %add3A_249 {offsets = [7, 0], sizes = [1, 4096], strides = [1, 1]} : vector<8x4096xf32> to vector<1x4096xf32>
    %mul3A_325 = vector.broadcast %slice3A_324 : vector<1x4096xf32> to vector<8x4096xf32>
    %mul3A_326 = arith.mulf %slice3A_323, %mul3A_325 : vector<8x4096xf32>
    %add3A_327 = arith.addf %add3A_317, %mul3A_326 : vector<8x4096xf32>
    %slice3A_328 = vector.extract_strided_slice %dot_general3A_5 {offsets = [0, 0], sizes = [8, 4096], strides = [1, 1]} : vector<128x4096xf32> to vector<8x4096xf32>
    %slice3A_329 = vector.extract_strided_slice %get3A_13 {offsets = [2, 0], sizes = [1, 4096], strides = [1, 1]} : vector<32x4096xf32> to vector<1x4096xf32>
    %mul3A_330 = vector.broadcast %slice3A_329 : vector<1x4096xf32> to vector<8x4096xf32>
    %mul3A_331 = arith.mulf %slice3A_328, %mul3A_330 : vector<8x4096xf32>
    %slice3A_332 = vector.extract_strided_slice %dot_general3A_5 {offsets = [8, 0], sizes = [8, 4096], strides = [1, 1]} : vector<128x4096xf32> to vector<8x4096xf32>
    %slice3A_333 = vector.extract_strided_slice %get3A_13 {offsets = [6, 0], sizes = [1, 4096], strides = [1, 1]} : vector<32x4096xf32> to vector<1x4096xf32>
    %mul3A_334 = vector.broadcast %slice3A_333 : vector<1x4096xf32> to vector<8x4096xf32>
    %mul3A_335 = arith.mulf %slice3A_332, %mul3A_334 : vector<8x4096xf32>
    %add3A_336 = arith.addf %mul3A_331, %mul3A_335 : vector<8x4096xf32>
    %slice3A_337 = vector.extract_strided_slice %dot_general3A_5 {offsets = [16, 0], sizes = [8, 4096], strides = [1, 1]} : vector<128x4096xf32> to vector<8x4096xf32>
    %slice3A_338 = vector.extract_strided_slice %get3A_13 {offsets = [10, 0], sizes = [1, 4096], strides = [1, 1]} : vector<32x4096xf32> to vector<1x4096xf32>
    %mul3A_339 = vector.broadcast %slice3A_338 : vector<1x4096xf32> to vector<8x4096xf32>
    %mul3A_340 = arith.mulf %slice3A_337, %mul3A_339 : vector<8x4096xf32>
    %add3A_341 = arith.addf %add3A_336, %mul3A_340 : vector<8x4096xf32>
    %slice3A_342 = vector.extract_strided_slice %dot_general3A_5 {offsets = [24, 0], sizes = [8, 4096], strides = [1, 1]} : vector<128x4096xf32> to vector<8x4096xf32>
    %slice3A_343 = vector.extract_strided_slice %get3A_13 {offsets = [14, 0], sizes = [1, 4096], strides = [1, 1]} : vector<32x4096xf32> to vector<1x4096xf32>
    %mul3A_344 = vector.broadcast %slice3A_343 : vector<1x4096xf32> to vector<8x4096xf32>
    %mul3A_345 = arith.mulf %slice3A_342, %mul3A_344 : vector<8x4096xf32>
    %add3A_346 = arith.addf %add3A_341, %mul3A_345 : vector<8x4096xf32>
    %slice3A_347 = vector.extract_strided_slice %dot_general3A_5 {offsets = [32, 0], sizes = [8, 4096], strides = [1, 1]} : vector<128x4096xf32> to vector<8x4096xf32>
    %slice3A_348 = vector.extract_strided_slice %get3A_13 {offsets = [18, 0], sizes = [1, 4096], strides = [1, 1]} : vector<32x4096xf32> to vector<1x4096xf32>
    %mul3A_349 = vector.broadcast %slice3A_348 : vector<1x4096xf32> to vector<8x4096xf32>
    %mul3A_350 = arith.mulf %slice3A_347, %mul3A_349 : vector<8x4096xf32>
    %add3A_351 = arith.addf %add3A_346, %mul3A_350 : vector<8x4096xf32>
    %slice3A_352 = vector.extract_strided_slice %dot_general3A_5 {offsets = [40, 0], sizes = [8, 4096], strides = [1, 1]} : vector<128x4096xf32> to vector<8x4096xf32>
    %slice3A_353 = vector.extract_strided_slice %get3A_13 {offsets = [22, 0], sizes = [1, 4096], strides = [1, 1]} : vector<32x4096xf32> to vector<1x4096xf32>
    %mul3A_354 = vector.broadcast %slice3A_353 : vector<1x4096xf32> to vector<8x4096xf32>
    %mul3A_355 = arith.mulf %slice3A_352, %mul3A_354 : vector<8x4096xf32>
    %add3A_356 = arith.addf %add3A_351, %mul3A_355 : vector<8x4096xf32>
    %slice3A_357 = vector.extract_strided_slice %dot_general3A_5 {offsets = [48, 0], sizes = [8, 4096], strides = [1, 1]} : vector<128x4096xf32> to vector<8x4096xf32>
    %slice3A_358 = vector.extract_strided_slice %get3A_13 {offsets = [26, 0], sizes = [1, 4096], strides = [1, 1]} : vector<32x4096xf32> to vector<1x4096xf32>
    %mul3A_359 = vector.broadcast %slice3A_358 : vector<1x4096xf32> to vector<8x4096xf32>
    %mul3A_360 = arith.mulf %slice3A_357, %mul3A_359 : vector<8x4096xf32>
    %add3A_361 = arith.addf %add3A_356, %mul3A_360 : vector<8x4096xf32>
    %slice3A_362 = vector.extract_strided_slice %dot_general3A_5 {offsets = [56, 0], sizes = [8, 4096], strides = [1, 1]} : vector<128x4096xf32> to vector<8x4096xf32>
    %slice3A_363 = vector.extract_strided_slice %get3A_13 {offsets = [30, 0], sizes = [1, 4096], strides = [1, 1]} : vector<32x4096xf32> to vector<1x4096xf32>
    %mul3A_364 = vector.broadcast %slice3A_363 : vector<1x4096xf32> to vector<8x4096xf32>
    %mul3A_365 = arith.mulf %slice3A_362, %mul3A_364 : vector<8x4096xf32>
    %add3A_366 = arith.addf %add3A_361, %mul3A_365 : vector<8x4096xf32>
    %slice3A_367 = vector.extract_strided_slice %dot_general3A_5 {offsets = [64, 0], sizes = [8, 4096], strides = [1, 1]} : vector<128x4096xf32> to vector<8x4096xf32>
    %slice3A_368 = vector.extract_strided_slice %get3A_16 {offsets = [2, 0], sizes = [1, 4096], strides = [1, 1]} : vector<32x4096xf32> to vector<1x4096xf32>
    %mul3A_369 = vector.broadcast %slice3A_368 : vector<1x4096xf32> to vector<8x4096xf32>
    %mul3A_370 = arith.mulf %slice3A_367, %mul3A_369 : vector<8x4096xf32>
    %add3A_371 = arith.addf %add3A_366, %mul3A_370 : vector<8x4096xf32>
    %slice3A_372 = vector.extract_strided_slice %dot_general3A_5 {offsets = [72, 0], sizes = [8, 4096], strides = [1, 1]} : vector<128x4096xf32> to vector<8x4096xf32>
    %slice3A_373 = vector.extract_strided_slice %get3A_16 {offsets = [6, 0], sizes = [1, 4096], strides = [1, 1]} : vector<32x4096xf32> to vector<1x4096xf32>
    %mul3A_374 = vector.broadcast %slice3A_373 : vector<1x4096xf32> to vector<8x4096xf32>
    %mul3A_375 = arith.mulf %slice3A_372, %mul3A_374 : vector<8x4096xf32>
    %add3A_376 = arith.addf %add3A_371, %mul3A_375 : vector<8x4096xf32>
    %slice3A_377 = vector.extract_strided_slice %dot_general3A_5 {offsets = [80, 0], sizes = [8, 4096], strides = [1, 1]} : vector<128x4096xf32> to vector<8x4096xf32>
    %slice3A_378 = vector.extract_strided_slice %get3A_16 {offsets = [10, 0], sizes = [1, 4096], strides = [1, 1]} : vector<32x4096xf32> to vector<1x4096xf32>
    %mul3A_379 = vector.broadcast %slice3A_378 : vector<1x4096xf32> to vector<8x4096xf32>
    %mul3A_380 = arith.mulf %slice3A_377, %mul3A_379 : vector<8x4096xf32>
    %add3A_381 = arith.addf %add3A_376, %mul3A_380 : vector<8x4096xf32>
    %slice3A_382 = vector.extract_strided_slice %dot_general3A_5 {offsets = [88, 0], sizes = [8, 4096], strides = [1, 1]} : vector<128x4096xf32> to vector<8x4096xf32>
    %slice3A_383 = vector.extract_strided_slice %get3A_16 {offsets = [14, 0], sizes = [1, 4096], strides = [1, 1]} : vector<32x4096xf32> to vector<1x4096xf32>
    %mul3A_384 = vector.broadcast %slice3A_383 : vector<1x4096xf32> to vector<8x4096xf32>
    %mul3A_385 = arith.mulf %slice3A_382, %mul3A_384 : vector<8x4096xf32>
    %add3A_386 = arith.addf %add3A_381, %mul3A_385 : vector<8x4096xf32>
    %slice3A_387 = vector.extract_strided_slice %dot_general3A_5 {offsets = [96, 0], sizes = [8, 4096], strides = [1, 1]} : vector<128x4096xf32> to vector<8x4096xf32>
    %slice3A_388 = vector.extract_strided_slice %get3A_16 {offsets = [18, 0], sizes = [1, 4096], strides = [1, 1]} : vector<32x4096xf32> to vector<1x4096xf32>
    %mul3A_389 = vector.broadcast %slice3A_388 : vector<1x4096xf32> to vector<8x4096xf32>
    %mul3A_390 = arith.mulf %slice3A_387, %mul3A_389 : vector<8x4096xf32>
    %add3A_391 = arith.addf %add3A_386, %mul3A_390 : vector<8x4096xf32>
    %slice3A_392 = vector.extract_strided_slice %dot_general3A_5 {offsets = [104, 0], sizes = [8, 4096], strides = [1, 1]} : vector<128x4096xf32> to vector<8x4096xf32>
    %slice3A_393 = vector.extract_strided_slice %get3A_16 {offsets = [22, 0], sizes = [1, 4096], strides = [1, 1]} : vector<32x4096xf32> to vector<1x4096xf32>
    %mul3A_394 = vector.broadcast %slice3A_393 : vector<1x4096xf32> to vector<8x4096xf32>
    %mul3A_395 = arith.mulf %slice3A_392, %mul3A_394 : vector<8x4096xf32>
    %add3A_396 = arith.addf %add3A_391, %mul3A_395 : vector<8x4096xf32>
    %slice3A_397 = vector.extract_strided_slice %dot_general3A_5 {offsets = [112, 0], sizes = [8, 4096], strides = [1, 1]} : vector<128x4096xf32> to vector<8x4096xf32>
    %slice3A_398 = vector.extract_strided_slice %get3A_16 {offsets = [26, 0], sizes = [1, 4096], strides = [1, 1]} : vector<32x4096xf32> to vector<1x4096xf32>
    %mul3A_399 = vector.broadcast %slice3A_398 : vector<1x4096xf32> to vector<8x4096xf32>
    %mul3A_400 = arith.mulf %slice3A_397, %mul3A_399 : vector<8x4096xf32>
    %add3A_401 = arith.addf %add3A_396, %mul3A_400 : vector<8x4096xf32>
    %slice3A_402 = vector.extract_strided_slice %dot_general3A_5 {offsets = [120, 0], sizes = [8, 4096], strides = [1, 1]} : vector<128x4096xf32> to vector<8x4096xf32>
    %slice3A_403 = vector.extract_strided_slice %get3A_16 {offsets = [30, 0], sizes = [1, 4096], strides = [1, 1]} : vector<32x4096xf32> to vector<1x4096xf32>
    %mul3A_404 = vector.broadcast %slice3A_403 : vector<1x4096xf32> to vector<8x4096xf32>
    %mul3A_405 = arith.mulf %slice3A_402, %mul3A_404 : vector<8x4096xf32>
    %add3A_406 = arith.addf %add3A_401, %mul3A_405 : vector<8x4096xf32>
    %slice3A_407 = vector.extract_strided_slice %dot_general3A_10 {offsets = [0, 0], sizes = [8, 4096], strides = [1, 1]} : vector<128x4096xf32> to vector<8x4096xf32>
    %slice3A_408 = vector.extract_strided_slice %add3A_406 {offsets = [0, 0], sizes = [1, 4096], strides = [1, 1]} : vector<8x4096xf32> to vector<1x4096xf32>
    %mul3A_409 = vector.broadcast %slice3A_408 : vector<1x4096xf32> to vector<8x4096xf32>
    %mul3A_410 = arith.mulf %slice3A_407, %mul3A_409 : vector<8x4096xf32>
    %slice3A_411 = vector.extract_strided_slice %dot_general3A_10 {offsets = [8, 0], sizes = [8, 4096], strides = [1, 1]} : vector<128x4096xf32> to vector<8x4096xf32>
    %slice3A_412 = vector.extract_strided_slice %add3A_406 {offsets = [0, 0], sizes = [1, 4096], strides = [1, 1]} : vector<8x4096xf32> to vector<1x4096xf32>
    %mul3A_413 = vector.broadcast %slice3A_412 : vector<1x4096xf32> to vector<8x4096xf32>
    %mul3A_414 = arith.mulf %slice3A_411, %mul3A_413 : vector<8x4096xf32>
    %slice3A_415 = vector.extract_strided_slice %dot_general3A_10 {offsets = [16, 0], sizes = [8, 4096], strides = [1, 1]} : vector<128x4096xf32> to vector<8x4096xf32>
    %slice3A_416 = vector.extract_strided_slice %add3A_406 {offsets = [1, 0], sizes = [1, 4096], strides = [1, 1]} : vector<8x4096xf32> to vector<1x4096xf32>
    %mul3A_417 = vector.broadcast %slice3A_416 : vector<1x4096xf32> to vector<8x4096xf32>
    %mul3A_418 = arith.mulf %slice3A_415, %mul3A_417 : vector<8x4096xf32>
    %add3A_419 = arith.addf %mul3A_410, %mul3A_418 : vector<8x4096xf32>
    %slice3A_420 = vector.extract_strided_slice %dot_general3A_10 {offsets = [24, 0], sizes = [8, 4096], strides = [1, 1]} : vector<128x4096xf32> to vector<8x4096xf32>
    %slice3A_421 = vector.extract_strided_slice %add3A_406 {offsets = [1, 0], sizes = [1, 4096], strides = [1, 1]} : vector<8x4096xf32> to vector<1x4096xf32>
    %mul3A_422 = vector.broadcast %slice3A_421 : vector<1x4096xf32> to vector<8x4096xf32>
    %mul3A_423 = arith.mulf %slice3A_420, %mul3A_422 : vector<8x4096xf32>
    %add3A_424 = arith.addf %mul3A_414, %mul3A_423 : vector<8x4096xf32>
    %slice3A_425 = vector.extract_strided_slice %dot_general3A_10 {offsets = [32, 0], sizes = [8, 4096], strides = [1, 1]} : vector<128x4096xf32> to vector<8x4096xf32>
    %slice3A_426 = vector.extract_strided_slice %add3A_406 {offsets = [2, 0], sizes = [1, 4096], strides = [1, 1]} : vector<8x4096xf32> to vector<1x4096xf32>
    %mul3A_427 = vector.broadcast %slice3A_426 : vector<1x4096xf32> to vector<8x4096xf32>
    %mul3A_428 = arith.mulf %slice3A_425, %mul3A_427 : vector<8x4096xf32>
    %add3A_429 = arith.addf %add3A_419, %mul3A_428 : vector<8x4096xf32>
    %slice3A_430 = vector.extract_strided_slice %dot_general3A_10 {offsets = [40, 0], sizes = [8, 4096], strides = [1, 1]} : vector<128x4096xf32> to vector<8x4096xf32>
    %slice3A_431 = vector.extract_strided_slice %add3A_406 {offsets = [2, 0], sizes = [1, 4096], strides = [1, 1]} : vector<8x4096xf32> to vector<1x4096xf32>
    %mul3A_432 = vector.broadcast %slice3A_431 : vector<1x4096xf32> to vector<8x4096xf32>
    %mul3A_433 = arith.mulf %slice3A_430, %mul3A_432 : vector<8x4096xf32>
    %add3A_434 = arith.addf %add3A_424, %mul3A_433 : vector<8x4096xf32>
    %slice3A_435 = vector.extract_strided_slice %dot_general3A_10 {offsets = [48, 0], sizes = [8, 4096], strides = [1, 1]} : vector<128x4096xf32> to vector<8x4096xf32>
    %slice3A_436 = vector.extract_strided_slice %add3A_406 {offsets = [3, 0], sizes = [1, 4096], strides = [1, 1]} : vector<8x4096xf32> to vector<1x4096xf32>
    %mul3A_437 = vector.broadcast %slice3A_436 : vector<1x4096xf32> to vector<8x4096xf32>
    %mul3A_438 = arith.mulf %slice3A_435, %mul3A_437 : vector<8x4096xf32>
    %add3A_439 = arith.addf %add3A_429, %mul3A_438 : vector<8x4096xf32>
    %slice3A_440 = vector.extract_strided_slice %dot_general3A_10 {offsets = [56, 0], sizes = [8, 4096], strides = [1, 1]} : vector<128x4096xf32> to vector<8x4096xf32>
    %slice3A_441 = vector.extract_strided_slice %add3A_406 {offsets = [3, 0], sizes = [1, 4096], strides = [1, 1]} : vector<8x4096xf32> to vector<1x4096xf32>
    %mul3A_442 = vector.broadcast %slice3A_441 : vector<1x4096xf32> to vector<8x4096xf32>
    %mul3A_443 = arith.mulf %slice3A_440, %mul3A_442 : vector<8x4096xf32>
    %add3A_444 = arith.addf %add3A_434, %mul3A_443 : vector<8x4096xf32>
    %slice3A_445 = vector.extract_strided_slice %dot_general3A_10 {offsets = [64, 0], sizes = [8, 4096], strides = [1, 1]} : vector<128x4096xf32> to vector<8x4096xf32>
    %slice3A_446 = vector.extract_strided_slice %add3A_406 {offsets = [4, 0], sizes = [1, 4096], strides = [1, 1]} : vector<8x4096xf32> to vector<1x4096xf32>
    %mul3A_447 = vector.broadcast %slice3A_446 : vector<1x4096xf32> to vector<8x4096xf32>
    %mul3A_448 = arith.mulf %slice3A_445, %mul3A_447 : vector<8x4096xf32>
    %add3A_449 = arith.addf %add3A_439, %mul3A_448 : vector<8x4096xf32>
    %slice3A_450 = vector.extract_strided_slice %dot_general3A_10 {offsets = [72, 0], sizes = [8, 4096], strides = [1, 1]} : vector<128x4096xf32> to vector<8x4096xf32>
    %slice3A_451 = vector.extract_strided_slice %add3A_406 {offsets = [4, 0], sizes = [1, 4096], strides = [1, 1]} : vector<8x4096xf32> to vector<1x4096xf32>
    %mul3A_452 = vector.broadcast %slice3A_451 : vector<1x4096xf32> to vector<8x4096xf32>
    %mul3A_453 = arith.mulf %slice3A_450, %mul3A_452 : vector<8x4096xf32>
    %add3A_454 = arith.addf %add3A_444, %mul3A_453 : vector<8x4096xf32>
    %slice3A_455 = vector.extract_strided_slice %dot_general3A_10 {offsets = [80, 0], sizes = [8, 4096], strides = [1, 1]} : vector<128x4096xf32> to vector<8x4096xf32>
    %slice3A_456 = vector.extract_strided_slice %add3A_406 {offsets = [5, 0], sizes = [1, 4096], strides = [1, 1]} : vector<8x4096xf32> to vector<1x4096xf32>
    %mul3A_457 = vector.broadcast %slice3A_456 : vector<1x4096xf32> to vector<8x4096xf32>
    %mul3A_458 = arith.mulf %slice3A_455, %mul3A_457 : vector<8x4096xf32>
    %add3A_459 = arith.addf %add3A_449, %mul3A_458 : vector<8x4096xf32>
    %slice3A_460 = vector.extract_strided_slice %dot_general3A_10 {offsets = [88, 0], sizes = [8, 4096], strides = [1, 1]} : vector<128x4096xf32> to vector<8x4096xf32>
    %slice3A_461 = vector.extract_strided_slice %add3A_406 {offsets = [5, 0], sizes = [1, 4096], strides = [1, 1]} : vector<8x4096xf32> to vector<1x4096xf32>
    %mul3A_462 = vector.broadcast %slice3A_461 : vector<1x4096xf32> to vector<8x4096xf32>
    %mul3A_463 = arith.mulf %slice3A_460, %mul3A_462 : vector<8x4096xf32>
    %add3A_464 = arith.addf %add3A_454, %mul3A_463 : vector<8x4096xf32>
    %slice3A_465 = vector.extract_strided_slice %dot_general3A_10 {offsets = [96, 0], sizes = [8, 4096], strides = [1, 1]} : vector<128x4096xf32> to vector<8x4096xf32>
    %slice3A_466 = vector.extract_strided_slice %add3A_406 {offsets = [6, 0], sizes = [1, 4096], strides = [1, 1]} : vector<8x4096xf32> to vector<1x4096xf32>
    %mul3A_467 = vector.broadcast %slice3A_466 : vector<1x4096xf32> to vector<8x4096xf32>
    %mul3A_468 = arith.mulf %slice3A_465, %mul3A_467 : vector<8x4096xf32>
    %add3A_469 = arith.addf %add3A_459, %mul3A_468 : vector<8x4096xf32>
    %slice3A_470 = vector.extract_strided_slice %dot_general3A_10 {offsets = [104, 0], sizes = [8, 4096], strides = [1, 1]} : vector<128x4096xf32> to vector<8x4096xf32>
    %slice3A_471 = vector.extract_strided_slice %add3A_406 {offsets = [6, 0], sizes = [1, 4096], strides = [1, 1]} : vector<8x4096xf32> to vector<1x4096xf32>
    %mul3A_472 = vector.broadcast %slice3A_471 : vector<1x4096xf32> to vector<8x4096xf32>
    %mul3A_473 = arith.mulf %slice3A_470, %mul3A_472 : vector<8x4096xf32>
    %add3A_474 = arith.addf %add3A_464, %mul3A_473 : vector<8x4096xf32>
    %slice3A_475 = vector.extract_strided_slice %dot_general3A_10 {offsets = [112, 0], sizes = [8, 4096], strides = [1, 1]} : vector<128x4096xf32> to vector<8x4096xf32>
    %slice3A_476 = vector.extract_strided_slice %add3A_406 {offsets = [7, 0], sizes = [1, 4096], strides = [1, 1]} : vector<8x4096xf32> to vector<1x4096xf32>
    %mul3A_477 = vector.broadcast %slice3A_476 : vector<1x4096xf32> to vector<8x4096xf32>
    %mul3A_478 = arith.mulf %slice3A_475, %mul3A_477 : vector<8x4096xf32>
    %add3A_479 = arith.addf %add3A_469, %mul3A_478 : vector<8x4096xf32>
    %slice3A_480 = vector.extract_strided_slice %dot_general3A_10 {offsets = [120, 0], sizes = [8, 4096], strides = [1, 1]} : vector<128x4096xf32> to vector<8x4096xf32>
    %slice3A_481 = vector.extract_strided_slice %add3A_406 {offsets = [7, 0], sizes = [1, 4096], strides = [1, 1]} : vector<8x4096xf32> to vector<1x4096xf32>
    %mul3A_482 = vector.broadcast %slice3A_481 : vector<1x4096xf32> to vector<8x4096xf32>
    %mul3A_483 = arith.mulf %slice3A_480, %mul3A_482 : vector<8x4096xf32>
    %add3A_484 = arith.addf %add3A_474, %mul3A_483 : vector<8x4096xf32>
    %slice3A_485 = vector.extract_strided_slice %dot_general3A_5 {offsets = [0, 0], sizes = [8, 4096], strides = [1, 1]} : vector<128x4096xf32> to vector<8x4096xf32>
    %slice3A_486 = vector.extract_strided_slice %get3A_13 {offsets = [3, 0], sizes = [1, 4096], strides = [1, 1]} : vector<32x4096xf32> to vector<1x4096xf32>
    %mul3A_487 = vector.broadcast %slice3A_486 : vector<1x4096xf32> to vector<8x4096xf32>
    %mul3A_488 = arith.mulf %slice3A_485, %mul3A_487 : vector<8x4096xf32>
    %slice3A_489 = vector.extract_strided_slice %dot_general3A_5 {offsets = [8, 0], sizes = [8, 4096], strides = [1, 1]} : vector<128x4096xf32> to vector<8x4096xf32>
    %slice3A_490 = vector.extract_strided_slice %get3A_13 {offsets = [7, 0], sizes = [1, 4096], strides = [1, 1]} : vector<32x4096xf32> to vector<1x4096xf32>
    %mul3A_491 = vector.broadcast %slice3A_490 : vector<1x4096xf32> to vector<8x4096xf32>
    %mul3A_492 = arith.mulf %slice3A_489, %mul3A_491 : vector<8x4096xf32>
    %add3A_493 = arith.addf %mul3A_488, %mul3A_492 : vector<8x4096xf32>
    %slice3A_494 = vector.extract_strided_slice %dot_general3A_5 {offsets = [16, 0], sizes = [8, 4096], strides = [1, 1]} : vector<128x4096xf32> to vector<8x4096xf32>
    %slice3A_495 = vector.extract_strided_slice %get3A_13 {offsets = [11, 0], sizes = [1, 4096], strides = [1, 1]} : vector<32x4096xf32> to vector<1x4096xf32>
    %mul3A_496 = vector.broadcast %slice3A_495 : vector<1x4096xf32> to vector<8x4096xf32>
    %mul3A_497 = arith.mulf %slice3A_494, %mul3A_496 : vector<8x4096xf32>
    %add3A_498 = arith.addf %add3A_493, %mul3A_497 : vector<8x4096xf32>
    %slice3A_499 = vector.extract_strided_slice %dot_general3A_5 {offsets = [24, 0], sizes = [8, 4096], strides = [1, 1]} : vector<128x4096xf32> to vector<8x4096xf32>
    %slice3A_500 = vector.extract_strided_slice %get3A_13 {offsets = [15, 0], sizes = [1, 4096], strides = [1, 1]} : vector<32x4096xf32> to vector<1x4096xf32>
    %mul3A_501 = vector.broadcast %slice3A_500 : vector<1x4096xf32> to vector<8x4096xf32>
    %mul3A_502 = arith.mulf %slice3A_499, %mul3A_501 : vector<8x4096xf32>
    %add3A_503 = arith.addf %add3A_498, %mul3A_502 : vector<8x4096xf32>
    %slice3A_504 = vector.extract_strided_slice %dot_general3A_5 {offsets = [32, 0], sizes = [8, 4096], strides = [1, 1]} : vector<128x4096xf32> to vector<8x4096xf32>
    %slice3A_505 = vector.extract_strided_slice %get3A_13 {offsets = [19, 0], sizes = [1, 4096], strides = [1, 1]} : vector<32x4096xf32> to vector<1x4096xf32>
    %mul3A_506 = vector.broadcast %slice3A_505 : vector<1x4096xf32> to vector<8x4096xf32>
    %mul3A_507 = arith.mulf %slice3A_504, %mul3A_506 : vector<8x4096xf32>
    %add3A_508 = arith.addf %add3A_503, %mul3A_507 : vector<8x4096xf32>
    %slice3A_509 = vector.extract_strided_slice %dot_general3A_5 {offsets = [40, 0], sizes = [8, 4096], strides = [1, 1]} : vector<128x4096xf32> to vector<8x4096xf32>
    %slice3A_510 = vector.extract_strided_slice %get3A_13 {offsets = [23, 0], sizes = [1, 4096], strides = [1, 1]} : vector<32x4096xf32> to vector<1x4096xf32>
    %mul3A_511 = vector.broadcast %slice3A_510 : vector<1x4096xf32> to vector<8x4096xf32>
    %mul3A_512 = arith.mulf %slice3A_509, %mul3A_511 : vector<8x4096xf32>
    %add3A_513 = arith.addf %add3A_508, %mul3A_512 : vector<8x4096xf32>
    %slice3A_514 = vector.extract_strided_slice %dot_general3A_5 {offsets = [48, 0], sizes = [8, 4096], strides = [1, 1]} : vector<128x4096xf32> to vector<8x4096xf32>
    %slice3A_515 = vector.extract_strided_slice %get3A_13 {offsets = [27, 0], sizes = [1, 4096], strides = [1, 1]} : vector<32x4096xf32> to vector<1x4096xf32>
    %mul3A_516 = vector.broadcast %slice3A_515 : vector<1x4096xf32> to vector<8x4096xf32>
    %mul3A_517 = arith.mulf %slice3A_514, %mul3A_516 : vector<8x4096xf32>
    %add3A_518 = arith.addf %add3A_513, %mul3A_517 : vector<8x4096xf32>
    %slice3A_519 = vector.extract_strided_slice %dot_general3A_5 {offsets = [56, 0], sizes = [8, 4096], strides = [1, 1]} : vector<128x4096xf32> to vector<8x4096xf32>
    %slice3A_520 = vector.extract_strided_slice %get3A_13 {offsets = [31, 0], sizes = [1, 4096], strides = [1, 1]} : vector<32x4096xf32> to vector<1x4096xf32>
    %mul3A_521 = vector.broadcast %slice3A_520 : vector<1x4096xf32> to vector<8x4096xf32>
    %mul3A_522 = arith.mulf %slice3A_519, %mul3A_521 : vector<8x4096xf32>
    %add3A_523 = arith.addf %add3A_518, %mul3A_522 : vector<8x4096xf32>
    %slice3A_524 = vector.extract_strided_slice %dot_general3A_5 {offsets = [64, 0], sizes = [8, 4096], strides = [1, 1]} : vector<128x4096xf32> to vector<8x4096xf32>
    %slice3A_525 = vector.extract_strided_slice %get3A_16 {offsets = [3, 0], sizes = [1, 4096], strides = [1, 1]} : vector<32x4096xf32> to vector<1x4096xf32>
    %mul3A_526 = vector.broadcast %slice3A_525 : vector<1x4096xf32> to vector<8x4096xf32>
    %mul3A_527 = arith.mulf %slice3A_524, %mul3A_526 : vector<8x4096xf32>
    %add3A_528 = arith.addf %add3A_523, %mul3A_527 : vector<8x4096xf32>
    %slice3A_529 = vector.extract_strided_slice %dot_general3A_5 {offsets = [72, 0], sizes = [8, 4096], strides = [1, 1]} : vector<128x4096xf32> to vector<8x4096xf32>
    %slice3A_530 = vector.extract_strided_slice %get3A_16 {offsets = [7, 0], sizes = [1, 4096], strides = [1, 1]} : vector<32x4096xf32> to vector<1x4096xf32>
    %mul3A_531 = vector.broadcast %slice3A_530 : vector<1x4096xf32> to vector<8x4096xf32>
    %mul3A_532 = arith.mulf %slice3A_529, %mul3A_531 : vector<8x4096xf32>
    %add3A_533 = arith.addf %add3A_528, %mul3A_532 : vector<8x4096xf32>
    %slice3A_534 = vector.extract_strided_slice %dot_general3A_5 {offsets = [80, 0], sizes = [8, 4096], strides = [1, 1]} : vector<128x4096xf32> to vector<8x4096xf32>
    %slice3A_535 = vector.extract_strided_slice %get3A_16 {offsets = [11, 0], sizes = [1, 4096], strides = [1, 1]} : vector<32x4096xf32> to vector<1x4096xf32>
    %mul3A_536 = vector.broadcast %slice3A_535 : vector<1x4096xf32> to vector<8x4096xf32>
    %mul3A_537 = arith.mulf %slice3A_534, %mul3A_536 : vector<8x4096xf32>
    %add3A_538 = arith.addf %add3A_533, %mul3A_537 : vector<8x4096xf32>
    %slice3A_539 = vector.extract_strided_slice %dot_general3A_5 {offsets = [88, 0], sizes = [8, 4096], strides = [1, 1]} : vector<128x4096xf32> to vector<8x4096xf32>
    %slice3A_540 = vector.extract_strided_slice %get3A_16 {offsets = [15, 0], sizes = [1, 4096], strides = [1, 1]} : vector<32x4096xf32> to vector<1x4096xf32>
    %mul3A_541 = vector.broadcast %slice3A_540 : vector<1x4096xf32> to vector<8x4096xf32>
    %mul3A_542 = arith.mulf %slice3A_539, %mul3A_541 : vector<8x4096xf32>
    %add3A_543 = arith.addf %add3A_538, %mul3A_542 : vector<8x4096xf32>
    %slice3A_544 = vector.extract_strided_slice %dot_general3A_5 {offsets = [96, 0], sizes = [8, 4096], strides = [1, 1]} : vector<128x4096xf32> to vector<8x4096xf32>
    %slice3A_545 = vector.extract_strided_slice %get3A_16 {offsets = [19, 0], sizes = [1, 4096], strides = [1, 1]} : vector<32x4096xf32> to vector<1x4096xf32>
    %mul3A_546 = vector.broadcast %slice3A_545 : vector<1x4096xf32> to vector<8x4096xf32>
    %mul3A_547 = arith.mulf %slice3A_544, %mul3A_546 : vector<8x4096xf32>
    %add3A_548 = arith.addf %add3A_543, %mul3A_547 : vector<8x4096xf32>
    %slice3A_549 = vector.extract_strided_slice %dot_general3A_5 {offsets = [104, 0], sizes = [8, 4096], strides = [1, 1]} : vector<128x4096xf32> to vector<8x4096xf32>
    %slice3A_550 = vector.extract_strided_slice %get3A_16 {offsets = [23, 0], sizes = [1, 4096], strides = [1, 1]} : vector<32x4096xf32> to vector<1x4096xf32>
    %mul3A_551 = vector.broadcast %slice3A_550 : vector<1x4096xf32> to vector<8x4096xf32>
    %mul3A_552 = arith.mulf %slice3A_549, %mul3A_551 : vector<8x4096xf32>
    %add3A_553 = arith.addf %add3A_548, %mul3A_552 : vector<8x4096xf32>
    %slice3A_554 = vector.extract_strided_slice %dot_general3A_5 {offsets = [112, 0], sizes = [8, 4096], strides = [1, 1]} : vector<128x4096xf32> to vector<8x4096xf32>
    %slice3A_555 = vector.extract_strided_slice %get3A_16 {offsets = [27, 0], sizes = [1, 4096], strides = [1, 1]} : vector<32x4096xf32> to vector<1x4096xf32>
    %mul3A_556 = vector.broadcast %slice3A_555 : vector<1x4096xf32> to vector<8x4096xf32>
    %mul3A_557 = arith.mulf %slice3A_554, %mul3A_556 : vector<8x4096xf32>
    %add3A_558 = arith.addf %add3A_553, %mul3A_557 : vector<8x4096xf32>
    %slice3A_559 = vector.extract_strided_slice %dot_general3A_5 {offsets = [120, 0], sizes = [8, 4096], strides = [1, 1]} : vector<128x4096xf32> to vector<8x4096xf32>
    %slice3A_560 = vector.extract_strided_slice %get3A_16 {offsets = [31, 0], sizes = [1, 4096], strides = [1, 1]} : vector<32x4096xf32> to vector<1x4096xf32>
    %mul3A_561 = vector.broadcast %slice3A_560 : vector<1x4096xf32> to vector<8x4096xf32>
    %mul3A_562 = arith.mulf %slice3A_559, %mul3A_561 : vector<8x4096xf32>
    %add3A_563 = arith.addf %add3A_558, %mul3A_562 : vector<8x4096xf32>
    %slice3A_564 = vector.extract_strided_slice %dot_general3A_10 {offsets = [0, 0], sizes = [8, 4096], strides = [1, 1]} : vector<128x4096xf32> to vector<8x4096xf32>
    %slice3A_565 = vector.extract_strided_slice %add3A_563 {offsets = [0, 0], sizes = [1, 4096], strides = [1, 1]} : vector<8x4096xf32> to vector<1x4096xf32>
    %mul3A_566 = vector.broadcast %slice3A_565 : vector<1x4096xf32> to vector<8x4096xf32>
    %mul3A_567 = arith.mulf %slice3A_564, %mul3A_566 : vector<8x4096xf32>
    %slice3A_568 = vector.extract_strided_slice %dot_general3A_10 {offsets = [8, 0], sizes = [8, 4096], strides = [1, 1]} : vector<128x4096xf32> to vector<8x4096xf32>
    %slice3A_569 = vector.extract_strided_slice %add3A_563 {offsets = [0, 0], sizes = [1, 4096], strides = [1, 1]} : vector<8x4096xf32> to vector<1x4096xf32>
    %mul3A_570 = vector.broadcast %slice3A_569 : vector<1x4096xf32> to vector<8x4096xf32>
    %mul3A_571 = arith.mulf %slice3A_568, %mul3A_570 : vector<8x4096xf32>
    %slice3A_572 = vector.extract_strided_slice %dot_general3A_10 {offsets = [16, 0], sizes = [8, 4096], strides = [1, 1]} : vector<128x4096xf32> to vector<8x4096xf32>
    %slice3A_573 = vector.extract_strided_slice %add3A_563 {offsets = [1, 0], sizes = [1, 4096], strides = [1, 1]} : vector<8x4096xf32> to vector<1x4096xf32>
    %mul3A_574 = vector.broadcast %slice3A_573 : vector<1x4096xf32> to vector<8x4096xf32>
    %mul3A_575 = arith.mulf %slice3A_572, %mul3A_574 : vector<8x4096xf32>
    %add3A_576 = arith.addf %mul3A_567, %mul3A_575 : vector<8x4096xf32>
    %slice3A_577 = vector.extract_strided_slice %dot_general3A_10 {offsets = [24, 0], sizes = [8, 4096], strides = [1, 1]} : vector<128x4096xf32> to vector<8x4096xf32>
    %slice3A_578 = vector.extract_strided_slice %add3A_563 {offsets = [1, 0], sizes = [1, 4096], strides = [1, 1]} : vector<8x4096xf32> to vector<1x4096xf32>
    %mul3A_579 = vector.broadcast %slice3A_578 : vector<1x4096xf32> to vector<8x4096xf32>
    %mul3A_580 = arith.mulf %slice3A_577, %mul3A_579 : vector<8x4096xf32>
    %add3A_581 = arith.addf %mul3A_571, %mul3A_580 : vector<8x4096xf32>
    %slice3A_582 = vector.extract_strided_slice %dot_general3A_10 {offsets = [32, 0], sizes = [8, 4096], strides = [1, 1]} : vector<128x4096xf32> to vector<8x4096xf32>
    %slice3A_583 = vector.extract_strided_slice %add3A_563 {offsets = [2, 0], sizes = [1, 4096], strides = [1, 1]} : vector<8x4096xf32> to vector<1x4096xf32>
    %mul3A_584 = vector.broadcast %slice3A_583 : vector<1x4096xf32> to vector<8x4096xf32>
    %mul3A_585 = arith.mulf %slice3A_582, %mul3A_584 : vector<8x4096xf32>
    %add3A_586 = arith.addf %add3A_576, %mul3A_585 : vector<8x4096xf32>
    %slice3A_587 = vector.extract_strided_slice %dot_general3A_10 {offsets = [40, 0], sizes = [8, 4096], strides = [1, 1]} : vector<128x4096xf32> to vector<8x4096xf32>
    %slice3A_588 = vector.extract_strided_slice %add3A_563 {offsets = [2, 0], sizes = [1, 4096], strides = [1, 1]} : vector<8x4096xf32> to vector<1x4096xf32>
    %mul3A_589 = vector.broadcast %slice3A_588 : vector<1x4096xf32> to vector<8x4096xf32>
    %mul3A_590 = arith.mulf %slice3A_587, %mul3A_589 : vector<8x4096xf32>
    %add3A_591 = arith.addf %add3A_581, %mul3A_590 : vector<8x4096xf32>
    %slice3A_592 = vector.extract_strided_slice %dot_general3A_10 {offsets = [48, 0], sizes = [8, 4096], strides = [1, 1]} : vector<128x4096xf32> to vector<8x4096xf32>
    %slice3A_593 = vector.extract_strided_slice %add3A_563 {offsets = [3, 0], sizes = [1, 4096], strides = [1, 1]} : vector<8x4096xf32> to vector<1x4096xf32>
    %mul3A_594 = vector.broadcast %slice3A_593 : vector<1x4096xf32> to vector<8x4096xf32>
    %mul3A_595 = arith.mulf %slice3A_592, %mul3A_594 : vector<8x4096xf32>
    %add3A_596 = arith.addf %add3A_586, %mul3A_595 : vector<8x4096xf32>
    %slice3A_597 = vector.extract_strided_slice %dot_general3A_10 {offsets = [56, 0], sizes = [8, 4096], strides = [1, 1]} : vector<128x4096xf32> to vector<8x4096xf32>
    %slice3A_598 = vector.extract_strided_slice %add3A_563 {offsets = [3, 0], sizes = [1, 4096], strides = [1, 1]} : vector<8x4096xf32> to vector<1x4096xf32>
    %mul3A_599 = vector.broadcast %slice3A_598 : vector<1x4096xf32> to vector<8x4096xf32>
    %mul3A_600 = arith.mulf %slice3A_597, %mul3A_599 : vector<8x4096xf32>
    %add3A_601 = arith.addf %add3A_591, %mul3A_600 : vector<8x4096xf32>
    %slice3A_602 = vector.extract_strided_slice %dot_general3A_10 {offsets = [64, 0], sizes = [8, 4096], strides = [1, 1]} : vector<128x4096xf32> to vector<8x4096xf32>
    %slice3A_603 = vector.extract_strided_slice %add3A_563 {offsets = [4, 0], sizes = [1, 4096], strides = [1, 1]} : vector<8x4096xf32> to vector<1x4096xf32>
    %mul3A_604 = vector.broadcast %slice3A_603 : vector<1x4096xf32> to vector<8x4096xf32>
    %mul3A_605 = arith.mulf %slice3A_602, %mul3A_604 : vector<8x4096xf32>
    %add3A_606 = arith.addf %add3A_596, %mul3A_605 : vector<8x4096xf32>
    %slice3A_607 = vector.extract_strided_slice %dot_general3A_10 {offsets = [72, 0], sizes = [8, 4096], strides = [1, 1]} : vector<128x4096xf32> to vector<8x4096xf32>
    %slice3A_608 = vector.extract_strided_slice %add3A_563 {offsets = [4, 0], sizes = [1, 4096], strides = [1, 1]} : vector<8x4096xf32> to vector<1x4096xf32>
    %mul3A_609 = vector.broadcast %slice3A_608 : vector<1x4096xf32> to vector<8x4096xf32>
    %mul3A_610 = arith.mulf %slice3A_607, %mul3A_609 : vector<8x4096xf32>
    %add3A_611 = arith.addf %add3A_601, %mul3A_610 : vector<8x4096xf32>
    %slice3A_612 = vector.extract_strided_slice %dot_general3A_10 {offsets = [80, 0], sizes = [8, 4096], strides = [1, 1]} : vector<128x4096xf32> to vector<8x4096xf32>
    %slice3A_613 = vector.extract_strided_slice %add3A_563 {offsets = [5, 0], sizes = [1, 4096], strides = [1, 1]} : vector<8x4096xf32> to vector<1x4096xf32>
    %mul3A_614 = vector.broadcast %slice3A_613 : vector<1x4096xf32> to vector<8x4096xf32>
    %mul3A_615 = arith.mulf %slice3A_612, %mul3A_614 : vector<8x4096xf32>
    %add3A_616 = arith.addf %add3A_606, %mul3A_615 : vector<8x4096xf32>
    %slice3A_617 = vector.extract_strided_slice %dot_general3A_10 {offsets = [88, 0], sizes = [8, 4096], strides = [1, 1]} : vector<128x4096xf32> to vector<8x4096xf32>
    %slice3A_618 = vector.extract_strided_slice %add3A_563 {offsets = [5, 0], sizes = [1, 4096], strides = [1, 1]} : vector<8x4096xf32> to vector<1x4096xf32>
    %mul3A_619 = vector.broadcast %slice3A_618 : vector<1x4096xf32> to vector<8x4096xf32>
    %mul3A_620 = arith.mulf %slice3A_617, %mul3A_619 : vector<8x4096xf32>
    %add3A_621 = arith.addf %add3A_611, %mul3A_620 : vector<8x4096xf32>
    %slice3A_622 = vector.extract_strided_slice %dot_general3A_10 {offsets = [96, 0], sizes = [8, 4096], strides = [1, 1]} : vector<128x4096xf32> to vector<8x4096xf32>
    %slice3A_623 = vector.extract_strided_slice %add3A_563 {offsets = [6, 0], sizes = [1, 4096], strides = [1, 1]} : vector<8x4096xf32> to vector<1x4096xf32>
    %mul3A_624 = vector.broadcast %slice3A_623 : vector<1x4096xf32> to vector<8x4096xf32>
    %mul3A_625 = arith.mulf %slice3A_622, %mul3A_624 : vector<8x4096xf32>
    %add3A_626 = arith.addf %add3A_616, %mul3A_625 : vector<8x4096xf32>
    %slice3A_627 = vector.extract_strided_slice %dot_general3A_10 {offsets = [104, 0], sizes = [8, 4096], strides = [1, 1]} : vector<128x4096xf32> to vector<8x4096xf32>
    %slice3A_628 = vector.extract_strided_slice %add3A_563 {offsets = [6, 0], sizes = [1, 4096], strides = [1, 1]} : vector<8x4096xf32> to vector<1x4096xf32>
    %mul3A_629 = vector.broadcast %slice3A_628 : vector<1x4096xf32> to vector<8x4096xf32>
    %mul3A_630 = arith.mulf %slice3A_627, %mul3A_629 : vector<8x4096xf32>
    %add3A_631 = arith.addf %add3A_621, %mul3A_630 : vector<8x4096xf32>
    %slice3A_632 = vector.extract_strided_slice %dot_general3A_10 {offsets = [112, 0], sizes = [8, 4096], strides = [1, 1]} : vector<128x4096xf32> to vector<8x4096xf32>
    %slice3A_633 = vector.extract_strided_slice %add3A_563 {offsets = [7, 0], sizes = [1, 4096], strides = [1, 1]} : vector<8x4096xf32> to vector<1x4096xf32>
    %mul3A_634 = vector.broadcast %slice3A_633 : vector<1x4096xf32> to vector<8x4096xf32>
    %mul3A_635 = arith.mulf %slice3A_632, %mul3A_634 : vector<8x4096xf32>
    %add3A_636 = arith.addf %add3A_626, %mul3A_635 : vector<8x4096xf32>
    %slice3A_637 = vector.extract_strided_slice %dot_general3A_10 {offsets = [120, 0], sizes = [8, 4096], strides = [1, 1]} : vector<128x4096xf32> to vector<8x4096xf32>
    %slice3A_638 = vector.extract_strided_slice %add3A_563 {offsets = [7, 0], sizes = [1, 4096], strides = [1, 1]} : vector<8x4096xf32> to vector<1x4096xf32>
    %mul3A_639 = vector.broadcast %slice3A_638 : vector<1x4096xf32> to vector<8x4096xf32>
    %mul3A_640 = arith.mulf %slice3A_637, %mul3A_639 : vector<8x4096xf32>
    %add3A_641 = arith.addf %add3A_631, %mul3A_640 : vector<8x4096xf32>
    %concatenate3A = tpu.concatenate %add3A_165, %add3A_322 in 0 : vector<8x4096xf32>, vector<8x4096xf32> -> vector<16x4096xf32>
    %concatenate3A_642 = tpu.concatenate %add3A_479, %add3A_636 in 0 : vector<8x4096xf32>, vector<8x4096xf32> -> vector<16x4096xf32>
    %concatenate3A_643 = tpu.concatenate %add3A_170, %add3A_327 in 0 : vector<8x4096xf32>, vector<8x4096xf32> -> vector<16x4096xf32>
    %concatenate3A_644 = tpu.concatenate %add3A_484, %add3A_641 in 0 : vector<8x4096xf32>, vector<8x4096xf32> -> vector<16x4096xf32>
    %transpose3A = tpu.transpose %concatenate3A, [1, 0] : vector<16x4096xf32> -> vector<4096x16xf32>
    %transpose3A_645 = tpu.transpose %concatenate3A_642, [1, 0] : vector<16x4096xf32> -> vector<4096x16xf32>
    %transpose3A_646 = tpu.transpose %concatenate3A_643, [1, 0] : vector<16x4096xf32> -> vector<4096x16xf32>
    %transpose3A_647 = tpu.transpose %concatenate3A_644, [1, 0] : vector<16x4096xf32> -> vector<4096x16xf32>
    %stack3A = vector.shape_cast %transpose3A : vector<4096x16xf32> to vector<1x4096x16xf32>
    %stack3A_648 = vector.shape_cast %transpose3A_645 : vector<4096x16xf32> to vector<1x4096x16xf32>
    %stack3A_649 = vector.shape_cast %transpose3A_646 : vector<4096x16xf32> to vector<1x4096x16xf32>
    %stack3A_650 = vector.shape_cast %transpose3A_647 : vector<4096x16xf32> to vector<1x4096x16xf32>
    %stack3A_651 = tpu.concatenate %stack3A, %stack3A_648, %stack3A_649, %stack3A_650 in 0 : vector<1x4096x16xf32>, vector<1x4096x16xf32>, vector<1x4096x16xf32>, vector<1x4096x16xf32> -> vector<4x4096x16xf32>
    %swap3A = arith.constant 0 : index
    %swap3A_652 = arith.constant 0 : index
    %swap3A_653 = arith.constant 0 : index
    %swap3A_654 = vector.load %arg6[%swap3A, %swap3A_652, %swap3A_653] : memref<4x4096x16xf32, #tpu.memory_space<vmem>>, vector<4x4096x16xf32>
    tpu.vector_store %arg6[%swap3A, %swap3A_652, %swap3A_653], %stack3A_651 {strides = array<i32>} : memref<4x4096x16xf32, #tpu.memory_space<vmem>>, vector<4x4096x16xf32>,
    return
  }
  func.func @transform_0(%arg0: i32) -> (i32, i32) {
    %c0_i32 = arith.constant 0 : i32
    %c0_i32_0 = arith.constant 0 : i32
    return %c0_i32, %arg0 : i32, i32
  }
  func.func @transform_1(%arg0: i32) -> (i32, i32) {
    %c0_i32 = arith.constant 0 : i32
    %c0_i32_0 = arith.constant 0 : i32
    return %c0_i32, %arg0 : i32, i32
  }
  func.func @transform_2(%arg0: i32) -> (i32, i32) {
    %c0_i32 = arith.constant 0 : i32
    %c0_i32_0 = arith.constant 0 : i32
    return %c0_i32, %arg0 : i32, i32
  }
  func.func @transform_3(%arg0: i32) -> (i32, i32) {
    %c0_i32 = arith.constant 0 : i32
    %c0_i32_0 = arith.constant 0 : i32
    %c0_i32_1 = arith.constant 0 : i32
    return %c0_i32, %c0_i32_0 : i32, i32
  }
  func.func @transform_4(%arg0: i32) -> (i32, i32) {
    %c0_i32 = arith.constant 0 : i32
    %c0_i32_0 = arith.constant 0 : i32
    %c0_i32_1 = arith.constant 0 : i32
    return %c0_i32, %c0_i32_0 : i32, i32
  }
  func.func @transform_5(%arg0: i32) -> (i32, i32, i32) {
    %c0_i32 = arith.constant 0 : i32
    %c0_i32_0 = arith.constant 0 : i32
    %c0_i32_1 = arith.constant 0 : i32
    return %c0_i32, %arg0, %c0_i32_0 : i32, i32, i32
  }
}

</mosaic_0001>

<sc_bundles>
// kernel: scatter_offload_async_start.1
scs
__scs_entry_jumppad:
0x0: {  	(pc) =	sbr.rel $0x88, $3  }
0x1: {  	(tag) =	ssettag $0x0;
	lr =	simm.s32 $0x1  }
0x2: {  	[smem:$0x3F9D] =	sst lr;
	_ =	strace $0xD0000000  }
0x3: {  	_ = 	snop  }
0x4: {  	_ = 	snop  }
0x5: {  	_ = 	snop  }
0x6: {  	_ = 	snop  }
0x7: {  	_ = 	snop  }
__scs_overlays_trampoline_lowered:
0x8: {  	[smem:$0x3FAC] =	sst s0  }
0x9: {  	[smem:$0x3FAD] =	sst s1  }
0xa: {  	[smem:$0x3FAE] =	sst s2  }
0xb: {  	[smem:$0x3FAF] =	sst s3  }
0xc: {  	[smem:$0x3FB0] =	sst s4  }
0xd: {  	[smem:$0x3FB1] =	sst s5  }
0xe: {  	[smem:$0x3FB2] =	sst s6  }
0xf: {  	[smem:$0x3FB3] =	sst s7  }
0x10: {  	[smem:$0x3FB4] =	sst s8  }
0x11: {  	[smem:$0x3FB5] =	sst s9;
	s0 =	simm.s32 @!p0 $0x0  }
0x12: {  	s1 =	sld [smem:$0x3F9B];
	s0 =	simm.s32 @p0 $0x1  }
0x13: {  	[smem:$0x3FB6] =	sst s0;
	s0 =	simm.s32 @!p1 $0x0  }
0x14: {  	s2 =	sld [smem:$0x3F9A];
	s0 =	simm.s32 @p1 $0x1  }
0x15: {  	[smem:$0x3FB7] =	sst s0;
	s0 =	simm.s32 @!p2 $0x0  }
0x16: {  	s3 =	sld [smem:$0x3FDB];
	s0 =	simm.s32 @p2 $0x1  }
0x17: {  	s4 =	simm.s32 $0x1BF5;
	[smem:$0x3FB9] =	sst s0  }
0x18: {  	s0 =	sld [smem:$0x3F9C];
	_ =	swait.ge [sflag:s4], $0x0  }
0x19: {  	s7 =	sld [smem:$0x3F9D]  }
0x1a: {  	s8 =	sadd.s32 $0xFFFFE003, lr  }
0x1b: {  	s9 =	sadd.s32 $0xFFFFFEF7, lr;
	s5 =	simm.s32 $0xFFFFFFFF;
	p2 =	slt.u32 s8, $0xFFFFF086  }
0x1c: {  	p1 =	slt.u32 s9, $0xF7A;
	s5 =	simm.s32 @!p2 $0x0  }
0x1d: {  	s5 =	simm.s32 @p1 $0x1;
	p0 =	seq.s32 s7, s2  }
0x1e: {  	s7 =	smul.u32 @!p0 $0xF7A, s2;
	p2 =	seq.s32 @!p0 s5, $0x0  }
0x1f: {  	s9 =	smul.u32 $0xF7A, s1;
	s8 =	simm.s32 @!p0 $0x1BF5;
	p2 =	por !p2, p0  }
0x20: {  	[sflag:s8] =	ssyncset.s32 @!p0 $0xFFFFF086;
	s6 =	sadd.s32 @!p0 s3, s7;
	s7 =	simm.s32 @!p0 $0x108  }
0x21: {  	s3 =	sadd.s32 s3, s9;
	s6 =	sadd.s32 @!p0 $0x88, s6;
	s7 =	simm.s32 @p2 $0x1082  }
0x22: {  	[simem:s7], [sflag:s8] =	dma.local @!p0 [hbm:s6], $0xF7A  }
0x23: {  	s9 =	sor.u32 $0xD0000000, s2;
	s6 =	simm.s32 $0x108;
	_ =	swait.ge @!p0 [sflag:s8], $0x0  }
0x24: {  	s3 =	sadd.s32 $0x88, s3;
	s6 =	simm.s32 @!p1 $0x1082;
	[sflag:s4] =	ssyncset.s32 $0xFFFFF086  }
0x25: {  	[simem:s6], [sflag:s4] =	dma.local [hbm:s3], $0xF7A  }
0x26: {  	[smem:$0x3F9D] =	sst s1;
	(tag) =	ssettag s2;
	_ =	strace s9  }
0x27: {  	s1 =	sld [smem:$0x3FAD]  }
0x28: {  	s2 =	sld [smem:$0x3FAE]  }
0x29: {  	s4 =	sld [smem:$0x3FB0]  }
0x2a: {  	p0 =	seq.s32 s5, $0x0;
	s5 =	sld [smem:$0x3FB1]  }
0x2b: {  	s6 =	sld [smem:$0x3FB2]  }
0x2c: {  	s7 =	sld [smem:$0x3FB3]  }
0x2d: {  	s3 =	simm.s32 $0x108;
	s8 =	sld [smem:$0x3FB4]  }
0x2e: {  	s3 =	simm.s32 @!p0 $0x1082;
	s9 =	sld [smem:$0x3FB5]  }
0x2f: {  	lr =	sadd.s32 s0, s3;
	s0 =	sld [smem:$0x3FAC]  }
0x30: {  	s3 =	sld [smem:$0x3FAF]  }
0x31: {  	[smem:$0x3FB8] =	sst s10  }
0x32: {  	s10 =	sld [smem:$0x3FB6];
	_ =	sdelay $0x3  }
0x33: {  	p0 =	seq.s32 s10, $0x1;
	s10 =	sld [smem:$0x3FB8];
	_ =	sdelay $0x3  }
0x34: {  	[smem:$0x3FB8] =	sst s10  }
0x35: {  	s10 =	sld [smem:$0x3FB7];
	_ =	sdelay $0x3  }
0x36: {  	p1 =	seq.s32 s10, $0x1;
	s10 =	sld [smem:$0x3FB8];
	_ =	sdelay $0x3  }
0x37: {  	[smem:$0x3FB8] =	sst s10  }
0x38: {  	s10 =	sld [smem:$0x3FB9]  }
0x39: {  	_ = 	snop;
	(pc) =	sbr.ind lr, $3  }
0x3a: {  	_ = 	snop  }
0x3b: {  	_ = 	snop  }
0x3c: {  	p2 =	seq.s32 s10, $0x1;
	s10 =	sld [smem:$0x3FB8]  }
0x3d: {  	_ =	shalt  }
0x3e: {  	_ =	shalt  }
0x3f: {  	_ =	shalt  }
0x40: {  	_ =	shalt  }
0x41: {  	_ =	shalt  }
0x42: {  	_ =	shalt  }
0x43: {  	_ =	shalt  }
0x44: {  	_ =	shalt  }
0x45: {  	_ =	shalt  }
0x46: {  	_ =	shalt  }
0x47: {  	_ =	shalt  }
0x48: {  	_ =	shalt  }
0x49: {  	_ =	shalt  }
0x4a: {  	_ =	shalt  }
0x4b: {  	_ =	shalt  }
0x4c: {  	_ =	shalt  }
0x4d: {  	_ =	shalt  }
0x4e: {  	_ =	shalt  }
0x4f: {  	_ =	shalt  }
0x50: {  	_ =	shalt  }
0x51: {  	_ =	shalt  }
0x52: {  	_ =	shalt  }
0x53: {  	_ =	shalt  }
0x54: {  	_ =	shalt  }
0x55: {  	_ =	shalt  }
0x56: {  	_ =	shalt  }
0x57: {  	_ =	shalt  }
0x58: {  	_ =	shalt  }
0x59: {  	_ =	shalt  }
0x5a: {  	_ =	shalt  }
0x5b: {  	_ =	shalt  }
0x5c: {  	_ =	shalt  }
0x5d: {  	_ =	shalt  }
0x5e: {  	_ =	shalt  }
0x5f: {  	_ =	shalt  }
0x60: {  	_ =	shalt  }
0x61: {  	_ =	shalt  }
0x62: {  	_ =	shalt  }
0x63: {  	_ =	shalt  }
0x64: {  	_ =	shalt  }
0x65: {  	_ =	shalt  }
0x66: {  	_ =	shalt  }
0x67: {  	_ =	shalt  }
0x68: {  	_ =	shalt  }
0x69: {  	_ =	shalt  }
0x6a: {  	_ =	shalt  }
0x6b: {  	_ =	shalt  }
0x6c: {  	_ =	shalt  }
0x6d: {  	_ =	shalt  }
0x6e: {  	_ =	shalt  }
0x6f: {  	_ =	shalt  }
0x70: {  	_ =	shalt  }
0x71: {  	_ =	shalt  }
0x72: {  	_ =	shalt  }
0x73: {  	_ =	shalt  }
0x74: {  	_ =	shalt  }
0x75: {  	_ =	shalt  }
0x76: {  	_ =	shalt  }
0x77: {  	_ =	shalt  }
0x78: {  	_ =	shalt  }
0x79: {  	_ =	shalt  }
0x7a: {  	_ =	shalt  }
0x7b: {  	_ =	shalt  }
0x7c: {  	_ =	shalt  }
0x7d: {  	_ =	shalt  }
0x7e: {  	_ =	shalt  }
0x7f: {  	_ =	shalt  }
0x80: {  	_ =	shalt  }
0x81: {  	_ =	shalt  }
0x82: {  	_ =	shalt  }
0x83: {  	_ =	shalt  }
0x84: {  	_ =	shalt  }
0x85: {  	_ =	shalt  }
0x86: {  	_ =	shalt  }
0x87: {  	_ =	shalt  }
.Lfunc_end0:
.L_simem_size_0:
called_computation.1_lowered:
.L_overlay_start_0:
0x88: {  	s2 =	sld [smem:$0x3FD9]  }
0x89: {  	s3 =	sld [smem:$0x3FFE];
	_ =	sdelay $0x1  }
0x8a: {  	s1 =	srdreg.scid  }
0x8b: {  	s0 =	sand.u32 $0x1, s1  }
0x8c: {  	s16 =	sshll.u32 s0, $0xA;
	s2 =	sadd.s32 s3, s2  }
0x8d: {  	s2 =	sadd.s32 s2, s16  }
0x8e: {  	[smem:$0x3FC4] =	sst s2  }
0x8f: {  	_ = 	snop  }
0x90: {  	s2 =	sld [smem:$0x3FD0];
	(tm) =	ssettm $0x1  }
0x91: {  	s17 =	sld [smem:$0x3FFB];
	_ =	sdelay $0x3  }
0x92: {  	_ =	strace s17  }
0x93: {  	s3 =	sld [smem:$0x3FFC];
	_ =	sdelay $0x3  }
0x94: {  	_ =	strace s3  }
0x95: {  	s3 =	sld [smem:$0x3FFD];
	_ =	sdelay $0x3  }
0x96: {  	_ =	strace s3  }
0x97: {  	_ =	strace $0x8FFFFFFF  }
0x98: {  	s18 =	sld [smem:$0x3FDB];
	_ =	sdelay $0x1  }
0x99: {  	s4 =	simm.s32 $_scs_section_size  }
0x9a: {  	s5 =	simm.s32 $_size__tile_overlayer_lowered;
	s6 =	simm.s32 $_tile_overlayer_lowered  }
0x9b: {  	s21 =	simm.s32 $0x1BFF;
	s20 =	sshll.u32 s6, $0x1;
	s3 =	sadd.s32 s4, s18  }
0x9c: {  	s7 =	simm.s32 $0x0;
	s19 =	sshll.u32 s5, $0x1;
	s5 =	sadd.s32 s20, s3  }
0x9d: {  	[timem:s7], [sflag:s21] =	dma.local [hbm:s5], s19  }
0x9e: {  	_ =	swait.ge [sflag:s21], s19  }
0x9f: {  	s4 =	ssub.s32 $0x0, s19;
	[sflag:s21] =	ssyncset.done $0x0  }
0xa0: {  	[sflag:s21] =	ssyncadd.s32 s4;
	_ =	sdelay $0x1  }
0xa1: {  	s22 =	simm.s32 $0x1B8B  }
0xa2: {  	_ =	swait.ge [sflag:s22], $0x1  }
0xa3: {  	[sflag:s22] =	ssyncset.done $0x0  }
0xa4: {  	s23 =	sld [smem:$0x3FFE];
	[sflag:s22] =	ssyncadd.s32 $0xFFFFFFFF  }
0xa5: {  	s25 =	simm.s32 $0x1B8E;
	s24 =	sld [smem:$0x0]  }
0xa6: {  	s26 =	simm.s32 $execute0_lowered;
	[smem:$0x3FD2] =	sst s25  }
0xa7: {  	s6 =	sshll.u32 s26, $0x1;
	_ =	strace $0x8000004F;
	[dreg:$0x1] =	wrdreg $0xFFFFFFFF  }
0xa8: {  	s28 =	simm.s32 $_size_execute0_lowered;
	s3 =	sadd.s32 s3, s6;
	[dreg:$0x0] =	wrdreg $0x0  }
0xa9: {  	s6 =	sshll.u32 s28, $0x1;
	[dreg:$0x2] =	wrdreg s3  }
0xaa: {  	[dreg:$0x3] =	wrdreg s6  }
0xab: {  	[dreg:$0x4] =	wrdreg $0xC0  }
0xac: {  	_ =	task [dreg:s7], $0x5FFFF  }
0xad: {  	[dreg:$0x1] =	wrdreg $0xFFFFFFFF  }
0xae: {  	[dreg:$0x0] =	wrdreg $0x60  }
0xaf: {  	[dreg:$0x2] =	wrdreg s23  }
0xb0: {  	[dreg:$0x3] =	wrdreg s2  }
0xb1: {  	[dreg:$0x4] =	wrdreg s1  }
0xb2: {  	[dreg:$0x5] =	wrdreg s24  }
0xb3: {  	[dreg:$0x6] =	wrdreg $0x9  }
0xb4: {  	_ =	task.clear_ibuf [dreg:s7], $0x7FFFF;
	_ =	strace $0x9000004F  }
0xb5: {  	s29 =	simm.s32 $0x9;
	_ =	strace $0x80000051  }
0xb6: {  	_ =	swait.ge [sflag:s29], $0x1  }
0xb7: {  	[sflag:s29] =	ssyncadd.s32 $0xFFFFFFFF  }
0xb8: {  	_ =	strace $0x90000051  }
0xb9: {  	_ =	sfence  }
0xba: {  	s30 =	sld [smem:$0x0];
	_ =	sdelay $0x2  }
0xbb: {  	s31 =	sshll.u32 s1, $0xD;
	s1 =	sshrl.u32 s1, $0x2  }
0xbc: {  	s3 =	sand.u32 $0x4000, s31;
	s1 =	sadd.s32 s1, s30  }
0xbd: {  	s0 =	sor.u32 s3, s0;
	s1 =	sshll.u32 s1, $0x11  }
0xbe: {  	s0 =	sor.u32 s1, s0  }
0xbf: {  	s0 =	sadd.s32 $0x8F2B, s0  }
0xc0: {  	[sflag:s0] =	ssyncadd.remote.s32 $0x1  }
0xc1: {  	_ =	sfence.sel $0xFFFF  }
0xc2: {  	[dreg:$0x0] =	wrdreg $0xFFFFFFFF;
	(pc) =	sbr.abs _section_cstart, $3  }
0xc3: {  	[dreg:$0x1] =	wrdreg $0xFFFFFFFF  }
0xc4: {  	_ =	task.clear_ibuf [dreg:s7], $0x2FFFF;
	_ =	strace $0x9FFFFFFF  }
0xc5: {  	(tm) =	ssettm $0x7FFFFFFF  }
tec
execute0_lowered:
.L_overlay_start_1:
0x0: {  	(tag) =	ssettag $0x1  }
0x1: {  	s8 =	rddreg [dreg:$0x0]  }
0x2: {  	s7 =	rddreg [dreg:$0x1]  }
0x3: {  	s2 =	rddreg [dreg:$0x2];
	_ =	strace $0x80000050;
	s3 =	simm.s32 $0x1  }
0x4: {  	v0 =	vimm.s32 $0x0;
	[sflag:s3] =	ssyncpa.u1 $0x0  }
0x5: {  	[tilespmem:$0x48] =	vst v0  }
0x6: {  	[tilespmem:$0x58] =	vst v0  }
0x7: {  	[tilespmem:$0x68] =	vst v0  }
0x8: {  	[tilespmem:$0x78] =	vst v0  }
0x9: {  	[tilespmem:$0x88] =	vst v0  }
0xa: {  	[tilespmem:$0x98] =	vst v0  }
0xb: {  	[tilespmem:$0xA8] =	vst v0  }
0xc: {  	[tilespmem:$0xB8] =	vst v0  }
0xd: {  	[tilespmem:$0xC8] =	vst v0  }
0xe: {  	[tilespmem:$0xD8] =	vst v0  }
0xf: {  	[tilespmem:$0xE8] =	vst v0  }
0x10: {  	[tilespmem:$0xF8] =	vst v0  }
0x11: {  	[tilespmem:$0x108] =	vst v0  }
0x12: {  	[tilespmem:$0x118] =	vst v0  }
0x13: {  	[tilespmem:$0x128] =	vst v0  }
0x14: {  	[tilespmem:$0x138] =	vst v0  }
0x15: {  	[tilespmem:$0x148] =	vst v0  }
0x16: {  	[tilespmem:$0x158] =	vst v0  }
0x17: {  	[tilespmem:$0x168] =	vst v0  }
0x18: {  	[tilespmem:$0x178] =	vst v0  }
0x19: {  	[tilespmem:$0x188] =	vst v0  }
0x1a: {  	[tilespmem:$0x198] =	vst v0  }
0x1b: {  	[tilespmem:$0x1A8] =	vst v0  }
0x1c: {  	[tilespmem:$0x1B8] =	vst v0  }
0x1d: {  	[tilespmem:$0x1C8] =	vst v0  }
0x1e: {  	[tilespmem:$0x1D8] =	vst v0  }
0x1f: {  	[tilespmem:$0x1E8] =	vst v0  }
0x20: {  	[tilespmem:$0x1F8] =	vst v0  }
0x21: {  	[tilespmem:$0x208] =	vst v0  }
0x22: {  	[tilespmem:$0x218] =	vst v0  }
0x23: {  	[tilespmem:$0x228] =	vst v0  }
0x24: {  	[tilespmem:$0x238] =	vst v0  }
0x25: {  	[tilespmem:$0x248] =	vst v0  }
0x26: {  	[tilespmem:$0x258] =	vst v0  }
0x27: {  	[tilespmem:$0x268] =	vst v0  }
0x28: {  	[tilespmem:$0x278] =	vst v0  }
0x29: {  	[tilespmem:$0x288] =	vst v0  }
0x2a: {  	[tilespmem:$0x298] =	vst v0  }
0x2b: {  	[tilespmem:$0x2A8] =	vst v0  }
0x2c: {  	[tilespmem:$0x2B8] =	vst v0  }
0x2d: {  	[tilespmem:$0x2C8] =	vst v0  }
0x2e: {  	[tilespmem:$0x2D8] =	vst v0  }
0x2f: {  	[tilespmem:$0x2E8] =	vst v0  }
0x30: {  	[tilespmem:$0x2F8] =	vst v0  }
0x31: {  	[tilespmem:$0x308] =	vst v0  }
0x32: {  	[tilespmem:$0x318] =	vst v0  }
0x33: {  	[tilespmem:$0x328] =	vst v0  }
0x34: {  	[tilespmem:$0x338] =	vst v0  }
0x35: {  	[tilespmem:$0x348] =	vst v0  }
0x36: {  	[tilespmem:$0x358] =	vst v0  }
0x37: {  	[tilespmem:$0x368] =	vst v0  }
0x38: {  	[tilespmem:$0x378] =	vst v0  }
0x39: {  	[tilespmem:$0x388] =	vst v0  }
0x3a: {  	[tilespmem:$0x398] =	vst v0  }
0x3b: {  	[tilespmem:$0x3A8] =	vst v0  }
0x3c: {  	[tilespmem:$0x3B8] =	vst v0  }
0x3d: {  	[tilespmem:$0x3C8] =	vst v0  }
0x3e: {  	[tilespmem:$0x3D8] =	vst v0  }
0x3f: {  	[tilespmem:$0x3E8] =	vst v0  }
0x40: {  	[tilespmem:$0x3F8] =	vst v0  }
0x41: {  	[tilespmem:$0x408] =	vst v0  }
0x42: {  	[tilespmem:$0x418] =	vst v0  }
0x43: {  	[tilespmem:$0x428] =	vst v0  }
0x44: {  	[tilespmem:$0x438] =	vst v0  }
0x45: {  	[tilespmem:$0x448] =	vst v0  }
0x46: {  	[tilespmem:$0x458] =	vst v0  }
0x47: {  	[tilespmem:$0x468] =	vst v0  }
0x48: {  	[tilespmem:$0x478] =	vst v0  }
0x49: {  	[tilespmem:$0x488] =	vst v0  }
0x4a: {  	[tilespmem:$0x498] =	vst v0  }
0x4b: {  	[tilespmem:$0x4A8] =	vst v0  }
0x4c: {  	[tilespmem:$0x4B8] =	vst v0  }
0x4d: {  	[tilespmem:$0x4C8] =	vst v0  }
0x4e: {  	[tilespmem:$0x4D8] =	vst v0  }
0x4f: {  	[tilespmem:$0x4E8] =	vst v0  }
0x50: {  	[tilespmem:$0x4F8] =	vst v0  }
0x51: {  	[tilespmem:$0x508] =	vst v0  }
0x52: {  	[tilespmem:$0x518] =	vst v0  }
0x53: {  	[tilespmem:$0x528] =	vst v0  }
0x54: {  	[tilespmem:$0x538] =	vst v0  }
0x55: {  	[tilespmem:$0x548] =	vst v0  }
0x56: {  	[tilespmem:$0x558] =	vst v0  }
0x57: {  	[tilespmem:$0x568] =	vst v0  }
0x58: {  	[tilespmem:$0x578] =	vst v0  }
0x59: {  	[tilespmem:$0x588] =	vst v0  }
0x5a: {  	[tilespmem:$0x598] =	vst v0  }
0x5b: {  	[tilespmem:$0x5A8] =	vst v0  }
0x5c: {  	[tilespmem:$0x5B8] =	vst v0  }
0x5d: {  	[tilespmem:$0x5C8] =	vst v0  }
0x5e: {  	[tilespmem:$0x5D8] =	vst v0  }
0x5f: {  	[tilespmem:$0x5E8] =	vst v0  }
0x60: {  	[tilespmem:$0x5F8] =	vst v0  }
0x61: {  	[tilespmem:$0x608] =	vst v0  }
0x62: {  	[tilespmem:$0x618] =	vst v0  }
0x63: {  	[tilespmem:$0x628] =	vst v0  }
0x64: {  	[tilespmem:$0x638] =	vst v0  }
0x65: {  	[tilespmem:$0x648] =	vst v0  }
0x66: {  	[tilespmem:$0x658] =	vst v0  }
0x67: {  	[tilespmem:$0x668] =	vst v0  }
0x68: {  	[tilespmem:$0x678] =	vst v0  }
0x69: {  	[tilespmem:$0x688] =	vst v0  }
0x6a: {  	[tilespmem:$0x698] =	vst v0  }
0x6b: {  	[tilespmem:$0x6A8] =	vst v0  }
0x6c: {  	[tilespmem:$0x6B8] =	vst v0  }
0x6d: {  	[tilespmem:$0x6C8] =	vst v0  }
0x6e: {  	[tilespmem:$0x6D8] =	vst v0  }
0x6f: {  	[tilespmem:$0x6E8] =	vst v0  }
0x70: {  	[tilespmem:$0x6F8] =	vst v0  }
0x71: {  	[tilespmem:$0x708] =	vst v0  }
0x72: {  	[tilespmem:$0x718] =	vst v0  }
0x73: {  	[tilespmem:$0x728] =	vst v0  }
0x74: {  	[tilespmem:$0x738] =	vst v0  }
0x75: {  	[tilespmem:$0x748] =	vst v0  }
0x76: {  	[tilespmem:$0x758] =	vst v0  }
0x77: {  	[tilespmem:$0x768] =	vst v0  }
0x78: {  	[tilespmem:$0x778] =	vst v0  }
0x79: {  	[tilespmem:$0x788] =	vst v0  }
0x7a: {  	[tilespmem:$0x798] =	vst v0  }
0x7b: {  	[tilespmem:$0x7A8] =	vst v0  }
0x7c: {  	[tilespmem:$0x7B8] =	vst v0  }
0x7d: {  	[tilespmem:$0x7C8] =	vst v0  }
0x7e: {  	[tilespmem:$0x7D8] =	vst v0  }
0x7f: {  	[tilespmem:$0x7E8] =	vst v0  }
0x80: {  	[tilespmem:$0x7F8] =	vst v0  }
0x81: {  	[tilespmem:$0x808] =	vst v0  }
0x82: {  	[tilespmem:$0x818] =	vst v0  }
0x83: {  	[tilespmem:$0x828] =	vst v0  }
0x84: {  	[tilespmem:$0x838] =	vst v0  }
0x85: {  	[tilespmem:$0x848] =	vst v0  }
0x86: {  	[tilespmem:$0x858] =	vst v0  }
0x87: {  	[tilespmem:$0x868] =	vst v0  }
0x88: {  	[tilespmem:$0x878] =	vst v0  }
0x89: {  	[tilespmem:$0x888] =	vst v0  }
0x8a: {  	[tilespmem:$0x898] =	vst v0  }
0x8b: {  	[tilespmem:$0x8A8] =	vst v0  }
0x8c: {  	[tilespmem:$0x8B8] =	vst v0  }
0x8d: {  	[tilespmem:$0x8C8] =	vst v0  }
0x8e: {  	[tilespmem:$0x8D8] =	vst v0  }
0x8f: {  	[tilespmem:$0x8E8] =	vst v0  }
0x90: {  	[tilespmem:$0x8F8] =	vst v0  }
0x91: {  	[tilespmem:$0x908] =	vst v0  }
0x92: {  	[tilespmem:$0x918] =	vst v0  }
0x93: {  	[tilespmem:$0x928] =	vst v0  }
0x94: {  	[tilespmem:$0x938] =	vst v0  }
0x95: {  	[tilespmem:$0x948] =	vst v0  }
0x96: {  	[tilespmem:$0x958] =	vst v0  }
0x97: {  	[tilespmem:$0x968] =	vst v0  }
0x98: {  	[tilespmem:$0x978] =	vst v0  }
0x99: {  	[tilespmem:$0x988] =	vst v0  }
0x9a: {  	[tilespmem:$0x998] =	vst v0  }
0x9b: {  	[tilespmem:$0x9A8] =	vst v0  }
0x9c: {  	[tilespmem:$0x9B8] =	vst v0  }
0x9d: {  	[tilespmem:$0x9C8] =	vst v0  }
0x9e: {  	[tilespmem:$0x9D8] =	vst v0  }
0x9f: {  	[tilespmem:$0x9E8] =	vst v0  }
0xa0: {  	[tilespmem:$0x9F8] =	vst v0  }
0xa1: {  	[tilespmem:$0xA08] =	vst v0  }
0xa2: {  	[tilespmem:$0xA18] =	vst v0  }
0xa3: {  	[tilespmem:$0xA28] =	vst v0  }
0xa4: {  	[tilespmem:$0xA38] =	vst v0  }
0xa5: {  	[tilespmem:$0xA48] =	vst v0  }
0xa6: {  	[tilespmem:$0xA58] =	vst v0  }
0xa7: {  	[tilespmem:$0xA68] =	vst v0  }
0xa8: {  	[tilespmem:$0xA78] =	vst v0  }
0xa9: {  	[tilespmem:$0xA88] =	vst v0  }
0xaa: {  	[tilespmem:$0xA98] =	vst v0  }
0xab: {  	[tilespmem:$0xAA8] =	vst v0  }
0xac: {  	[tilespmem:$0xAB8] =	vst v0  }
0xad: {  	[tilespmem:$0xAC8] =	vst v0  }
0xae: {  	[tilespmem:$0xAD8] =	vst v0  }
0xaf: {  	[tilespmem:$0xAE8] =	vst v0  }
0xb0: {  	[tilespmem:$0xAF8] =	vst v0  }
0xb1: {  	[tilespmem:$0xB08] =	vst v0  }
0xb2: {  	[tilespmem:$0xB18] =	vst v0  }
0xb3: {  	[tilespmem:$0xB28] =	vst v0  }
0xb4: {  	[tilespmem:$0xB38] =	vst v0  }
0xb5: {  	[tilespmem:$0xB48] =	vst v0  }
0xb6: {  	[tilespmem:$0xB58] =	vst v0  }
0xb7: {  	[tilespmem:$0xB68] =	vst v0  }
0xb8: {  	[tilespmem:$0xB78] =	vst v0  }
0xb9: {  	[tilespmem:$0xB88] =	vst v0  }
0xba: {  	[tilespmem:$0xB98] =	vst v0  }
0xbb: {  	[tilespmem:$0xBA8] =	vst v0  }
0xbc: {  	[tilespmem:$0xBB8] =	vst v0  }
0xbd: {  	[tilespmem:$0xBC8] =	vst v0  }
0xbe: {  	[tilespmem:$0xBD8] =	vst v0  }
0xbf: {  	[tilespmem:$0xBE8] =	vst v0  }
0xc0: {  	[tilespmem:$0xBF8] =	vst v0  }
0xc1: {  	[tilespmem:$0xC08] =	vst v0  }
0xc2: {  	[tilespmem:$0xC18] =	vst v0  }
0xc3: {  	[tilespmem:$0xC28] =	vst v0  }
0xc4: {  	[tilespmem:$0xC38] =	vst v0  }
0xc5: {  	[tilespmem:$0xC48] =	vst v0  }
0xc6: {  	[tilespmem:$0xC58] =	vst v0  }
0xc7: {  	[tilespmem:$0xC68] =	vst v0  }
0xc8: {  	[tilespmem:$0xC78] =	vst v0  }
0xc9: {  	[tilespmem:$0xC88] =	vst v0  }
0xca: {  	[tilespmem:$0xC98] =	vst v0  }
0xcb: {  	[tilespmem:$0xCA8] =	vst v0  }
0xcc: {  	[tilespmem:$0xCB8] =	vst v0  }
0xcd: {  	[tilespmem:$0xCC8] =	vst v0  }
0xce: {  	[tilespmem:$0xCD8] =	vst v0  }
0xcf: {  	[tilespmem:$0xCE8] =	vst v0  }
0xd0: {  	[tilespmem:$0xCF8] =	vst v0  }
0xd1: {  	[tilespmem:$0xD08] =	vst v0  }
0xd2: {  	[tilespmem:$0xD18] =	vst v0  }
0xd3: {  	[tilespmem:$0xD28] =	vst v0  }
0xd4: {  	[tilespmem:$0xD38] =	vst v0  }
0xd5: {  	[tilespmem:$0xD48] =	vst v0  }
0xd6: {  	[tilespmem:$0xD58] =	vst v0  }
0xd7: {  	[tilespmem:$0xD68] =	vst v0  }
0xd8: {  	[tilespmem:$0xD78] =	vst v0  }
0xd9: {  	[tilespmem:$0xD88] =	vst v0  }
0xda: {  	[tilespmem:$0xD98] =	vst v0  }
0xdb: {  	[tilespmem:$0xDA8] =	vst v0  }
0xdc: {  	[tilespmem:$0xDB8] =	vst v0  }
0xdd: {  	[tilespmem:$0xDC8] =	vst v0  }
0xde: {  	[tilespmem:$0xDD8] =	vst v0  }
0xdf: {  	[tilespmem:$0xDE8] =	vst v0  }
0xe0: {  	[tilespmem:$0xDF8] =	vst v0  }
0xe1: {  	[tilespmem:$0xE08] =	vst v0  }
0xe2: {  	[tilespmem:$0xE18] =	vst v0  }
0xe3: {  	[tilespmem:$0xE28] =	vst v0  }
0xe4: {  	[tilespmem:$0xE38] =	vst v0  }
0xe5: {  	[tilespmem:$0xE48] =	vst v0  }
0xe6: {  	[tilespmem:$0xE58] =	vst v0  }
0xe7: {  	[tilespmem:$0xE68] =	vst v0  }
0xe8: {  	[tilespmem:$0xE78] =	vst v0  }
0xe9: {  	[tilespmem:$0xE88] =	vst v0  }
0xea: {  	[tilespmem:$0xE98] =	vst v0  }
0xeb: {  	[tilespmem:$0xEA8] =	vst v0  }
0xec: {  	[tilespmem:$0xEB8] =	vst v0  }
0xed: {  	[tilespmem:$0xEC8] =	vst v0  }
0xee: {  	[tilespmem:$0xED8] =	vst v0  }
0xef: {  	[tilespmem:$0xEE8] =	vst v0  }
0xf0: {  	[tilespmem:$0xEF8] =	vst v0  }
0xf1: {  	[tilespmem:$0xF08] =	vst v0  }
0xf2: {  	[tilespmem:$0xF18] =	vst v0  }
0xf3: {  	[tilespmem:$0xF28] =	vst v0  }
0xf4: {  	[tilespmem:$0xF38] =	vst v0  }
0xf5: {  	[tilespmem:$0xF48] =	vst v0  }
0xf6: {  	[tilespmem:$0xF58] =	vst v0  }
0xf7: {  	[tilespmem:$0xF68] =	vst v0  }
0xf8: {  	[tilespmem:$0xF78] =	vst v0  }
0xf9: {  	[tilespmem:$0xF88] =	vst v0  }
0xfa: {  	[tilespmem:$0xF98] =	vst v0  }
0xfb: {  	[tilespmem:$0xFA8] =	vst v0  }
0xfc: {  	[tilespmem:$0xFB8] =	vst v0  }
0xfd: {  	[tilespmem:$0xFC8] =	vst v0  }
0xfe: {  	[tilespmem:$0xFD8] =	vst v0  }
0xff: {  	[tilespmem:$0xFE8] =	vst v0  }
0x100: {  	[tilespmem:$0xFF8] =	vst v0  }
0x101: {  	[tilespmem:$0x1008] =	vst v0  }
0x102: {  	[tilespmem:$0x1018] =	vst v0  }
0x103: {  	[tilespmem:$0x1028] =	vst v0  }
0x104: {  	[tilespmem:$0x1168] =	vst v0  }
0x105: {  	[tilespmem:$0x1038] =	vst v0  }
0x106: {  	[tilespmem:$0x1048] =	vst v0  }
0x107: {  	[tilespmem:$0x1058] =	vst v0  }
0x108: {  	[tilespmem:$0x1068] =	vst v0  }
0x109: {  	[tilespmem:$0x1078] =	vst v0  }
0x10a: {  	[tilespmem:$0x1088] =	vst v0  }
0x10b: {  	[tilespmem:$0x1098] =	vst v0  }
0x10c: {  	[tilespmem:$0x10A8] =	vst v0  }
0x10d: {  	[tilespmem:$0x10B8] =	vst v0  }
0x10e: {  	[tilespmem:$0x10C8] =	vst v0  }
0x10f: {  	[tilespmem:$0x10D8] =	vst v0  }
0x110: {  	[tilespmem:$0x10E8] =	vst v0  }
0x111: {  	[tilespmem:$0x10F8] =	vst v0  }
0x112: {  	[tilespmem:$0x1108] =	vst v0  }
0x113: {  	[tilespmem:$0x1118] =	vst v0  }
0x114: {  	[tilespmem:$0x1128] =	vst v0  }
0x115: {  	[tilespmem:$0x1138] =	vst v0  }
0x116: {  	[tilespmem:$0x1148] =	vst v0  }
0x117: {  	[tilespmem:$0x1158] =	vst v0  }
0x118: {  	[tilespmem:$0x1178] =	vst v0  }
0x119: {  	[tilespmem:$0x1188] =	vst v0  }
0x11a: {  	[tilespmem:$0x1198] =	vst v0  }
0x11b: {  	[tilespmem:$0x11A8] =	vst v0  }
0x11c: {  	[tilespmem:$0x11B8] =	vst v0  }
0x11d: {  	[tilespmem:$0x11C8] =	vst v0  }
0x11e: {  	[tilespmem:$0x11D8] =	vst v0  }
0x11f: {  	[tilespmem:$0x11E8] =	vst v0  }
0x120: {  	[tilespmem:$0x11F8] =	vst v0  }
0x121: {  	[tilespmem:$0x1208] =	vst v0  }
0x122: {  	[tilespmem:$0x1218] =	vst v0  }
0x123: {  	[tilespmem:$0x1228] =	vst v0  }
0x124: {  	[tilespmem:$0x1238] =	vst v0  }
0x125: {  	[tilespmem:$0x1248] =	vst v0  }
0x126: {  	[tilespmem:$0x1258] =	vst v0  }
0x127: {  	[tilespmem:$0x1268] =	vst v0  }
0x128: {  	[tilespmem:$0x1278] =	vst v0  }
0x129: {  	[tilespmem:$0x1288] =	vst v0  }
0x12a: {  	[tilespmem:$0x1298] =	vst v0  }
0x12b: {  	[tilespmem:$0x12A8] =	vst v0  }
0x12c: {  	[tilespmem:$0x12B8] =	vst v0  }
0x12d: {  	[tilespmem:$0x12C8] =	vst v0  }
0x12e: {  	[tilespmem:$0x12D8] =	vst v0  }
0x12f: {  	[tilespmem:$0x12E8] =	vst v0  }
0x130: {  	[tilespmem:$0x12F8] =	vst v0  }
0x131: {  	[tilespmem:$0x1308] =	vst v0  }
0x132: {  	[tilespmem:$0x1318] =	vst v0  }
0x133: {  	[tilespmem:$0x1328] =	vst v0  }
0x134: {  	[tilespmem:$0x1338] =	vst v0  }
0x135: {  	[tilespmem:$0x1348] =	vst v0  }
0x136: {  	[tilespmem:$0x1358] =	vst v0  }
0x137: {  	[tilespmem:$0x1368] =	vst v0  }
0x138: {  	[tilespmem:$0x1378] =	vst v0  }
0x139: {  	[tilespmem:$0x1388] =	vst v0  }
0x13a: {  	[tilespmem:$0x1398] =	vst v0  }
0x13b: {  	[tilespmem:$0x13A8] =	vst v0  }
0x13c: {  	[tilespmem:$0x13B8] =	vst v0  }
0x13d: {  	[tilespmem:$0x13C8] =	vst v0  }
0x13e: {  	[tilespmem:$0x13D8] =	vst v0  }
0x13f: {  	[tilespmem:$0x13E8] =	vst v0  }
0x140: {  	[tilespmem:$0x13F8] =	vst v0  }
0x141: {  	[tilespmem:$0x1408] =	vst v0  }
0x142: {  	[tilespmem:$0x1418] =	vst v0  }
0x143: {  	[tilespmem:$0x1428] =	vst v0  }
0x144: {  	[tilespmem:$0x1438] =	vst v0  }
0x145: {  	[tilespmem:$0x1448] =	vst v0  }
0x146: {  	[tilespmem:$0x1458] =	vst v0  }
0x147: {  	[tilespmem:$0x1468] =	vst v0  }
0x148: {  	[tilespmem:$0x1478] =	vst v0  }
0x149: {  	[tilespmem:$0x1488] =	vst v0  }
0x14a: {  	[tilespmem:$0x1498] =	vst v0  }
0x14b: {  	[tilespmem:$0x14A8] =	vst v0  }
0x14c: {  	[tilespmem:$0x14B8] =	vst v0  }
0x14d: {  	[tilespmem:$0x14C8] =	vst v0  }
0x14e: {  	[tilespmem:$0x14D8] =	vst v0  }
0x14f: {  	[tilespmem:$0x14E8] =	vst v0  }
0x150: {  	[tilespmem:$0x14F8] =	vst v0  }
0x151: {  	[tilespmem:$0x1508] =	vst v0  }
0x152: {  	[tilespmem:$0x1518] =	vst v0  }
0x153: {  	[tilespmem:$0x1528] =	vst v0  }
0x154: {  	[tilespmem:$0x1538] =	vst v0  }
0x155: {  	[tilespmem:$0x1548] =	vst v0  }
0x156: {  	[tilespmem:$0x1558] =	vst v0  }
0x157: {  	[tilespmem:$0x1568] =	vst v0  }
0x158: {  	[tilespmem:$0x1578] =	vst v0  }
0x159: {  	[tilespmem:$0x1588] =	vst v0  }
0x15a: {  	[tilespmem:$0x1598] =	vst v0  }
0x15b: {  	[tilespmem:$0x15A8] =	vst v0  }
0x15c: {  	[tilespmem:$0x15B8] =	vst v0  }
0x15d: {  	[tilespmem:$0x15C8] =	vst v0  }
0x15e: {  	[tilespmem:$0x15D8] =	vst v0  }
0x15f: {  	[tilespmem:$0x15E8] =	vst v0  }
0x160: {  	[tilespmem:$0x15F8] =	vst v0  }
0x161: {  	[tilespmem:$0x1608] =	vst v0  }
0x162: {  	[tilespmem:$0x1618] =	vst v0  }
0x163: {  	[tilespmem:$0x1628] =	vst v0  }
0x164: {  	[tilespmem:$0x1638] =	vst v0  }
0x165: {  	[tilespmem:$0x1648] =	vst v0  }
0x166: {  	[tilespmem:$0x1658] =	vst v0  }
0x167: {  	[tilespmem:$0x1668] =	vst v0  }
0x168: {  	[tilespmem:$0x1678] =	vst v0  }
0x169: {  	[tilespmem:$0x1688] =	vst v0  }
0x16a: {  	[tilespmem:$0x1698] =	vst v0  }
0x16b: {  	[tilespmem:$0x16A8] =	vst v0  }
0x16c: {  	[tilespmem:$0x16B8] =	vst v0  }
0x16d: {  	[tilespmem:$0x16C8] =	vst v0  }
0x16e: {  	[tilespmem:$0x16D8] =	vst v0  }
0x16f: {  	[tilespmem:$0x16E8] =	vst v0  }
0x170: {  	[tilespmem:$0x16F8] =	vst v0  }
0x171: {  	[tilespmem:$0x1708] =	vst v0  }
0x172: {  	[tilespmem:$0x1718] =	vst v0  }
0x173: {  	[tilespmem:$0x1728] =	vst v0  }
0x174: {  	[tilespmem:$0x1738] =	vst v0  }
0x175: {  	[tilespmem:$0x1748] =	vst v0  }
0x176: {  	[tilespmem:$0x1758] =	vst v0  }
0x177: {  	[tilespmem:$0x1768] =	vst v0  }
0x178: {  	[tilespmem:$0x1778] =	vst v0  }
0x179: {  	[tilespmem:$0x1788] =	vst v0  }
0x17a: {  	[tilespmem:$0x1798] =	vst v0  }
0x17b: {  	[tilespmem:$0x17A8] =	vst v0  }
0x17c: {  	[tilespmem:$0x17B8] =	vst v0  }
0x17d: {  	[tilespmem:$0x17C8] =	vst v0  }
0x17e: {  	[tilespmem:$0x17D8] =	vst v0  }
0x17f: {  	[tilespmem:$0x17E8] =	vst v0  }
0x180: {  	[tilespmem:$0x17F8] =	vst v0  }
0x181: {  	[tilespmem:$0x1808] =	vst v0  }
0x182: {  	[tilespmem:$0x1818] =	vst v0  }
0x183: {  	[tilespmem:$0x1828] =	vst v0  }
0x184: {  	[tilespmem:$0x1838] =	vst v0  }
0x185: {  	[tilespmem:$0x1848] =	vst v0  }
0x186: {  	[tilespmem:$0x1858] =	vst v0  }
0x187: {  	[tilespmem:$0x1868] =	vst v0  }
0x188: {  	[tilespmem:$0x1878] =	vst v0  }
0x189: {  	[tilespmem:$0x1888] =	vst v0  }
0x18a: {  	[tilespmem:$0x1898] =	vst v0  }
0x18b: {  	[tilespmem:$0x18A8] =	vst v0  }
0x18c: {  	[tilespmem:$0x18B8] =	vst v0  }
0x18d: {  	[tilespmem:$0x18C8] =	vst v0  }
0x18e: {  	[tilespmem:$0x18D8] =	vst v0  }
0x18f: {  	[tilespmem:$0x18E8] =	vst v0  }
0x190: {  	[tilespmem:$0x18F8] =	vst v0  }
0x191: {  	[tilespmem:$0x1908] =	vst v0  }
0x192: {  	[tilespmem:$0x1918] =	vst v0  }
0x193: {  	[tilespmem:$0x1928] =	vst v0  }
0x194: {  	[tilespmem:$0x1938] =	vst v0  }
0x195: {  	[tilespmem:$0x1948] =	vst v0  }
0x196: {  	[tilespmem:$0x1958] =	vst v0  }
0x197: {  	[tilespmem:$0x1968] =	vst v0  }
0x198: {  	[tilespmem:$0x1978] =	vst v0  }
0x199: {  	[tilespmem:$0x1988] =	vst v0  }
0x19a: {  	[tilespmem:$0x1998] =	vst v0  }
0x19b: {  	[tilespmem:$0x19A8] =	vst v0  }
0x19c: {  	[tilespmem:$0x19B8] =	vst v0  }
0x19d: {  	[tilespmem:$0x19C8] =	vst v0  }
0x19e: {  	[tilespmem:$0x19D8] =	vst v0  }
0x19f: {  	[tilespmem:$0x19E8] =	vst v0  }
0x1a0: {  	[tilespmem:$0x19F8] =	vst v0  }
0x1a1: {  	[tilespmem:$0x1A08] =	vst v0  }
0x1a2: {  	[tilespmem:$0x1A18] =	vst v0  }
0x1a3: {  	[tilespmem:$0x1A28] =	vst v0  }
0x1a4: {  	[tilespmem:$0x1A38] =	vst v0  }
0x1a5: {  	[tilespmem:$0x1A48] =	vst v0  }
0x1a6: {  	[tilespmem:$0x1A58] =	vst v0  }
0x1a7: {  	[tilespmem:$0x1A68] =	vst v0  }
0x1a8: {  	[tilespmem:$0x1A78] =	vst v0  }
0x1a9: {  	[tilespmem:$0x1A88] =	vst v0  }
0x1aa: {  	[tilespmem:$0x1A98] =	vst v0  }
0x1ab: {  	[tilespmem:$0x1AA8] =	vst v0  }
0x1ac: {  	[tilespmem:$0x1AB8] =	vst v0  }
0x1ad: {  	[tilespmem:$0x1AC8] =	vst v0  }
0x1ae: {  	[tilespmem:$0x1AD8] =	vst v0  }
0x1af: {  	[tilespmem:$0x1AE8] =	vst v0  }
0x1b0: {  	[tilespmem:$0x1AF8] =	vst v0  }
0x1b1: {  	[tilespmem:$0x1B08] =	vst v0  }
0x1b2: {  	[tilespmem:$0x1B18] =	vst v0  }
0x1b3: {  	[tilespmem:$0x1B28] =	vst v0  }
0x1b4: {  	[tilespmem:$0x1B38] =	vst v0  }
0x1b5: {  	[tilespmem:$0x1B48] =	vst v0  }
0x1b6: {  	[tilespmem:$0x1B58] =	vst v0  }
0x1b7: {  	[tilespmem:$0x1B68] =	vst v0  }
0x1b8: {  	[tilespmem:$0x1B78] =	vst v0  }
0x1b9: {  	[tilespmem:$0x1B88] =	vst v0  }
0x1ba: {  	[tilespmem:$0x1B98] =	vst v0  }
0x1bb: {  	[tilespmem:$0x1BA8] =	vst v0  }
0x1bc: {  	[tilespmem:$0x1BB8] =	vst v0  }
0x1bd: {  	[tilespmem:$0x1BC8] =	vst v0  }
0x1be: {  	[tilespmem:$0x1BD8] =	vst v0  }
0x1bf: {  	[tilespmem:$0x1BE8] =	vst v0  }
0x1c0: {  	[tilespmem:$0x1BF8] =	vst v0  }
0x1c1: {  	[tilespmem:$0x1C08] =	vst v0  }
0x1c2: {  	[tilespmem:$0x1C18] =	vst v0  }
0x1c3: {  	[tilespmem:$0x1C28] =	vst v0  }
0x1c4: {  	[tilespmem:$0x1C38] =	vst v0  }
0x1c5: {  	[tilespmem:$0x1C48] =	vst v0  }
0x1c6: {  	[tilespmem:$0x1C58] =	vst v0  }
0x1c7: {  	[tilespmem:$0x1C68] =	vst v0  }
0x1c8: {  	[tilespmem:$0x1C78] =	vst v0  }
0x1c9: {  	[tilespmem:$0x1C88] =	vst v0  }
0x1ca: {  	[tilespmem:$0x1C98] =	vst v0  }
0x1cb: {  	[tilespmem:$0x1CA8] =	vst v0  }
0x1cc: {  	[tilespmem:$0x1CB8] =	vst v0  }
0x1cd: {  	[tilespmem:$0x1CC8] =	vst v0  }
0x1ce: {  	[tilespmem:$0x1CD8] =	vst v0  }
0x1cf: {  	[tilespmem:$0x1CE8] =	vst v0  }
0x1d0: {  	[tilespmem:$0x1CF8] =	vst v0  }
0x1d1: {  	[tilespmem:$0x1D08] =	vst v0  }
0x1d2: {  	[tilespmem:$0x1D18] =	vst v0  }
0x1d3: {  	[tilespmem:$0x1D28] =	vst v0  }
0x1d4: {  	[tilespmem:$0x1D38] =	vst v0  }
0x1d5: {  	[tilespmem:$0x1D48] =	vst v0  }
0x1d6: {  	[tilespmem:$0x1D58] =	vst v0  }
0x1d7: {  	[tilespmem:$0x1D68] =	vst v0  }
0x1d8: {  	[tilespmem:$0x1D78] =	vst v0  }
0x1d9: {  	[tilespmem:$0x1D88] =	vst v0  }
0x1da: {  	[tilespmem:$0x1D98] =	vst v0  }
0x1db: {  	[tilespmem:$0x1DA8] =	vst v0  }
0x1dc: {  	[tilespmem:$0x1DB8] =	vst v0  }
0x1dd: {  	[tilespmem:$0x1DC8] =	vst v0  }
0x1de: {  	[tilespmem:$0x1DD8] =	vst v0  }
0x1df: {  	[tilespmem:$0x1DE8] =	vst v0  }
0x1e0: {  	[tilespmem:$0x1DF8] =	vst v0  }
0x1e1: {  	[tilespmem:$0x1E08] =	vst v0  }
0x1e2: {  	[tilespmem:$0x1E18] =	vst v0  }
0x1e3: {  	[tilespmem:$0x1E28] =	vst v0  }
0x1e4: {  	[tilespmem:$0x1E38] =	vst v0  }
0x1e5: {  	[tilespmem:$0x1E48] =	vst v0  }
0x1e6: {  	[tilespmem:$0x1E58] =	vst v0  }
0x1e7: {  	[tilespmem:$0x1E68] =	vst v0  }
0x1e8: {  	[tilespmem:$0x1E78] =	vst v0  }
0x1e9: {  	[tilespmem:$0x1E88] =	vst v0  }
0x1ea: {  	[tilespmem:$0x1E98] =	vst v0  }
0x1eb: {  	[tilespmem:$0x1EA8] =	vst v0  }
0x1ec: {  	[tilespmem:$0x1EB8] =	vst v0  }
0x1ed: {  	[tilespmem:$0x1EC8] =	vst v0  }
0x1ee: {  	[tilespmem:$0x1ED8] =	vst v0  }
0x1ef: {  	[tilespmem:$0x1EE8] =	vst v0  }
0x1f0: {  	[tilespmem:$0x1EF8] =	vst v0  }
0x1f1: {  	[tilespmem:$0x1F08] =	vst v0  }
0x1f2: {  	[tilespmem:$0x1F18] =	vst v0  }
0x1f3: {  	[tilespmem:$0x1F28] =	vst v0  }
0x1f4: {  	[tilespmem:$0x1F38] =	vst v0  }
0x1f5: {  	[tilespmem:$0x1F48] =	vst v0  }
0x1f6: {  	[tilespmem:$0x1F58] =	vst v0  }
0x1f7: {  	[tilespmem:$0x1F68] =	vst v0  }
0x1f8: {  	[tilespmem:$0x1F78] =	vst v0  }
0x1f9: {  	[tilespmem:$0x1F88] =	vst v0  }
0x1fa: {  	[tilespmem:$0x1F98] =	vst v0  }
0x1fb: {  	[tilespmem:$0x1FA8] =	vst v0  }
0x1fc: {  	[tilespmem:$0x1FB8] =	vst v0  }
0x1fd: {  	[tilespmem:$0x1FC8] =	vst v0  }
0x1fe: {  	[tilespmem:$0x1FD8] =	vst v0  }
0x1ff: {  	[tilespmem:$0x1FE8] =	vst v0  }
0x200: {  	[tilespmem:$0x1FF8] =	vst v0  }
0x201: {  	[tilespmem:$0x2008] =	vst v0  }
0x202: {  	[tilespmem:$0x2018] =	vst v0  }
0x203: {  	[tilespmem:$0x2028] =	vst v0  }
0x204: {  	[tilespmem:$0x2038] =	vst v0  }
0x205: {  	[tilespmem:$0x2048] =	vst v0  }
0x206: {  	[tilespmem:$0x2058] =	vst v0  }
0x207: {  	[tilespmem:$0x2068] =	vst v0  }
0x208: {  	[tilespmem:$0x2078] =	vst v0  }
0x209: {  	[tilespmem:$0x2088] =	vst v0  }
0x20a: {  	[tilespmem:$0x2098] =	vst v0  }
0x20b: {  	[tilespmem:$0x20A8] =	vst v0  }
0x20c: {  	[tilespmem:$0x20B8] =	vst v0  }
0x20d: {  	[tilespmem:$0x20C8] =	vst v0  }
0x20e: {  	[tilespmem:$0x20D8] =	vst v0  }
0x20f: {  	[tilespmem:$0x20E8] =	vst v0  }
0x210: {  	[tilespmem:$0x20F8] =	vst v0  }
0x211: {  	[tilespmem:$0x2108] =	vst v0  }
0x212: {  	[tilespmem:$0x2118] =	vst v0  }
0x213: {  	[tilespmem:$0x2128] =	vst v0  }
0x214: {  	[tilespmem:$0x2138] =	vst v0  }
0x215: {  	[tilespmem:$0x2148] =	vst v0  }
0x216: {  	[tilespmem:$0x2158] =	vst v0  }
0x217: {  	[tilespmem:$0x2168] =	vst v0  }
0x218: {  	[tilespmem:$0x2218] =	vst v0  }
0x219: {  	[tilespmem:$0x3058] =	vst v0  }
0x21a: {  	[tilespmem:$0x21A8] =	vst v0  }
0x21b: {  	[tilespmem:$0x3048] =	vst v0  }
0x21c: {  	[tilespmem:$0x3038] =	vst v0  }
0x21d: {  	[tilespmem:$0x3028] =	vst v0  }
0x21e: {  	[tilespmem:$0x3018] =	vst v0  }
0x21f: {  	[tilespmem:$0x3008] =	vst v0  }
0x220: {  	[tilespmem:$0x2FF8] =	vst v0  }
0x221: {  	[tilespmem:$0x2FE8] =	vst v0  }
0x222: {  	[tilespmem:$0x2FD8] =	vst v0  }
0x223: {  	[tilespmem:$0x2FC8] =	vst v0  }
0x224: {  	[tilespmem:$0x2FB8] =	vst v0  }
0x225: {  	[tilespmem:$0x2FA8] =	vst v0  }
0x226: {  	[tilespmem:$0x2F98] =	vst v0  }
0x227: {  	[tilespmem:$0x2F88] =	vst v0  }
0x228: {  	[tilespmem:$0x2F78] =	vst v0  }
0x229: {  	[tilespmem:$0x2F68] =	vst v0  }
0x22a: {  	[tilespmem:$0x2F58] =	vst v0  }
0x22b: {  	[tilespmem:$0x2F48] =	vst v0  }
0x22c: {  	[tilespmem:$0x2F38] =	vst v0  }
0x22d: {  	[tilespmem:$0x2F28] =	vst v0  }
0x22e: {  	[tilespmem:$0x2F18] =	vst v0  }
0x22f: {  	[tilespmem:$0x2F08] =	vst v0  }
0x230: {  	[tilespmem:$0x2EF8] =	vst v0  }
0x231: {  	[tilespmem:$0x2EE8] =	vst v0  }
0x232: {  	[tilespmem:$0x2ED8] =	vst v0  }
0x233: {  	[tilespmem:$0x2EC8] =	vst v0  }
0x234: {  	[tilespmem:$0x2EB8] =	vst v0  }
0x235: {  	[tilespmem:$0x2EA8] =	vst v0  }
0x236: {  	[tilespmem:$0x2E98] =	vst v0  }
0x237: {  	[tilespmem:$0x2E88] =	vst v0  }
0x238: {  	[tilespmem:$0x2E78] =	vst v0  }
0x239: {  	[tilespmem:$0x2E68] =	vst v0  }
0x23a: {  	[tilespmem:$0x2E58] =	vst v0  }
0x23b: {  	[tilespmem:$0x2E48] =	vst v0  }
0x23c: {  	[tilespmem:$0x2E38] =	vst v0  }
0x23d: {  	[tilespmem:$0x2E28] =	vst v0  }
0x23e: {  	[tilespmem:$0x2E18] =	vst v0  }
0x23f: {  	[tilespmem:$0x2E08] =	vst v0  }
0x240: {  	[tilespmem:$0x2DF8] =	vst v0  }
0x241: {  	[tilespmem:$0x2DE8] =	vst v0  }
0x242: {  	[tilespmem:$0x2DD8] =	vst v0  }
0x243: {  	[tilespmem:$0x2DC8] =	vst v0  }
0x244: {  	[tilespmem:$0x2DB8] =	vst v0  }
0x245: {  	[tilespmem:$0x2DA8] =	vst v0  }
0x246: {  	[tilespmem:$0x2D98] =	vst v0  }
0x247: {  	[tilespmem:$0x2D88] =	vst v0  }
0x248: {  	[tilespmem:$0x2D78] =	vst v0  }
0x249: {  	[tilespmem:$0x2D68] =	vst v0  }
0x24a: {  	[tilespmem:$0x2D58] =	vst v0  }
0x24b: {  	[tilespmem:$0x2D48] =	vst v0  }
0x24c: {  	[tilespmem:$0x2D38] =	vst v0  }
0x24d: {  	[tilespmem:$0x2D28] =	vst v0  }
0x24e: {  	[tilespmem:$0x2D18] =	vst v0  }
0x24f: {  	[tilespmem:$0x2D08] =	vst v0  }
0x250: {  	[tilespmem:$0x2CF8] =	vst v0  }
0x251: {  	[tilespmem:$0x2CE8] =	vst v0  }
0x252: {  	[tilespmem:$0x2CD8] =	vst v0  }
0x253: {  	[tilespmem:$0x2CC8] =	vst v0  }
0x254: {  	[tilespmem:$0x2CB8] =	vst v0  }
0x255: {  	[tilespmem:$0x2CA8] =	vst v0  }
0x256: {  	[tilespmem:$0x2C98] =	vst v0  }
0x257: {  	[tilespmem:$0x2C88] =	vst v0  }
0x258: {  	[tilespmem:$0x2C78] =	vst v0  }
0x259: {  	[tilespmem:$0x2C68] =	vst v0  }
0x25a: {  	[tilespmem:$0x2C58] =	vst v0  }
0x25b: {  	[tilespmem:$0x2C48] =	vst v0  }
0x25c: {  	[tilespmem:$0x2C38] =	vst v0  }
0x25d: {  	[tilespmem:$0x2C28] =	vst v0  }
0x25e: {  	[tilespmem:$0x2C18] =	vst v0  }
0x25f: {  	[tilespmem:$0x2C08] =	vst v0  }
0x260: {  	[tilespmem:$0x2BF8] =	vst v0  }
0x261: {  	[tilespmem:$0x2BE8] =	vst v0  }
0x262: {  	[tilespmem:$0x2BD8] =	vst v0  }
0x263: {  	[tilespmem:$0x2BC8] =	vst v0  }
0x264: {  	[tilespmem:$0x2BB8] =	vst v0  }
0x265: {  	[tilespmem:$0x2BA8] =	vst v0  }
0x266: {  	[tilespmem:$0x2B98] =	vst v0  }
0x267: {  	[tilespmem:$0x2B88] =	vst v0  }
0x268: {  	[tilespmem:$0x2B78] =	vst v0  }
0x269: {  	[tilespmem:$0x2B68] =	vst v0  }
0x26a: {  	[tilespmem:$0x2B58] =	vst v0  }
0x26b: {  	[tilespmem:$0x2B48] =	vst v0  }
0x26c: {  	[tilespmem:$0x2B38] =	vst v0  }
0x26d: {  	[tilespmem:$0x2B28] =	vst v0  }
0x26e: {  	[tilespmem:$0x2B18] =	vst v0  }
0x26f: {  	[tilespmem:$0x2B08] =	vst v0  }
0x270: {  	[tilespmem:$0x2AF8] =	vst v0  }
0x271: {  	[tilespmem:$0x2AE8] =	vst v0  }
0x272: {  	[tilespmem:$0x2AD8] =	vst v0  }
0x273: {  	[tilespmem:$0x2AC8] =	vst v0  }
0x274: {  	[tilespmem:$0x2AB8] =	vst v0  }
0x275: {  	[tilespmem:$0x2AA8] =	vst v0  }
0x276: {  	[tilespmem:$0x2A98] =	vst v0  }
0x277: {  	[tilespmem:$0x2A88] =	vst v0  }
0x278: {  	[tilespmem:$0x2A78] =	vst v0  }
0x279: {  	[tilespmem:$0x2A68] =	vst v0  }
0x27a: {  	[tilespmem:$0x2A58] =	vst v0  }
0x27b: {  	[tilespmem:$0x2A48] =	vst v0  }
0x27c: {  	[tilespmem:$0x2A38] =	vst v0  }
0x27d: {  	[tilespmem:$0x2A28] =	vst v0  }
0x27e: {  	[tilespmem:$0x2A18] =	vst v0  }
0x27f: {  	[tilespmem:$0x2A08] =	vst v0  }
0x280: {  	[tilespmem:$0x29F8] =	vst v0  }
0x281: {  	[tilespmem:$0x29E8] =	vst v0  }
0x282: {  	[tilespmem:$0x29D8] =	vst v0  }
0x283: {  	[tilespmem:$0x29C8] =	vst v0  }
0x284: {  	[tilespmem:$0x29B8] =	vst v0  }
0x285: {  	[tilespmem:$0x29A8] =	vst v0  }
0x286: {  	[tilespmem:$0x2998] =	vst v0  }
0x287: {  	[tilespmem:$0x2988] =	vst v0  }
0x288: {  	[tilespmem:$0x2978] =	vst v0  }
0x289: {  	[tilespmem:$0x2968] =	vst v0  }
0x28a: {  	[tilespmem:$0x2958] =	vst v0  }
0x28b: {  	[tilespmem:$0x2948] =	vst v0  }
0x28c: {  	[tilespmem:$0x2938] =	vst v0  }
0x28d: {  	[tilespmem:$0x2928] =	vst v0  }
0x28e: {  	[tilespmem:$0x2918] =	vst v0  }
0x28f: {  	[tilespmem:$0x2908] =	vst v0  }
0x290: {  	[tilespmem:$0x28F8] =	vst v0  }
0x291: {  	[tilespmem:$0x28E8] =	vst v0  }
0x292: {  	[tilespmem:$0x28D8] =	vst v0  }
0x293: {  	[tilespmem:$0x28C8] =	vst v0  }
0x294: {  	[tilespmem:$0x28B8] =	vst v0  }
0x295: {  	[tilespmem:$0x28A8] =	vst v0  }
0x296: {  	[tilespmem:$0x2898] =	vst v0  }
0x297: {  	[tilespmem:$0x2888] =	vst v0  }
0x298: {  	[tilespmem:$0x2878] =	vst v0  }
0x299: {  	[tilespmem:$0x2868] =	vst v0  }
0x29a: {  	[tilespmem:$0x2858] =	vst v0  }
0x29b: {  	[tilespmem:$0x2848] =	vst v0  }
0x29c: {  	[tilespmem:$0x2838] =	vst v0  }
0x29d: {  	[tilespmem:$0x2828] =	vst v0  }
0x29e: {  	[tilespmem:$0x2818] =	vst v0  }
0x29f: {  	[tilespmem:$0x2808] =	vst v0  }
0x2a0: {  	[tilespmem:$0x27F8] =	vst v0  }
0x2a1: {  	[tilespmem:$0x27E8] =	vst v0  }
0x2a2: {  	[tilespmem:$0x27D8] =	vst v0  }
0x2a3: {  	[tilespmem:$0x27C8] =	vst v0  }
0x2a4: {  	[tilespmem:$0x27B8] =	vst v0  }
0x2a5: {  	[tilespmem:$0x27A8] =	vst v0  }
0x2a6: {  	[tilespmem:$0x2798] =	vst v0  }
0x2a7: {  	[tilespmem:$0x2788] =	vst v0  }
0x2a8: {  	[tilespmem:$0x2778] =	vst v0  }
0x2a9: {  	[tilespmem:$0x2768] =	vst v0  }
0x2aa: {  	[tilespmem:$0x2758] =	vst v0  }
0x2ab: {  	[tilespmem:$0x2748] =	vst v0  }
0x2ac: {  	[tilespmem:$0x2738] =	vst v0  }
0x2ad: {  	[tilespmem:$0x2728] =	vst v0  }
0x2ae: {  	[tilespmem:$0x2718] =	vst v0  }
0x2af: {  	[tilespmem:$0x2708] =	vst v0  }
0x2b0: {  	[tilespmem:$0x26F8] =	vst v0  }
0x2b1: {  	[tilespmem:$0x26E8] =	vst v0  }
0x2b2: {  	[tilespmem:$0x26D8] =	vst v0  }
0x2b3: {  	[tilespmem:$0x26C8] =	vst v0  }
0x2b4: {  	[tilespmem:$0x26B8] =	vst v0  }
0x2b5: {  	[tilespmem:$0x26A8] =	vst v0  }
0x2b6: {  	[tilespmem:$0x2698] =	vst v0  }
0x2b7: {  	[tilespmem:$0x2688] =	vst v0  }
0x2b8: {  	[tilespmem:$0x2678] =	vst v0  }
0x2b9: {  	[tilespmem:$0x2668] =	vst v0  }
0x2ba: {  	[tilespmem:$0x2658] =	vst v0  }
0x2bb: {  	[tilespmem:$0x2648] =	vst v0  }
0x2bc: {  	[tilespmem:$0x2638] =	vst v0  }
0x2bd: {  	[tilespmem:$0x2628] =	vst v0  }
0x2be: {  	[tilespmem:$0x2618] =	vst v0  }
0x2bf: {  	[tilespmem:$0x2608] =	vst v0  }
0x2c0: {  	[tilespmem:$0x25F8] =	vst v0  }
0x2c1: {  	[tilespmem:$0x25E8] =	vst v0  }
0x2c2: {  	[tilespmem:$0x25D8] =	vst v0  }
0x2c3: {  	[tilespmem:$0x25C8] =	vst v0  }
0x2c4: {  	[tilespmem:$0x25B8] =	vst v0  }
0x2c5: {  	[tilespmem:$0x25A8] =	vst v0  }
0x2c6: {  	[tilespmem:$0x2598] =	vst v0  }
0x2c7: {  	[tilespmem:$0x2588] =	vst v0  }
0x2c8: {  	[tilespmem:$0x2578] =	vst v0  }
0x2c9: {  	[tilespmem:$0x2568] =	vst v0  }
0x2ca: {  	[tilespmem:$0x2558] =	vst v0  }
0x2cb: {  	[tilespmem:$0x2548] =	vst v0  }
0x2cc: {  	[tilespmem:$0x2538] =	vst v0  }
0x2cd: {  	[tilespmem:$0x2528] =	vst v0  }
0x2ce: {  	[tilespmem:$0x2518] =	vst v0  }
0x2cf: {  	[tilespmem:$0x2508] =	vst v0  }
0x2d0: {  	[tilespmem:$0x24F8] =	vst v0  }
0x2d1: {  	[tilespmem:$0x24E8] =	vst v0  }
0x2d2: {  	[tilespmem:$0x24D8] =	vst v0  }
0x2d3: {  	[tilespmem:$0x24C8] =	vst v0  }
0x2d4: {  	[tilespmem:$0x24B8] =	vst v0  }
0x2d5: {  	[tilespmem:$0x24A8] =	vst v0  }
0x2d6: {  	[tilespmem:$0x2498] =	vst v0  }
0x2d7: {  	[tilespmem:$0x2488] =	vst v0  }
0x2d8: {  	[tilespmem:$0x2478] =	vst v0  }
0x2d9: {  	[tilespmem:$0x2468] =	vst v0  }
0x2da: {  	[tilespmem:$0x2458] =	vst v0  }
0x2db: {  	[tilespmem:$0x2448] =	vst v0  }
0x2dc: {  	[tilespmem:$0x2438] =	vst v0  }
0x2dd: {  	[tilespmem:$0x2428] =	vst v0  }
0x2de: {  	[tilespmem:$0x2418] =	vst v0  }
0x2df: {  	[tilespmem:$0x2408] =	vst v0  }
0x2e0: {  	[tilespmem:$0x23F8] =	vst v0  }
0x2e1: {  	[tilespmem:$0x23E8] =	vst v0  }
0x2e2: {  	[tilespmem:$0x23D8] =	vst v0  }
0x2e3: {  	[tilespmem:$0x23C8] =	vst v0  }
0x2e4: {  	[tilespmem:$0x23B8] =	vst v0  }
0x2e5: {  	[tilespmem:$0x23A8] =	vst v0  }
0x2e6: {  	[tilespmem:$0x2398] =	vst v0  }
0x2e7: {  	[tilespmem:$0x2388] =	vst v0  }
0x2e8: {  	[tilespmem:$0x2378] =	vst v0  }
0x2e9: {  	[tilespmem:$0x2368] =	vst v0  }
0x2ea: {  	[tilespmem:$0x2358] =	vst v0  }
0x2eb: {  	[tilespmem:$0x2348] =	vst v0  }
0x2ec: {  	[tilespmem:$0x2338] =	vst v0  }
0x2ed: {  	[tilespmem:$0x2328] =	vst v0  }
0x2ee: {  	[tilespmem:$0x2318] =	vst v0  }
0x2ef: {  	[tilespmem:$0x2308] =	vst v0  }
0x2f0: {  	[tilespmem:$0x22F8] =	vst v0  }
0x2f1: {  	[tilespmem:$0x22E8] =	vst v0  }
0x2f2: {  	[tilespmem:$0x22D8] =	vst v0  }
0x2f3: {  	[tilespmem:$0x22C8] =	vst v0  }
0x2f4: {  	[tilespmem:$0x22B8] =	vst v0  }
0x2f5: {  	[tilespmem:$0x22A8] =	vst v0  }
0x2f6: {  	[tilespmem:$0x2298] =	vst v0  }
0x2f7: {  	[tilespmem:$0x2288] =	vst v0  }
0x2f8: {  	s11 =	stileid.u32;
	[tilespmem:$0x2278] =	vst v0  }
0x2f9: {  	s0 =	smul.u32 $0x82, s11;
	[tilespmem:$0x2268] =	vst v0  }
0x2fa: {  	s1 =	smin.u32 s11, $0x6;
	[tilespmem:$0x2258] =	vst v0  }
0x2fb: {  	[tilespmem:$0x2248] =	vst v0;
	s0 =	sadd.s32 s1, s0  }
0x2fc: {  	p0 =	slt.u32 s11, $0x6;
	[tilespmem:$0x2238] =	vst v0;
	s1 =	simm.s32 $0xC480;
	s9 =	smul.u32 $0x180, s0  }
0x2fd: {  	s1 =	simm.s32 @!p0 $0xC300;
	[tilespmem:$0x2228] =	vst v0  }
0x2fe: {  	[tilespmem:$0x21F8] =	vst v0;
	s0 =	sadd.s32 s1, s9  }
0x2ff: {  	s5 =	simm.s32 $0x2;
	[tilespmem:$0x2208] =	vst v0;
	s10 =	smin.u32 s0, $0xC3800  }
0x300: {  	s28 =	simm.s32 $0x9;
	s29 =	simm.s32 $0xA;
	[tilespmem:$0x21E8] =	vst v0;
	s0 =	ssub.s32 s10, s9  }
0x301: {  	s14 =	simm.s32 $0xB;
	s18 =	simm.s32 $0x0;
	[tilespmem:$0x2188] =	vst v0;
	p0 =	sgt.s32 s0, $0x0  }
0x302: {  	p1 =	por $0x0, $0x0;
	s19 =	simm.s32 $0xC;
	[tilespmem:$0x21D8] =	vst v0;
	s0 =	simm.s32 @!p0 $0x0  }
0x303: {  	s23 =	simm.s32 $0x0;
	s20 =	simm.s32 $0x0;
	[tilespmem:$0x21C8] =	vst v0;
	s26 =	smulhi.u32 $0x2AAAAAAB, s0  }
0x304: {  	s22 =	simm.s32 $0x0;
	s4 =	sadd.s32 $0x62200, s8;
	s6 =	sand.u32 $0x1, s2;
	[tilespmem:$0x21B8] =	vst v0  }
0x305: {  	[dreg:$0x5] =	wrdreg s6;
	s6 =	smul.u32 $0x18700, s6;
	[tilespmem:$0x2198] =	vst v0;
	s1 =	sshrl.u32 s26, $0x6  }
0x306: {  	s13 =	sadd.s32 $0x219A00, s8;
	[tilespmem:$0x2178] =	vst v0;
	[sflag:s5] =	ssyncpa.u1 $0x0;
	v0 =	vimm.s32 $0xFFFFFFFF;
	s30 =	smul.u32 $0x180, s1  }
.Ltmp0:
0x307: {  	s16 =	sshll.u32 s11, $0x6;
	[tilespmem:$0x6088] =	vst v0;
	[sflag:s28] =	ssyncpa.u1 $0x0;
	(pc) =	sbr.rel .LBB2_1-.Ltmp0, $4  }
0x308: {  	[sflag:s29] =	ssyncpa.u1 $0x0;
	p0 =	sne.s32 s0, s30;
	s0 =	simm.s32 $0x1  }
0x309: {  	s31 =	sadd.s32 s6, s8;
	s7 =	sadd.s32 s6, s7;
	s0 =	simm.s32 @!p0 $0x0  }
0x30a: {  	[sflag:s14] =	ssyncpa.u1 $0x0;
	s15 =	sadd.s32 $0x1E8C00, s31;
	s8 =	sadd.s32 s0, s1  }
0x30b: {  	v0 =	vlaneseq.u32;
	s21 =	smov.u32 s9;
	p0 =	por $0x1, $0x1;
	s17 =	sadd.s32 $0x1, s8  }
.LBB2_22:
0x30c: {  	s0 =	sshrl.u32 s0, $0x2  }
.LBB2_24:
0x30d: {  	_ =	swait.ge [sflag:s19], s0  }
0x30e: {  	s30 =	ssub.s32 $0x0, s0;
	v1 =	vmov s25;
	vm0 =	veq.s32 v0, $0x0;
	[sflag:s19] =	ssyncset.done $0x0  }
0x30f: {  	vm15 =	veq.s32 v0, $0x2;
	v1 =	vsel vm0, s31, v1;
	[sflag:s19] =	ssyncadd.s32 s30  }
0x310: {  	v1 =	vsel vm15, s23, v1;
	[sflag:s19] =	ssyncpa.u1 $0x1  }
0x311: {  	[tilespmem:$0x6088] =	vst v1  }
.LBB2_25:
0x312: {  	s0 =	sadd.s32 $0x180, s21  }
0x313: {  	s1 =	smov.u32 s9;
	p2 =	slt.s32 s0, s10  }
0x314: {  	s1 =	smov.u32 @p2 s0;
	p2 =	sne.s32 s22, s17  }
.Ltmp1:
0x315: {  	_ = 	snop;
	(pc) =	sbr.rel @!p2 .LBB2_26-.Ltmp1, $4  }
0x316: {  	_ = 	snop  }
0x317: {  	s23 =	smov.u32 s20  }
0x318: {  	s31 =	sadd.s32 $0x1, s22;
	s20 =	smov.u32 s21;
	p0 =	por !p0, !p0  }
0x319: {  	p1 =	por !p1, !p1;
	s22 =	smov.u32 s31;
	s21 =	smov.u32 s1  }
.LBB2_1:
0x31a: {  	p2 =	sge.u32 s22, s8  }
0x31b: {  	s0 =	smulhi.u32 @!p2 $0xAAAAAAAB, s22  }
0x31c: {  	s1 =	smov.u32 s21;
	p3 =	sgt.s32 @!p2 s21, $0xC3680  }
0x31d: {  	s2 =	sshra.s32 @!p2 s21, $0x1F;
	p3 =	por !p3, p2;
	s0 =	sshrl.u32 @!p2 s0, $0x1  }
0x31e: {  	s2 =	sand.u32 @!p2 s2, s21;
	s1 =	simm.s32 @p3 $0xC3680;
	s0 =	smul.u32 @!p2 $0x3, s0  }
0x31f: {  	s1 =	ssub.s32 @!p2 s1, s2  }
0x320: {  	s1 =	sadd.s32 @!p2 $0xFFF3C980, s1;
	s0 =	ssub.s32 @!p2 s22, s0  }
0x321: {  	s2 =	sshll.u32 @!p2 s1, $0x2;
	p3 =	sgt.s32 @!p2 s1, $0x17F;
	s0 =	smul.u32 @!p2 $0x600, s0  }
0x322: {  	s5 =	sand.u32 @!p2 $0x7, s21;
	s1 =	ssub.s32 @!p2 $0x600, s2;
	p3 =	por !p3, p2  }
0x323: {  	s2 =	sshrl.u32 @!p2 s21, $0x3;
	s1 =	sshrl.u32 @!p2 s1, $0x2;
	s0 =	sshrl.u32 @!p2 s0, $0x2  }
0x324: {  	s2 =	sadd.s32 @!p2 s2, s15;
	s1 =	simm.s32 @!p3 $0x0;
	s0 =	sadd.s32 @!p2 $0x64C8, s0  }
0x325: {  	[tilespmem:s0], [sflag:$0xA] =	stream.linear.gather @!p2 [hbm4b:s2+s5], s1, $0x38;
	[tilespmem:$0x1EC48] =	vst v63  }
0x326: {  	s1 =	sadd.s32 $0xFFFFFFFF, s22  }
0x327: {  	p2 =	sge.u32 s1, s8  }
0x328: {  	p3 =	sgt.s32 @!p2 s20, $0xC3680  }
0x329: {  	s0 =	smov.u32 s20;
	s2 =	sshra.s32 @!p2 s20, $0x1F;
	p3 =	por !p3, p2  }
0x32a: {  	s2 =	sand.u32 @!p2 s2, s20;
	s0 =	simm.s32 @p3 $0xC3680  }
0x32b: {  	s0 =	ssub.s32 @!p2 s0, s2  }
0x32c: {  	s0 =	sadd.s32 @!p2 $0xFFF3C980, s0  }
0x32d: {  	s2 =	sshll.u32 @!p2 s0, $0x2  }
0x32e: {  	p3 =	sgt.s32 @!p2 s0, $0x17F;
	s0 =	ssub.s32 @!p2 $0x600, s2  }
0x32f: {  	p3 =	por !p3, p2;
	s0 =	sshrl.u32 @!p2 s0, $0x2  }
0x330: {  	s5 =	simm.s32 @!p2 $0xA;
	s2 =	sand.u32 @!p2 $0x1, s1;
	s0 =	simm.s32 @!p3 $0x0  }
0x331: {  	s2 =	smul.u32 @!p2 $0x600, s2;
	_ =	swait.ge @!p2 [sflag:s5], s0  }
0x332: {  	s6 =	ssub.s32 @!p2 $0x0, s0;
	[sflag:s5] =	ssyncset.done @!p2 $0x0  }
0x333: {  	s2 =	sshrl.u32 @!p2 s2, $0x2;
	[sflag:s5] =	ssyncadd.s32 @!p2 s6;
	s5 =	sshrl.u32 @!p2 s20, $0x3  }
0x334: {  	s2 =	sadd.s32 @!p2 $0x6948, s2;
	s6 =	sand.u32 @!p2 $0x7, s20;
	s5 =	sadd.s32 @!p2 s5, s7  }
0x335: {  	[tilespmem:s2], [sflag:$0xB] =	stream.linear.gather @!p2 [hbm4b:s5+s6], s0, $0x38;
	[tilespmem:$0x1EC48] =	vst v63  }
0x336: {  	s0 =	ssub.s32 @!p2 $0xC3800, s20  }
0x337: {  	p3 =	slt.s32 @!p2 s0, $0x1  }
0x338: {  	p3 =	por p2, p3  }
.Ltmp2:
0x339: {  	_ = 	snop;
	(pc) =	sbr.rel @p3 .LBB2_7-.Ltmp2, $1  }
0x33a: {  	_ =	sdelay $0x3  }
0x33b: {  	s2 =	smulhi.u32 $0xAAAAAAAB, s1;
	_ =	sdelay $0x1  }
0x33c: {  	s2 =	sshrl.u32 s2, $0x1  }
0x33d: {  	s2 =	smul.u32 $0x3, s2;
	_ =	sdelay $0x1  }
0x33e: {  	s29 =	ssub.s32 s1, s2  }
0x33f: {  	s5 =	simm.s32 $0x1;
	s1 =	smul.u32 $0x600, s29  }
.Ltmp3:
0x340: {  	s5 =	simm.s32 @!p0 $0x0;
	(pc) =	sbr.rel .LBB2_4-.Ltmp3, $4  }
0x341: {  	s30 =	smul.u32 $0x30000, s5  }
0x342: {  	p3 =	slt.s32 @!p2 s0, $0x180;
	s1 =	sshrl.u32 s1, $0x2  }
0x343: {  	p2 =	por !p3, p2;
	s2 =	sshrl.u32 s30, $0x2;
	s31 =	sadd.s32 $0x64C8, s1  }
0x344: {  	s24 =	simm.s32 $0x0;
	s0 =	simm.s32 @p2 $0x180;
	s1 =	sadd.s32 $0x6C48, s2;
	v1 =	vmov s31  }
.LBB2_3:
0x345: {  	p2 =	sge.s32 s24, s0  }
.Ltmp4:
0x346: {  	_ = 	snop;
	(pc) =	sbr.rel @p2 .LBB2_7-.Ltmp4, $2  }
0x347: {  	_ =	sdelay $0x2  }
0x348: {  	s1 =	sadd.s32 $0x800, s1  }
.LBB2_4:
0x349: {  	p2 =	sle.s32 s0, s24  }
.Ltmp5:
0x34a: {  	_ = 	snop;
	(pc) =	sbr.rel @p2 .LBB2_3-.Ltmp5, $2  }
0x34b: {  	_ =	sdelay $0x2  }
0x34c: {  	s2 =	smov.u32 s24;
	s24 =	sadd.s32 $0x10, s24  }
0x34d: {  	s5 =	ssub.s32 s0, s2  }
0x34e: {  	p2 =	slt.s32 s5, $0x10  }
0x34f: {  	s5 =	simm.s32 @!p2 $0x10  }
0x350: {  	v2 =	vmov s5  }
0x351: {  	vm0 =	vgt.s32 v2, v0;
	_ =	sdelay $0x5  }
0x352: {  	v2 =	vld.idx.msk [tilespmem:v1+s2+$0x0 ss:$0x1], vm0;
	_ =	sdelay $0x2  }
0x353: {  	s6 =	smov.u32 s0;
	p2 =	slt.s32 s24, s0  }
0x354: {  	s25 =	simm.s32 $0x0;
	s6 =	smov.u32 @p2 s24;
	s5 =	smov.u32 s1  }
.LBB2_6:
0x355: {  	(v2sf) =	vpush v2, s25;
	_ =	sdelay $0xc  }
0x356: {  	s25 =	sadd.s32 $0x1, s25  }
0x357: {  	s31 =	sadd.s32 s25, s2  }
0x358: {  	p2 =	slt.s32 s31, s6;
	s11 =	spop (v2sf)  }
.Ltmp6:
0x359: {  	s11 =	sshll.u32 s11, $0x4;
	(pc) =	sbr.rel @p2 .LBB2_6-.Ltmp6, $4  }
0x35a: {  	s11 =	sand.u32 $0x1FFFFFF0, s11  }
0x35b: {  	s11 =	sadd.s32 s13, s11  }
0x35c: {  	[tilespmem:s5], [sflag:$0x9] =	stream.linear.gather [hbm4b:s11+s18], $0x20, $0x38;
	[tilespmem:$0x1EC48] =	vst v63  }
0x35d: {  	s5 =	sadd.s32 $0x80, s5  }
.Ltmp7:
0x35e: {  	_ = 	snop;
	(pc) =	sbr.rel .LBB2_3-.Ltmp7, $1  }
0x35f: {  	_ =	sdelay $0x3  }
.LBB2_7:
0x360: {  	p2 =	slt.u32 s22, $0x2  }
.Ltmp8:
0x361: {  	_ = 	snop;
	(pc) =	sbr.rel @p2 .LBB2_25-.Ltmp8, $1  }
0x362: {  	_ =	sdelay $0x3  }
0x363: {  	p2 =	sgt.s32 s23, $0xC3680  }
0x364: {  	s0 =	smov.u32 s23;
	s1 =	sshra.s32 s23, $0x1F;
	s2 =	ssub.s32 $0xC3800, s23  }
0x365: {  	s0 =	simm.s32 @!p2 $0xC3680;
	s1 =	sand.u32 s1, s23;
	p2 =	slt.s32 s2, $0x180  }
0x366: {  	s0 =	ssub.s32 s0, s1;
	s2 =	simm.s32 @!p2 $0x180  }
0x367: {  	s0 =	sadd.s32 $0xFFF3C980, s0;
	s12 =	sshll.u32 s2, $0x5  }
0x368: {  	s26 =	simm.s32 $0x9;
	s24 =	sshll.u32 s0, $0x2;
	s1 =	sand.u32 $0x3FFFFFE0, s12  }
0x369: {  	p2 =	sgt.s32 s0, $0x17F;
	s25 =	ssub.s32 $0x600, s24;
	_ =	swait.ge [sflag:s26], s1  }
0x36a: {  	s1 =	ssub.s32 $0x0, s1;
	[sflag:s26] =	ssyncset.done $0x0;
	s0 =	sshrl.u32 s25, $0x2  }
0x36b: {  	[sflag:s26] =	ssyncadd.s32 s1;
	s0 =	simm.s32 @p2 $0x0  }
0x36c: {  	_ =	swait.ge [sflag:s14], s0  }
0x36d: {  	s0 =	ssub.s32 $0x0, s0;
	[sflag:s14] =	ssyncset.done $0x0  }
0x36e: {  	[sflag:s14] =	ssyncadd.s32 s0  }
0x36f: {  	v1 =	vld [tilespmem:$0x6088];
	_ =	sdelay $0x4  }
0x370: {  	(v2sf) =	vpush v1, $0x0  }
0x371: {  	(v2sf) =	vpush v1, $0x1  }
0x372: {  	(v2sf) =	vpush v1, $0x2;
	_ =	sdelay $0x3  }
0x373: {  	s0 =	sadd.s32 $0x180, s23  }
0x374: {  	s1 =	ssub.s32 $0x187000, s23;
	p2 =	slt.s32 s10, s0  }
0x375: {  	s0 =	smov.u32 @p2 s10;
	p2 =	sgt.s32 s1, $0x0  }
0x376: {  	s28 =	ssub.s32 s0, s23;
	s1 =	simm.s32 @!p2 $0x0  }
0x377: {  	p2 =	slt.s32 s1, s28  }
0x378: {  	s28 =	smov.u32 @p2 s1  }
0x379: {  	s26 =	simm.s32 $0x1;
	p2 =	slt.s32 s28, $0x1  }
.Ltmp9:
0x37a: {  	s26 =	simm.s32 @!p1 $0x0;
	(pc) =	sbr.rel @p2 .LBB2_12-.Ltmp9, $4  }
0x37b: {  	s30 =	smul.u32 $0x600, s26  }
0x37c: {  	s0 =	spop (v2sf)  }
0x37d: {  	s31 =	sshrl.u32 s30, $0x2;
	s29 =	spop (v2sf)  }
0x37e: {  	s24 =	sadd.s32 $0x6948, s31;
	s23 =	spop (v2sf)  }
0x37f: {  	s1 =	smin.u32 s28, $0x10  }
0x380: {  	v1 =	vmov s1  }
0x381: {  	p3 =	sgt.s32 s28, $0x10;
	vm1 =	vgt.u32 v1, v0  }
.Ltmp10:
0x382: {  	_ = 	snop;
	(pc) =	sbr.rel @!p3 .LBB2_11-.Ltmp10, $2  }
0x383: {  	_ =	sdelay $0x2  }
0x384: {  	s2 =	simm.s32 $0x10;
	s25 =	sadd.s32 $0xFFFFFFF0, s28;
	s1 =	smov.u32 s24;
	vm0 =	vmmov vm1  }
.LBB2_10:
0x385: {  	s5 =	smin.u32 s25, $0x10;
	s2 =	sadd.s32 $0x10, s2;
	v1 =	vld.msk [tilespmem:s1+$0x0 ss:$0x1], vm1  }
0x386: {  	v2 =	vmov s5;
	p3 =	slt.s32 s2, s28  }
0x387: {  	vm1 =	vgt.u32 v2, v0  }
.Ltmp11:
0x388: {  	(pc) =	sbr.rel @p3 .LBB2_10-.Ltmp11, $3  }
0x389: {  	_ =	sdelay $0x1  }
0x38a: {  	v1 =	vshll.u32 v1, $0x4  }
0x38b: {  	s25 =	sadd.s32 $0xFFFFFFF0, s25;
	[tilespmem:s1+$0x0] =	vst.msk vm0, v1;
	s1 =	sadd.s32 $0x10, s1;
	vm0 =	vmmov vm1  }
.LBB2_11:
0x38c: {  	_ =	sdelay $0x4  }
0x38d: {  	v1 =	vld.msk [tilespmem:s1+$0x0 ss:$0x1], vm1;
	_ =	sdelay $0x4  }
0x38e: {  	v1 =	vshll.u32 v1, $0x4  }
0x38f: {  	[tilespmem:s1+$0x0] =	vst.msk vm0, v1  }
.LBB2_12:
0x390: {  	s1 =	sand.u32 $0x1, s22  }
0x391: {  	s1 =	smul.u32 $0x180, s1  }
0x392: {  	p3 =	sne.s32 s29, $0xFFFFFFFF  }
0x393: {  	v1 =	vld.msk @!p3 [tilespmem:s1+$0x6948], $0x1;
	_ =	sdelay $0x4  }
0x394: {  	(v2sf) =	vpush @!p3 v1, $0x0;
	_ =	sdelay $0xc  }
.Ltmp12:
0x395: {  	_ = 	snop;
	(pc) =	sbr.rel @p2 .LBB2_23-.Ltmp12, $4  }
0x396: {  	_ = 	snop  }
0x397: {  	s30 =	spop @!p3 (v2sf)  }
0x398: {  	s23 =	simm.s32 @!p3 $0x0;
	s25 =	smov.u32 s30  }
0x399: {  	[sflag:s19] =	ssyncpa.u1 $0x0;
	s30 =	smov.u32 @p3 s0;
	s25 =	smov.u32 @p3 s29  }
0x39a: {  	v1 =	vld.msk [tilespmem:s24+$0x0], $0x1;
	_ =	sdelay $0x4  }
0x39b: {  	(v2sf) =	vpush v1, $0x0;
	_ =	sdelay $0xe  }
0x39c: {  	s0 =	smul.u32 $0x30000, s26;
	s1 =	spop (v2sf)  }
0x39d: {  	s28 =	ssub.s32 $0x0, s28;
	p2 =	seq.s32 s30, s1  }
0x39e: {  	s31 =	sadd.s32 $0x1, s28;
	s0 =	sshrl.u32 s0, $0x2;
	p3 =	sgt.s32 @!p2 s30, $0x0  }
0x39f: {  	s26 =	sadd.s32 $0x6C58, s0;
	s0 =	smov.u32 s30;
	p3 =	por !p3, p2  }
0x3a0: {  	s0 =	simm.s32 @p3 $0x0;
	p3 =	seq.s32 s31, $0x0  }
.Ltmp13:
0x3a1: {  	_ = 	snop;
	(pc) =	sbr.rel @p3 .LBB2_15-.Ltmp13, $4  }
0x3a2: {  	_ = 	snop  }
0x3a3: {  	s29 =	simm.s32 $0x0;
	s2 =	simm.s32 @!p2 $0x1;
	s0 =	smin.u32 @!p2 s0, $0x1869FC  }
0x3a4: {  	s6 =	simm.s32 @!p2 $0x3068;
	s2 =	smov.u32 @p2 s29;
	s11 =	sand.u32 @!p2 $0x1FFFF8, s0  }
0x3a5: {  	s5 =	sand.u32 @!p2 $0x7, s0;
	s0 =	sadd.s32 $0x1, s24;
	s11 =	sadd.s32 @!p2 s4, s11  }
.LBB2_14:
0x3a6: {  	s12 =	smov.u32 s2  }
0x3a7: {  	[tilespmem:s6], [sflag:$0x2] =	stream.linear.gather @!p2 [hbm4b:s11+s5], $0x20, $0x38;
	[tilespmem:$0x1EC48] =	vst v63  }
0x3a8: {  	s31 =	sadd.s32 $0x1, s31;
	s5 =	smov.u32 s1;
	v1 =	vld.msk [tilespmem:s0+$0x0], $0x1  }
0x3a9: {  	p3 =	seq.s32 s31, $0x0;
	_ =	sdelay $0x3  }
0x3aa: {  	(v2sf) =	vpush v1, $0x0;
	_ =	sdelay $0xe  }
0x3ab: {  	s1 =	spop (v2sf)  }
0x3ac: {  	p2 =	seq.s32 s5, s1  }
0x3ad: {  	p4 =	sgt.s32 @!p2 s5, $0x0;
	s6 =	sshll.u32 @!p2 s2, $0x7;
	s2 =	sadd.s32 @!p2 $0x1, s2  }
.Ltmp14:
0x3ae: {  	p4 =	por !p4, p2;
	s6 =	sshra.s32 @!p2 s6, $0x2;
	(pc) =	sbr.rel @!p3 .LBB2_14-.Ltmp14, $4  }
0x3af: {  	s2 =	smov.u32 @p2 s12;
	s5 =	simm.s32 @p4 $0x0;
	s6 =	sadd.s32 @!p2 $0x3068, s6  }
0x3b0: {  	s5 =	smin.u32 @!p2 s5, $0x1869FC  }
0x3b1: {  	s11 =	sand.u32 @!p2 $0x1FFFF8, s5;
	s5 =	sand.u32 @!p2 $0x7, s5  }
0x3b2: {  	s0 =	sadd.s32 $0x1, s0;
	s11 =	sadd.s32 @!p2 s4, s11  }
.LBB2_15:
0x3b3: {  	[tilespmem:s6], [sflag:$0x2] =	stream.linear.gather @!p2 [hbm4b:s11+s5], $0x20, $0x38;
	[tilespmem:$0x1EC48] =	vst v63  }
.Ltmp15:
0x3b4: {  	s0 =	sshll.u32 s2, $0x5;
	(pc) =	sbr.rel .LBB2_16-.Ltmp15, $4  }
0x3b5: {  	s1 =	simm.s32 $0x2;
	s0 =	sand.u32 $0x3FFFFFE0, s0  }
0x3b6: {  	_ =	swait.ge [sflag:s1], s0  }
0x3b7: {  	s0 =	ssub.s32 $0x0, s0;
	[sflag:s1] =	ssyncset.done $0x0  }
0x3b8: {  	[sflag:s1] =	ssyncadd.s32 s0;
	s0 =	simm.s32 $0x0  }
.LBB2_17:
0x3b9: {  	v1 =	vld [tilespmem:s26+$0xFFFFFFF0];
	_ =	sdelay $0x4  }
0x3ba: {  	[tilespmem:s1+$0x48] =	vst.add.f32.msk $0xffff, v1  }
0x3bb: {  	v1 =	vld [tilespmem:s26+$0x0];
	_ =	sdelay $0x4  }
0x3bc: {  	[tilespmem:s1+$0x58] =	vst.add.f32.msk $0xffff, v1  }
.LBB2_21:
0x3bd: {  	s28 =	sadd.s32 $0x1, s28  }
0x3be: {  	p2 =	seq.s32 s28, $0x0  }
.Ltmp16:
0x3bf: {  	_ = 	snop;
	(pc) =	sbr.rel @p2 .LBB2_22-.Ltmp16, $2  }
0x3c0: {  	_ =	sdelay $0x2  }
0x3c1: {  	s26 =	sadd.s32 $0x80, s26;
	s24 =	sadd.s32 $0x1, s24;
	s30 =	smov.u32 s31  }
.LBB2_16:
0x3c2: {  	v1 =	vld.msk [tilespmem:s24+$0x0], $0x1;
	_ =	sdelay $0x4  }
0x3c3: {  	(v2sf) =	vpush v1, $0x0;
	_ =	sdelay $0xe  }
0x3c4: {  	s31 =	spop (v2sf)  }
0x3c5: {  	p2 =	sne.s32 s30, s31  }
.Ltmp17:
0x3c6: {  	_ = 	snop;
	(pc) =	sbr.rel @!p2 .LBB2_17-.Ltmp17, $3  }
0x3c7: {  	_ =	sdelay $0x1  }
0x3c8: {  	s1 =	sshll.u32 s23, $0x7  }
0x3c9: {  	s1 =	sshra.s32 s1, $0x2  }
0x3ca: {  	p2 =	seq.s32 s30, s25  }
.Ltmp18:
0x3cb: {  	_ = 	snop;
	(pc) =	sbr.rel @!p2 .LBB2_19-.Ltmp18, $1  }
0x3cc: {  	_ =	sdelay $0x3  }
.Ltmp19:
0x3cd: {  	s1 =	sadd.s32 $0x48, s1;
	(pc) =	sbr.rel .LBB2_20-.Ltmp19, $4  }
0x3ce: {  	[spmem:s16] =	stream.linear.scatter [tilespmem:s1], [sflag:$0x1], $0x20, $0x38;
	[tilespmem:$0x1EC48] =	vst v63  }
0x3cf: {  	_ =	swait.ge [sflag:s3], $0x20  }
0x3d0: {  	[sflag:s3] =	ssyncset.done $0x0  }
0x3d1: {  	[sflag:s3] =	ssyncadd.s32 $0xFFFFFFE0  }
.LBB2_19:
0x3d2: {  	s2 =	sshll.u32 s29, $0x7  }
0x3d3: {  	s2 =	sshra.s32 s2, $0x2  }
0x3d4: {  	v1 =	vld [tilespmem:s2+$0x3068];
	_ =	sdelay $0x4  }
0x3d5: {  	[tilespmem:s1+$0x48] =	vst.add.f32.msk $0xffff, v1  }
0x3d6: {  	v1 =	vld [tilespmem:s2+$0x3078];
	_ =	sdelay $0x2  }
0x3d7: {  	p2 =	sgt.u32 s30, $0x1869FC  }
0x3d8: {  	s2 =	sand.u32 @!p2 $0x1FFFF8, s30  }
0x3d9: {  	s5 =	sadd.s32 $0x48, s1;
	[tilespmem:s1+$0x58] =	vst.add.f32.msk $0xffff, v1;
	s1 =	sadd.s32 @!p2 s4, s2;
	s2 =	sand.u32 @!p2 $0x7, s30  }
0x3da: {  	[hbm4b:s1+s2] =	stream.linear.scatter @!p2 [tilespmem:s5], [sflag:$0xC], $0x20, $0x38;
	[tilespmem:$0x1EC48] =	vst v63  }
0x3db: {  	s1 =	simm.s32 $0x0  }
0x3dc: {  	s1 =	simm.s32 @!p2 $0x80  }
0x3dd: {  	s0 =	sadd.s32 s1, s0  }
.LBB2_20:
0x3de: {  	s1 =	sadd.s32 $0x1, s23  }
0x3df: {  	s2 =	smulhi.u32 $0xAAAAAAAB, s1;
	_ =	sdelay $0x1  }
0x3e0: {  	v1 =	vld [tilespmem:s26+$0xFFFFFFF0];
	s2 =	sshrl.u32 s2, $0x8  }
0x3e1: {  	s2 =	smul.u32 $0x180, s2;
	_ =	sdelay $0x1  }
0x3e2: {  	s23 =	ssub.s32 s1, s2  }
0x3e3: {  	s1 =	sshll.u32 s23, $0x5  }
0x3e4: {  	[tilespmem:s1+$0x48] =	vst v1  }
0x3e5: {  	v1 =	vld [tilespmem:s26+$0x0]  }
.Ltmp20:
0x3e6: {  	_ = 	snop;
	(pc) =	sbr.rel .LBB2_21-.Ltmp20, $2  }
0x3e7: {  	_ =	sdelay $0x2  }
0x3e8: {  	s29 =	sadd.s32 $0x1, s29;
	[tilespmem:s1+$0x58] =	vst v1  }
.LBB2_23:
.Ltmp21:
0x3e9: {  	(pc) =	sbr.rel .LBB2_24-.Ltmp21, $4  }
0x3ea: {  	_ = 	snop  }
0x3eb: {  	s0 =	simm.s32 $0x2  }
0x3ec: {  	_ =	swait.ge [sflag:s0], $0x0  }
0x3ed: {  	s31 =	smov.u32 s30;
	[sflag:s0] =	ssyncset.done $0x0;
	s0 =	simm.s32 $0x0  }
.LBB2_26:
0x3ee: {  	_ =	sfence.sel $0x180000  }
0x3ef: {  	s0 =	simm.s32 $0x9;
	[bflag:$0x0] =	sbarrier.arrive $0xFFFF  }
0x3f0: {  	s24 =	simm.s32 $0xA;
	[sflag:s0] =	ssyncpa.u1 $0x1  }
0x3f1: {  	s25 =	simm.s32 $0xB;
	[sflag:s24] =	ssyncpa.u1 $0x1  }
0x3f2: {  	s26 =	simm.s32 $0x2;
	[sflag:s25] =	ssyncpa.u1 $0x1  }
0x3f3: {  	[sflag:s26] =	ssyncpa.u1 $0x1  }
0x3f4: {  	v0 =	vld [tilespmem:$0x6088];
	_ =	sdelay $0x4  }
0x3f5: {  	(v2sf) =	vpush v0, $0x0  }
0x3f6: {  	(v2sf) =	vpush v0, $0x1;
	_ =	sdelay $0x1  }
0x3f7: {  	(v2sf) =	vpush v0, $0x2;
	_ =	sdelay $0xb  }
0x3f8: {  	s0 =	spop (v2sf)  }
0x3f9: {  	s1 =	spop (v2sf)  }
0x3fa: {  	s2 =	smov.u32 s0;
	p0 =	sne.s32 s0, s1  }
0x3fb: {  	s3 =	spop (v2sf);
	s2 =	simm.s32 @!p0 $0xFFFFFFFF  }
0x3fc: {  	v2 =	vimm.s32 $0x1;
	v3 =	vlaneseq.u32;
	p0 =	seq.s32 s3, $0xFFFFFFFF;
	v1 =	vmov s2  }
0x3fd: {  	s14 =	stileid.u32;
	v0 =	vperm.xlane v0, v2;
	p1 =	sne.s32 @!p0 s0, s1;
	v1 =	vperm.xlane v1, v3  }
0x3fe: {  	vm0 =	vcmask $0x3F04;
	s6 =	simm.s32 $0x6088;
	s0 =	simm.s32 @!p0 $0x1;
	p1 =	por !p1, p0  }
0x3ff: {  	s2 =	sshll.u32 s14, $0x1;
	s1 =	sshll.u32 @!p0 s3, $0x7;
	s0 =	simm.s32 @p1 $0x0;
	v0 =	vsel vm0, v1, v0  }
0x400: {  	s5 =	sor.u32 $0x400, s2;
	s1 =	sshra.s32 @!p0 s1, $0x2;
	s0 =	sor.u32 @!p0 s0, s2;
	[tilespmem:$0x6088] =	vst v0  }
0x401: {  	[spmem:s5] =	stream.linear.scatter [tilespmem:s6], [sflag:$0x1], $0x2, $0x38;
	[tilespmem:$0x1EC48] =	vst v63  }
0x402: {  	s1 =	sadd.s32 @!p0 $0x48, s1;
	s0 =	sshll.u32 @!p0 s0, $0x5  }
0x403: {  	[spmem:s0] =	stream.linear.scatter @!p0 [tilespmem:s1], [sflag:$0x1], $0x20, $0x38;
	[tilespmem:$0x1EC48] =	vst v63  }
0x404: {  	s0 =	simm.s32 @!p0 $0x22  }
0x405: {  	s28 =	simm.s32 $0x1;
	s0 =	simm.s32 @p0 $0x2  }
0x406: {  	_ =	swait.ge [sflag:s28], s0  }
0x407: {  	s0 =	ssub.s32 $0x0, s0;
	[sflag:s28] =	ssyncset.done $0x0  }
0x408: {  	p0 =	sne.s32 s14, $0x0;
	[sflag:s28] =	ssyncadd.s32 s0  }
.Ltmp22:
0x409: {  	_ =	sfence.stream.spmem;
	(pc) =	sbr.rel @p0 .LBB2_43-.Ltmp22, $4  }
0x40a: {  	s29 =	simm.s32 $0x3;
	[bflag:$0x0] =	sbarrier.arrive $0xFFFF  }
0x40b: {  	s30 =	simm.s32 $0x4;
	[sflag:s29] =	ssyncpa.u1 $0x1  }
0x40c: {  	s31 =	simm.s32 $0x3C;
	[sflag:s30] =	ssyncpa.u1 $0x1  }
0x40d: {  	s15 =	rddreg [dreg:$0x5];
	[sflag:s31] =	ssyncpa.u1 $0x1  }
0x40e: {  	_ =	sfence.stream.spmem;
	s0 =	simm.s32 $0x5  }
0x40f: {  	s1 =	simm.s32 $0x400;
	s2 =	simm.s32 $0x6098;
	[sflag:s0] =	ssyncpa.u1 $0x0  }
0x410: {  	[tilespmem:s2], [sflag:$0x5] =	stream.linear.gather [spmem:s1], $0x20, $0x38;
	[tilespmem:$0x1EC48] =	vst v63  }
0x411: {  	s26 =	simm.s32 $0x0;
	s28 =	simm.s32 $0x60B8  }
0x412: {  	[tilespmem:s28], [sflag:$0x5] =	stream.linear.gather [spmem:s26], $0x400, $0x38;
	[tilespmem:$0x1EC48] =	vst v63  }
0x413: {  	_ =	swait.ge [sflag:s0], $0x420  }
0x414: {  	[sflag:s0] =	ssyncset.done $0x0  }
0x415: {  	s29 =	simm.s32 $0x0;
	[sflag:s0] =	ssyncadd.s32 $0xFFFFFBE0  }
0x416: {  	v0 =	vld.msk [tilespmem:s29+$0x6098], $0x1;
	_ =	sdelay $0x1  }
0x417: {  	s30 =	simm.s32 $0x1  }
0x418: {  	v1 =	vld.msk [tilespmem:s30+$0x6098], $0x1;
	_ =	sdelay $0x1  }
0x419: {  	(v2sf) =	vpush v0, $0x0;
	_ =	sdelay $0x2  }
0x41a: {  	(v2sf) =	vpush v1, $0x0;
	_ =	sdelay $0x2  }
0x41b: {  	s31 =	simm.s32 $0x2  }
0x41c: {  	v0 =	vld.msk [tilespmem:s31+$0x6098], $0x1;
	_ =	sdelay $0x2  }
0x41d: {  	s1 =	simm.s32 $0xFFFFFFFF;
	s2 =	simm.s32 $0xFFFFFFFF;
	s0 =	simm.s32 $0xC  }
.LBB2_28:
0x41e: {  	s3 =	smov.u32 s2;
	s5 =	smov.u32 s1  }
0x41f: {  	s1 =	sshra.s32 s0, $0x2;
	p1 =	sne.s32 s0, $0x7C;
	s0 =	sadd.s32 $0x4, s0;
	(v2sf) =	vpush v0, $0x0  }
0x420: {  	v0 =	vld.msk [tilespmem:s1+$0x6098], $0x1  }
.Ltmp23:
0x421: {  	(pc) =	sbr.rel @p1 .LBB2_28-.Ltmp23, $4  }
0x422: {  	s2 =	spop (v2sf)  }
0x423: {  	p2 =	sne.s32 s5, $0xFFFFFFFF;
	s1 =	smov.u32 s2  }
0x424: {  	p3 =	seq.s32 s2, $0xFFFFFFFF;
	s1 =	smov.u32 @p2 s5  }
0x425: {  	s2 =	smov.u32 @p3 s3;
	s1 =	smov.u32 @p3 s5  }
0x426: {  	(v2sf) =	vpush v0, $0x0;
	_ =	sdelay $0x8  }
0x427: {  	s0 =	spop (v2sf)  }
0x428: {  	p1 =	sne.s32 s1, $0xFFFFFFFF;
	s3 =	smov.u32 s0  }
0x429: {  	s9 =	simm.s32 $0x6;
	p2 =	seq.s32 s0, $0xFFFFFFFF;
	s3 =	smov.u32 @p1 s1  }
0x42a: {  	s10 =	simm.s32 $0x6068;
	s3 =	smov.u32 @p2 s1;
	s1 =	spop (v2sf)  }
0x42b: {  	s0 =	smov.u32 @p2 s2;
	p1 =	sne.s32 s3, $0xFFFFFFFF;
	s5 =	smov.u32 s1  }
.Ltmp24:
0x42c: {  	p2 =	seq.s32 s1, $0xFFFFFFFF;
	s5 =	smov.u32 @p1 s3;
	(pc) =	sbr.rel .LBB2_30-.Ltmp24, $4  }
0x42d: {  	s11 =	simm.s32 $0x0;
	s5 =	smov.u32 @p2 s3;
	s7 =	spop (v2sf)  }
0x42e: {  	[sflag:s9] =	ssyncpa.u1 $0x0;
	p1 =	sne.s32 s5, $0xFFFFFFFF;
	s8 =	smov.u32 s7  }
0x42f: {  	s1 =	smov.u32 @p2 s0;
	p2 =	seq.s32 s7, $0xFFFFFFFF;
	s8 =	smov.u32 @p1 s5  }
0x430: {  	s3 =	simm.s32 $0x0;
	s7 =	smov.u32 @p2 s1;
	s8 =	smov.u32 @p2 s5  }
.LBB2_36:
0x431: {  	p1 =	sgt.u32 s12, $0x1869FC  }
0x432: {  	p2 =	seq.s32 @!p1 s12, s8  }
0x433: {  	p1 =	por p1, p2  }
0x434: {  	p2 =	sne.s32 @!p1 s12, s7  }
0x435: {  	p1 =	por p1, !p2  }
0x436: {  	s0 =	sshll.u32 @p1 s11, $0x7  }
0x437: {  	s0 =	sand.u32 @!p1 $0x1FFFF8, s12  }
0x438: {  	s1 =	sand.u32 @!p1 $0x7, s12;
	s0 =	sadd.s32 @!p1 s4, s0  }
0x439: {  	[tilespmem:s10], [sflag:$0x6] =	stream.linear.gather @!p1 [hbm4b:s0+s1], $0x20, $0x38;
	[tilespmem:$0x1EC48] =	vst v63  }
0x43a: {  	_ =	swait.ge @!p1 [sflag:s9], $0x20  }
0x43b: {  	[sflag:s9] =	ssyncset.done @!p1 $0x0  }
0x43c: {  	[sflag:s9] =	ssyncadd.s32 @!p1 $0xFFFFFFE0  }
0x43d: {  	v1 =	vld @!p1 [tilespmem:$0x6068];
	_ =	sdelay $0x2  }
0x43e: {  	s0 =	sshll.u32 @!p1 s11, $0x7  }
0x43f: {  	s1 =	sshrl.u32 @!p1 s0, $0x2  }
0x440: {  	[tilespmem:s1+$0x60B8] =	vst.add.f32.msk @!p1 $0xffff, v1  }
0x441: {  	v1 =	vld @!p1 [tilespmem:$0x6078];
	_ =	sdelay $0x4  }
0x442: {  	[tilespmem:s1+$0x60C8] =	vst.add.f32.msk @!p1 $0xffff, v1  }
0x443: {  	s0 =	sshrl.u32 s0, $0x2;
	[tilespmem:s3+$0x6098] =	vst.msk $0x1, v0  }
0x444: {  	v0 =	vld [tilespmem:s0+$0x60B8];
	_ =	sdelay $0x2  }
0x445: {  	s31 =	sshll.u32 s3, $0x7  }
0x446: {  	s1 =	sshra.s32 s31, $0x2  }
0x447: {  	[tilespmem:s1+$0x60B8] =	vst v0  }
0x448: {  	v0 =	vld [tilespmem:s0+$0x60C8];
	_ =	sdelay $0x4  }
0x449: {  	s3 =	sadd.s32 $0x1, s3;
	[tilespmem:s1+$0x60C8] =	vst v0  }
.LBB2_37:
0x44a: {  	s11 =	sadd.s32 $0x1, s11  }
0x44b: {  	p1 =	sne.s32 s11, $0x20  }
.Ltmp25:
0x44c: {  	_ = 	snop;
	(pc) =	sbr.rel @!p1 .LBB2_38-.Ltmp25, $1  }
0x44d: {  	_ =	sdelay $0x3  }
.LBB2_30:
0x44e: {  	v0 =	vld.msk [tilespmem:s11+$0x6098], $0x1;
	_ =	sdelay $0x4  }
0x44f: {  	(v2sf) =	vpush v0, $0x0;
	_ =	sdelay $0xe  }
0x450: {  	s12 =	spop (v2sf)  }
0x451: {  	p1 =	seq.s32 s12, $0xFFFFFFFF  }
.Ltmp26:
0x452: {  	_ = 	snop;
	(pc) =	sbr.rel @p1 .LBB2_37-.Ltmp26, $1  }
0x453: {  	_ =	sdelay $0x3  }
0x454: {  	p1 =	slt.s32 s3, $0x1  }
.Ltmp27:
0x455: {  	_ = 	snop;
	(pc) =	sbr.rel @p1 .LBB2_36-.Ltmp27, $1  }
0x456: {  	_ =	sdelay $0x3  }
0x457: {  	s0 =	simm.s32 $0x6098;
	p1 =	por $0x0, $0x0  }
0x458: {  	v1 =	vld.msk @!p1 [tilespmem:s0+$0x0], $0x1;
	_ =	sdelay $0x4  }
0x459: {  	(v2sf) =	vpush @!p1 v1, $0x0;
	_ =	sdelay $0xd  }
0x45a: {  	p3 =	sne.s32 s3, $0x1  }
.Ltmp28:
0x45b: {  	s1 =	spop @!p1 (v2sf);
	(pc) =	sbr.rel @!p3 .LBB2_34-.Ltmp28, $4  }
0x45c: {  	p2 =	seq.s32 @!p1 s12, s1  }
0x45d: {  	s13 =	simm.s32 $0x0;
	p2 =	por !p2, p1  }
0x45e: {  	s2 =	simm.s32 $0xFFFFFFFF;
	s13 =	simm.s32 @p2 $0xFFFFFFFF  }
0x45f: {  	s1 =	simm.s32 $0x1;
	s13 =	smov.u32 @p1 s2  }
.LBB2_33:
0x460: {  	s2 =	smov.u32 s13;
	p1 =	sne.s32 s13, $0xFFFFFFFF  }
0x461: {  	s0 =	sadd.s32 $0x1, s0;
	s13 =	smov.u32 s1;
	s1 =	sadd.s32 $0x1, s1  }
0x462: {  	p2 =	sne.s32 s3, s1;
	v1 =	vld.msk @!p1 [tilespmem:s0+$0x0], $0x1;
	_ =	sdelay $0x4  }
0x463: {  	(v2sf) =	vpush @!p1 v1, $0x0;
	_ =	sdelay $0xe  }
.Ltmp29:
0x464: {  	s5 =	spop @!p1 (v2sf);
	(pc) =	sbr.rel @p2 .LBB2_33-.Ltmp29, $4  }
0x465: {  	p3 =	seq.s32 @!p1 s12, s5  }
0x466: {  	p3 =	por !p3, p1  }
0x467: {  	s13 =	simm.s32 @p3 $0xFFFFFFFF  }
0x468: {  	s13 =	smov.u32 @p1 s2  }
.LBB2_34:
0x469: {  	p1 =	seq.s32 s13, $0xFFFFFFFF  }
.Ltmp30:
0x46a: {  	_ = 	snop;
	(pc) =	sbr.rel @p1 .LBB2_36-.Ltmp30, $1  }
0x46b: {  	_ =	sdelay $0x3  }
0x46c: {  	s0 =	sshll.u32 s11, $0x5  }
0x46d: {  	s0 =	sand.u32 $0x3FFFFFE0, s0  }
0x46e: {  	v0 =	vld [tilespmem:s0+$0x60B8];
	_ =	sdelay $0x2  }
0x46f: {  	s1 =	sshll.u32 s13, $0x7  }
0x470: {  	s1 =	sshra.s32 s1, $0x2  }
0x471: {  	[tilespmem:s1+$0x60B8] =	vst.add.f32.msk $0xffff, v0  }
0x472: {  	v0 =	vld [tilespmem:s0+$0x60C8]  }
.Ltmp31:
0x473: {  	_ = 	snop;
	(pc) =	sbr.rel .LBB2_37-.Ltmp31, $2  }
0x474: {  	_ =	sdelay $0x2  }
0x475: {  	[tilespmem:s1+$0x60C8] =	vst.add.f32.msk $0xffff, v0  }
.LBB2_38:
0x476: {  	s0 =	simm.s32 $0x6;
	p1 =	seq.s32 s3, $0x0  }
0x477: {  	[sflag:s0] =	ssyncpa.u1 $0x1;
	v0 =	vimm.s32 @p1 $0xFFFFFFFF  }
0x478: {  	s9 =	sadd.s32 $0xFFFFFFFF, s3;
	[tilespmem:$0x64B8] =	vst @p1 v0  }
0x479: {  	v0 =	vld.msk @!p1 [tilespmem:s9+$0x6098], $0x1;
	_ =	sdelay $0x1  }
0x47a: {  	v1 =	vld.msk @!p1 [tilespmem:$0x6098], $0x1;
	_ =	sdelay $0x2  }
0x47b: {  	p2 =	seq.s32 @!p1 s9, $0x0;
	v0 =	vbroadcast @!p1 v0, $0x0  }
0x47c: {  	vm0 =	vmmov @!p1 $0x1;
	p2 =	por !p2, p1  }
0x47d: {  	v1 =	vnsel @!p1 vm0, $0xFFFFFFFF, v1;
	vm0 =	vcmask @!p1 $0x308;
	v0 =	vpsel !p2, $0xFFFFFFFF, v0  }
0x47e: {  	p2 =	sne.s32 @!p1 s8, s7;
	v0 =	vsel @!p1 vm0, v1, v0  }
0x47f: {  	s0 =	simm.s32 @!p1 $0x60B8;
	s1 =	simm.s32 @!p1 $0x0;
	p3 =	por !p2, p1;
	[tilespmem:$0x64B8] =	vst @!p1 v0  }
0x480: {  	[spmem:s1] =	stream.linear.scatter @!p1 [tilespmem:s0], [sflag:$0x1], $0x20, $0x38;
	[tilespmem:$0x1EC48] =	vst v63  }
0x481: {  	s0 =	sshll.u32 @!p3 s9, $0x7  }
0x482: {  	s0 =	sshra.s32 @!p3 s0, $0x2  }
0x483: {  	s1 =	simm.s32 @!p3 $0x20;
	s0 =	sadd.s32 @!p3 $0x60B8, s0  }
0x484: {  	[spmem:s1] =	stream.linear.scatter @!p3 [tilespmem:s0], [sflag:$0x1], $0x20, $0x38;
	[tilespmem:$0x1EC48] =	vst v63  }
0x485: {  	s0 =	simm.s32 @!p3 $0x1  }
0x486: {  	_ =	swait.ge @!p3 [sflag:s0], $0x40  }
0x487: {  	p1 =	por p2, p1;
	[sflag:s0] =	ssyncset.done @!p3 $0x0  }
0x488: {  	[sflag:s0] =	ssyncadd.s32 @!p3 $0xFFFFFFC0;
	s0 =	simm.s32 @!p1 $0x1  }
0x489: {  	_ =	swait.ge @!p1 [sflag:s0], $0x20  }
0x48a: {  	s29 =	simm.s32 $0x64B8;
	[sflag:s0] =	ssyncset.done @!p1 $0x0  }
0x48b: {  	s30 =	simm.s32 $0x400;
	s31 =	simm.s32 $0x1;
	[sflag:s0] =	ssyncadd.s32 @!p1 $0xFFFFFFE0  }
0x48c: {  	[spmem:s30] =	stream.linear.scatter [tilespmem:s29], [sflag:$0x1], $0x10, $0x38;
	[tilespmem:$0x1EC48] =	vst v63  }
0x48d: {  	_ =	swait.ge [sflag:s31], $0x10  }
0x48e: {  	[sflag:s31] =	ssyncset.done $0x0  }
0x48f: {  	p1 =	seq.s32 s15, $0x0;
	s8 =	rddreg [dreg:$0x2];
	[sflag:s31] =	ssyncadd.s32 $0xFFFFFFF0  }
0x490: {  	s1 =	sshll.u32 @p1 s8, $0xE;
	s7 =	rddreg [dreg:$0x3]  }
0x491: {  	s0 =	sadd.s32 @p1 $0x15C3C, s1;
	s1 =	sshll.u32 @p1 s7, $0x11  }
0x492: {  	_ =	sfence.stream.spmem;
	s0 =	sor.u32 @p1 s1, s0  }
0x493: {  	[sflag:s0] =	ssyncadd.remote.s32 @p1 $0x1;
	s0 =	simm.s32 @p1 $0x4  }
0x494: {  	s2 =	simm.s32 @!p1 $0x3C;
	s1 =	sand.u32 $0xFFFFFFFE, s8;
	_ =	swait.ge @p1 [sflag:s0], $0xA  }
0x495: {  	s5 =	simm.s32 @!p1 $0x0;
	s1 =	sadd.s32 @!p1 $0x4, s1;
	[sflag:s0] =	ssyncset.done @p1 $0x0  }
0x496: {  	s6 =	simm.s32 @!p1 $0x40;
	[sflag:s0] =	ssyncadd.s32 @p1 $0xFFFFFFF6;
	s0 =	sshll.u32 @!p1 s1, $0x1A  }
0x497: {  	s1 =	sshll.u32 @!p1 s1, $0xD;
	s0 =	sor.u32 @!p1 s0, s7;
	_ =	swait.eq @!p1 [sflag:s2], $0x1  }
0x498: {  	s1 =	sor.u32 @!p1 $0x1C04, s1;
	s2 =	simm.s32 @!p1 $0x1C03;
	s0 =	sor.u32 @!p1 $0x80004000, s0  }
0x499: {  	[spmem:s6], [sflag:s1] =	dma.general @!p1 [spmem:s5], [sflag:s2], length:$0x8, [dreg:$0x0], stride_count:$0x0, ici_dest:s0, dma_misc:DstOpCode:WRITE  }
0x49a: {  	p2 =	slt.s32 s9, $0x2;
	s5 =	simm.s32 @!p1 $0x80;
	s6 =	simm.s32 @!p1 $0x82  }
0x49b: {  	[spmem:s6], [sflag:s1] =	dma.general @!p1 [spmem:s5], [sflag:s2], length:$0x2, [dreg:$0x0], stride_count:$0x0, ici_dest:s0, dma_misc:DstOpCode:WRITE  }
.Ltmp32:
0x49c: {  	s0 =	simm.s32 @!p1 $0x3;
	(pc) =	sbr.rel @p2 .LBB2_42-.Ltmp32, $4  }
0x49d: {  	s1 =	sshll.u32 @!p1 s8, $0xE;
	_ =	swait.ge @!p1 [sflag:s0], $0xA  }
0x49e: {  	s2 =	sshll.u32 @!p1 s7, $0x11;
	s1 =	sadd.s32 @!p1 $0x11C3C, s1;
	[sflag:s0] =	ssyncset.done @!p1 $0x0  }
0x49f: {  	[sflag:s0] =	ssyncadd.s32 @!p1 $0xFFFFFFF6;
	s0 =	sor.u32 @!p1 s2, s1  }
0x4a0: {  	[sflag:s0] =	ssyncadd.remote.s32 @!p1 $0xFFFFFFFF;
	s0 =	simm.s32 $0x0  }
0x4a1: {  	s0 =	simm.s32 $0x6099  }
0x4a2: {  	v0 =	vld.msk [tilespmem:s0+$0x0], $0x1;
	_ =	sdelay $0x4  }
0x4a3: {  	(v2sf) =	vpush v0, $0x0;
	_ =	sdelay $0xc  }
0x4a4: {  	s1 =	sadd.s32 $0xFFFFFFFE, s3  }
0x4a5: {  	s1 =	sadd.s32 $0xFFFFFFFF, s1  }
0x4a6: {  	p2 =	sne.s32 s1, $0x0;
	s2 =	spop (v2sf)  }
.Ltmp33:
0x4a7: {  	p1 =	sgt.u32 s2, $0x1869FC;
	(pc) =	sbr.rel @!p2 .LBB2_41-.Ltmp33, $4  }
0x4a8: {  	s6 =	simm.s32 $0x0;
	s3 =	sand.u32 @!p1 $0x1FFFF8, s2  }
0x4a9: {  	s0 =	simm.s32 $0x60D8;
	s2 =	sand.u32 @!p1 $0x7, s2;
	s3 =	sadd.s32 @!p1 s4, s3  }
0x4aa: {  	[hbm4b:s3+s2] =	stream.linear.scatter @!p1 [tilespmem:s0], [sflag:$0x5], $0x20, $0x38;
	[tilespmem:$0x1EC48] =	vst v63  }
0x4ab: {  	s6 =	simm.s32 @!p1 $0x80;
	s2 =	simm.s32 $0x0;
	s3 =	simm.s32 $0x609A  }
.LBB2_40:
0x4ac: {  	v0 =	vld.msk [tilespmem:s3+$0x0], $0x1;
	s1 =	sadd.s32 $0xFFFFFFFF, s1;
	s2 =	sadd.s32 s2, s6  }
0x4ad: {  	p1 =	sne.s32 s1, $0x0;
	_ =	sdelay $0x3  }
0x4ae: {  	(v2sf) =	vpush v0, $0x0;
	_ =	sdelay $0xe  }
.Ltmp34:
0x4af: {  	s5 =	spop (v2sf);
	(pc) =	sbr.rel @p1 .LBB2_40-.Ltmp34, $4  }
0x4b0: {  	s6 =	simm.s32 $0x0;
	p2 =	sgt.u32 s5, $0x1869FC  }
0x4b1: {  	s0 =	sadd.s32 $0x20, s0;
	s6 =	simm.s32 @!p2 $0x80;
	s7 =	sand.u32 @!p2 $0x1FFFF8, s5  }
0x4b2: {  	s3 =	sadd.s32 $0x1, s3;
	s5 =	sand.u32 @!p2 $0x7, s5;
	s7 =	sadd.s32 @!p2 s4, s7  }
0x4b3: {  	[hbm4b:s7+s5] =	stream.linear.scatter @!p2 [tilespmem:s0], [sflag:$0x5], $0x20, $0x38;
	[tilespmem:$0x1EC48] =	vst v63  }
.LBB2_41:
0x4b4: {  	s0 =	sadd.s32 s2, s6  }
0x4b5: {  	s0 =	sshrl.u32 s0, $0x2  }
.LBB2_42:
0x4b6: {  	s1 =	simm.s32 $0x5  }
0x4b7: {  	_ =	swait.ge [sflag:s1], s0  }
0x4b8: {  	s31 =	ssub.s32 $0x0, s0;
	[sflag:s1] =	ssyncset.done $0x0  }
0x4b9: {  	[sflag:s1] =	ssyncadd.s32 s31  }
0x4ba: {  	[sflag:s1] =	ssyncpa.u1 $0x1  }
.LBB2_43:
0x4bb: {  	s0 =	sor.u32 s15, s14  }
0x4bc: {  	p1 =	sne.s32 s0, $0x0  }
.Ltmp35:
0x4bd: {  	_ = 	snop;
	(pc) =	sbr.rel @p1 .LBB2_58-.Ltmp35, $3  }
0x4be: {  	_ =	sdelay $0x1  }
0x4bf: {  	[bflag:$0x0] =	sbarrier.arrive $0xFFFF  }
0x4c0: {  	_ =	sfence  }
0x4c1: {  	s0 =	simm.s32 $0x7  }
0x4c2: {  	s1 =	simm.s32 $0x400;
	s2 =	simm.s32 $0x6098;
	[sflag:s0] =	ssyncpa.u1 $0x0  }
0x4c3: {  	[tilespmem:s2], [sflag:$0x7] =	stream.linear.gather [spmem:s1], $0x20, $0x38;
	[tilespmem:$0x1EC48] =	vst v63  }
0x4c4: {  	s30 =	simm.s32 $0x60B8;
	s1 =	simm.s32 $0x0  }
0x4c5: {  	[tilespmem:s30], [sflag:$0x7] =	stream.linear.gather [spmem:s1], $0x400, $0x38;
	[tilespmem:$0x1EC48] =	vst v63  }
.Ltmp36:
0x4c6: {  	_ = 	snop;
	(pc) =	sbr.rel .LBB2_45-.Ltmp36, $4  }
0x4c7: {  	_ =	swait.ge [sflag:s0], $0x420  }
0x4c8: {  	[sflag:s0] =	ssyncset.done $0x0  }
0x4c9: {  	s31 =	simm.s32 $0x8;
	[sflag:s0] =	ssyncadd.s32 $0xFFFFFBE0  }
0x4ca: {  	s2 =	simm.s32 $0x0;
	[sflag:s31] =	ssyncpa.u1 $0x0  }
.LBB2_51:
0x4cb: {  	p1 =	slt.u32 s3, $0x1869FD  }
0x4cc: {  	s0 =	sand.u32 @p1 $0x1FFFF8, s3  }
0x4cd: {  	s3 =	sand.u32 @p1 $0x7, s3;
	s5 =	simm.s32 @p1 $0x6068;
	s0 =	sadd.s32 @p1 s4, s0  }
0x4ce: {  	[tilespmem:s5], [sflag:$0x8] =	stream.linear.gather @p1 [hbm4b:s0+s3], $0x20, $0x38;
	[tilespmem:$0x1EC48] =	vst v63  }
0x4cf: {  	s0 =	simm.s32 @p1 $0x8  }
0x4d0: {  	_ =	swait.ge @p1 [sflag:s0], $0x20  }
0x4d1: {  	[sflag:s0] =	ssyncset.done @p1 $0x0  }
0x4d2: {  	[sflag:s0] =	ssyncadd.s32 @p1 $0xFFFFFFE0  }
0x4d3: {  	v1 =	vld @p1 [tilespmem:$0x6068];
	_ =	sdelay $0x2  }
0x4d4: {  	s0 =	sshll.u32 @p1 s2, $0x7  }
0x4d5: {  	s3 =	sshrl.u32 @p1 s0, $0x2  }
0x4d6: {  	[tilespmem:s3+$0x60B8] =	vst.add.f32.msk @p1 $0xffff, v1  }
0x4d7: {  	v1 =	vld @p1 [tilespmem:$0x6078];
	_ =	sdelay $0x3  }
0x4d8: {  	s5 =	sshll.u32 @!p1 s2, $0x7  }
0x4d9: {  	s5 =	smov.u32 @p1 s0;
	[tilespmem:s3+$0x60C8] =	vst.add.f32.msk @p1 $0xffff, v1  }
0x4da: {  	s0 =	sshrl.u32 s5, $0x2;
	[tilespmem:s1+$0x6098] =	vst.msk $0x1, v0  }
0x4db: {  	v0 =	vld [tilespmem:s0+$0x60B8];
	_ =	sdelay $0x2  }
0x4dc: {  	s31 =	sshll.u32 s1, $0x7  }
0x4dd: {  	s3 =	sshra.s32 s31, $0x2  }
0x4de: {  	[tilespmem:s3+$0x60B8] =	vst v0  }
0x4df: {  	v0 =	vld [tilespmem:s0+$0x60C8];
	_ =	sdelay $0x4  }
0x4e0: {  	s1 =	sadd.s32 $0x1, s1;
	[tilespmem:s3+$0x60C8] =	vst v0  }
.LBB2_52:
0x4e1: {  	s2 =	sadd.s32 $0x1, s2  }
0x4e2: {  	p1 =	sne.s32 s2, $0x20  }
.Ltmp37:
0x4e3: {  	_ = 	snop;
	(pc) =	sbr.rel @!p1 .LBB2_53-.Ltmp37, $1  }
0x4e4: {  	_ =	sdelay $0x3  }
.LBB2_45:
0x4e5: {  	v0 =	vld.msk [tilespmem:s2+$0x6098], $0x1;
	_ =	sdelay $0x4  }
0x4e6: {  	(v2sf) =	vpush v0, $0x0;
	_ =	sdelay $0xe  }
0x4e7: {  	s3 =	spop (v2sf)  }
0x4e8: {  	p1 =	seq.s32 s3, $0xFFFFFFFF  }
.Ltmp38:
0x4e9: {  	_ = 	snop;
	(pc) =	sbr.rel @p1 .LBB2_52-.Ltmp38, $1  }
0x4ea: {  	_ =	sdelay $0x3  }
0x4eb: {  	p1 =	slt.s32 s1, $0x1  }
.Ltmp39:
0x4ec: {  	_ = 	snop;
	(pc) =	sbr.rel @p1 .LBB2_51-.Ltmp39, $1  }
0x4ed: {  	_ =	sdelay $0x3  }
0x4ee: {  	s0 =	simm.s32 $0x6098;
	p1 =	por $0x0, $0x0  }
0x4ef: {  	v1 =	vld.msk @!p1 [tilespmem:s0+$0x0], $0x1;
	_ =	sdelay $0x4  }
0x4f0: {  	(v2sf) =	vpush @!p1 v1, $0x0;
	_ =	sdelay $0xd  }
0x4f1: {  	p3 =	sne.s32 s1, $0x1  }
.Ltmp40:
0x4f2: {  	s5 =	spop @!p1 (v2sf);
	(pc) =	sbr.rel @!p3 .LBB2_49-.Ltmp40, $4  }
0x4f3: {  	p2 =	seq.s32 @!p1 s3, s5  }
0x4f4: {  	s5 =	simm.s32 $0x0;
	p2 =	por !p2, p1  }
0x4f5: {  	s7 =	simm.s32 $0xFFFFFFFF;
	s5 =	simm.s32 @p2 $0xFFFFFFFF  }
0x4f6: {  	s6 =	simm.s32 $0x1;
	s5 =	smov.u32 @p1 s7  }
.LBB2_48:
0x4f7: {  	s7 =	smov.u32 s5;
	p1 =	sne.s32 s5, $0xFFFFFFFF  }
0x4f8: {  	s0 =	sadd.s32 $0x1, s0;
	s5 =	smov.u32 s6;
	s6 =	sadd.s32 $0x1, s6  }
0x4f9: {  	p2 =	sne.s32 s1, s6;
	v1 =	vld.msk @!p1 [tilespmem:s0+$0x0], $0x1;
	_ =	sdelay $0x4  }
0x4fa: {  	(v2sf) =	vpush @!p1 v1, $0x0;
	_ =	sdelay $0xe  }
.Ltmp41:
0x4fb: {  	s8 =	spop @!p1 (v2sf);
	(pc) =	sbr.rel @p2 .LBB2_48-.Ltmp41, $4  }
0x4fc: {  	p3 =	seq.s32 @!p1 s3, s8  }
0x4fd: {  	p3 =	por !p3, p1  }
0x4fe: {  	s5 =	simm.s32 @p3 $0xFFFFFFFF  }
0x4ff: {  	s5 =	smov.u32 @p1 s7  }
.LBB2_49:
0x500: {  	p1 =	seq.s32 s5, $0xFFFFFFFF  }
.Ltmp42:
0x501: {  	_ = 	snop;
	(pc) =	sbr.rel @p1 .LBB2_51-.Ltmp42, $1  }
0x502: {  	_ =	sdelay $0x3  }
0x503: {  	s0 =	sshll.u32 s2, $0x5  }
0x504: {  	s0 =	sand.u32 $0x3FFFFFE0, s0  }
0x505: {  	v0 =	vld [tilespmem:s0+$0x60B8];
	_ =	sdelay $0x2  }
0x506: {  	s3 =	sshll.u32 s5, $0x7  }
0x507: {  	s3 =	sshra.s32 s3, $0x2  }
0x508: {  	[tilespmem:s3+$0x60B8] =	vst.add.f32.msk $0xffff, v0  }
0x509: {  	v0 =	vld [tilespmem:s0+$0x60C8]  }
.Ltmp43:
0x50a: {  	_ = 	snop;
	(pc) =	sbr.rel .LBB2_52-.Ltmp43, $2  }
0x50b: {  	_ =	sdelay $0x2  }
0x50c: {  	[tilespmem:s3+$0x60C8] =	vst.add.f32.msk $0xffff, v0  }
.LBB2_53:
0x50d: {  	p1 =	slt.s32 s1, $0x1  }
.Ltmp44:
0x50e: {  	_ = 	snop;
	(pc) =	sbr.rel @p1 .LBB2_57-.Ltmp44, $3  }
0x50f: {  	_ =	sdelay $0x1  }
0x510: {  	s0 =	simm.s32 $0x8  }
0x511: {  	s2 =	simm.s32 $0x0;
	[sflag:s0] =	ssyncpa.u1 $0x1  }
0x512: {  	s0 =	simm.s32 $0x6098  }
0x513: {  	v0 =	vld.msk [tilespmem:s0+$0x0], $0x1;
	_ =	sdelay $0x4  }
0x514: {  	(v2sf) =	vpush v0, $0x0;
	_ =	sdelay $0xe  }
0x515: {  	s1 =	sadd.s32 $0xFFFFFFFF, s1;
	s3 =	spop (v2sf)  }
0x516: {  	p2 =	sne.s32 s1, $0x0;
	p1 =	sgt.u32 s3, $0x1869FC  }
.Ltmp45:
0x517: {  	s5 =	sand.u32 @!p1 $0x1FFFF8, s3;
	(pc) =	sbr.rel @!p2 .LBB2_56-.Ltmp45, $4  }
0x518: {  	s0 =	simm.s32 $0x60B8;
	s3 =	sand.u32 @!p1 $0x7, s3;
	s5 =	sadd.s32 @!p1 s4, s5  }
0x519: {  	[hbm4b:s5+s3] =	stream.linear.scatter @!p1 [tilespmem:s0], [sflag:$0x7], $0x20, $0x38;
	[tilespmem:$0x1EC48] =	vst v63  }
0x51a: {  	s5 =	simm.s32 $0x0  }
0x51b: {  	s3 =	simm.s32 $0x6099;
	s5 =	simm.s32 @!p1 $0x80  }
.LBB2_55:
0x51c: {  	v0 =	vld.msk [tilespmem:s3+$0x0], $0x1;
	s1 =	sadd.s32 $0xFFFFFFFF, s1;
	s2 =	sadd.s32 s2, s5  }
0x51d: {  	p1 =	sne.s32 s1, $0x0;
	_ =	sdelay $0x3  }
0x51e: {  	(v2sf) =	vpush v0, $0x0;
	_ =	sdelay $0xe  }
.Ltmp46:
0x51f: {  	s6 =	spop (v2sf);
	(pc) =	sbr.rel @p1 .LBB2_55-.Ltmp46, $4  }
0x520: {  	s5 =	simm.s32 $0x0;
	p2 =	sgt.u32 s6, $0x1869FC  }
0x521: {  	s0 =	sadd.s32 $0x20, s0;
	s5 =	simm.s32 @!p2 $0x80;
	s7 =	sand.u32 @!p2 $0x1FFFF8, s6  }
0x522: {  	s3 =	sadd.s32 $0x1, s3;
	s6 =	sand.u32 @!p2 $0x7, s6;
	s7 =	sadd.s32 @!p2 s4, s7  }
0x523: {  	[hbm4b:s7+s6] =	stream.linear.scatter @!p2 [tilespmem:s0], [sflag:$0x7], $0x20, $0x38;
	[tilespmem:$0x1EC48] =	vst v63  }
.LBB2_56:
0x524: {  	s0 =	sadd.s32 s2, s5  }
0x525: {  	s2 =	sshrl.u32 s0, $0x2  }
.LBB2_57:
0x526: {  	s0 =	simm.s32 $0x7  }
0x527: {  	_ =	swait.ge [sflag:s0], s2  }
0x528: {  	s1 =	ssub.s32 $0x0, s2;
	[sflag:s0] =	ssyncset.done $0x0  }
0x529: {  	[sflag:s0] =	ssyncadd.s32 s1  }
0x52a: {  	[sflag:s0] =	ssyncpa.u1 $0x1  }
.LBB2_58:
0x52b: {  	_ =	sfence;
	s0 =	simm.s32 $0x1  }
0x52c: {  	[sflag:s0] =	ssyncpa.u1 $0x1  }
0x52d: {  	_ =	strace $0x90000050  }
0x52e: {  	[bflag:$0x2] =	sbarrier.arrive $0xFFFF  }
0x52f: {  	s0 =	rddreg [dreg:$0x4]  }
0x530: {  	s0 =	sadd.s32 @!p0 $0x100000, s0  }
0x531: {  	[sflag:s0] =	ssyncadd.tile.s32 @!p0 $0x1;
	_ =	shalt  }
.Lfunc_end2:
_tile_overlayer_lowered:
.L_overlay_start_2:
0x532: {  	(tag) =	ssettag $0x2  }
0x533: {  	s0 =	rddreg [dreg:$0x0];
	s2 =	stileid.u32  }
0x534: {  	s1 =	rddreg [dreg:$0x1];
	p0 =	sne.s32 s2, $0x0  }
0x535: {  	s3 =	rddreg [dreg:$0x2];
	[bflag:$0x3] =	sbarrier.arrive $0xFFFF;
	s2 =	simm.s32 @!p0 $0x1C01  }
0x536: {  	[timem:s3], [sflag:s2] =	dma.local @!p0 [hbm:s0], s1  }
0x537: {  	s0 =	simm.s32 @!p0 $0x1  }
0x538: {  	_ =	swait.ge @!p0 [sflag:s0], s1  }
0x539: {  	s1 =	ssub.s32 @!p0 $0x0, s1;
	[sflag:s0] =	ssyncset.done @!p0 $0x0  }
0x53a: {  	[sflag:s0] =	ssyncadd.s32 @!p0 s1  }
0x53b: {  	[bflag:$0x3] =	sbarrier.arrive $0xFFFF  }
0x53c: {  	_ =	shalt  }

// kernel: scatter_offload_async_start
scs
__scs_entry_jumppad:
0x0: {  	(pc) =	sbr.rel $0x88, $3  }
0x1: {  	(tag) =	ssettag $0x0;
	lr =	simm.s32 $0x1  }
0x2: {  	[smem:$0x3F9D] =	sst lr;
	_ =	strace $0xD0000000  }
0x3: {  	_ = 	snop  }
0x4: {  	_ = 	snop  }
0x5: {  	_ = 	snop  }
0x6: {  	_ = 	snop  }
0x7: {  	_ = 	snop  }
__scs_overlays_trampoline_lowered:
0x8: {  	[smem:$0x3FAC] =	sst s0  }
0x9: {  	[smem:$0x3FAD] =	sst s1  }
0xa: {  	[smem:$0x3FAE] =	sst s2  }
0xb: {  	[smem:$0x3FAF] =	sst s3  }
0xc: {  	[smem:$0x3FB0] =	sst s4  }
0xd: {  	[smem:$0x3FB1] =	sst s5  }
0xe: {  	[smem:$0x3FB2] =	sst s6  }
0xf: {  	[smem:$0x3FB3] =	sst s7  }
0x10: {  	[smem:$0x3FB4] =	sst s8  }
0x11: {  	[smem:$0x3FB5] =	sst s9;
	s0 =	simm.s32 @!p0 $0x0  }
0x12: {  	s1 =	sld [smem:$0x3F9B];
	s0 =	simm.s32 @p0 $0x1  }
0x13: {  	[smem:$0x3FB6] =	sst s0;
	s0 =	simm.s32 @!p1 $0x0  }
0x14: {  	s2 =	sld [smem:$0x3F9A];
	s0 =	simm.s32 @p1 $0x1  }
0x15: {  	[smem:$0x3FB7] =	sst s0;
	s0 =	simm.s32 @!p2 $0x0  }
0x16: {  	s3 =	sld [smem:$0x3FDB];
	s0 =	simm.s32 @p2 $0x1  }
0x17: {  	s4 =	simm.s32 $0x1BF5;
	[smem:$0x3FB9] =	sst s0  }
0x18: {  	s0 =	sld [smem:$0x3F9C];
	_ =	swait.ge [sflag:s4], $0x0  }
0x19: {  	s7 =	sld [smem:$0x3F9D]  }
0x1a: {  	s8 =	sadd.s32 $0xFFFFE003, lr  }
0x1b: {  	s9 =	sadd.s32 $0xFFFFFEF7, lr;
	s5 =	simm.s32 $0xFFFFFFFF;
	p2 =	slt.u32 s8, $0xFFFFF086  }
0x1c: {  	p1 =	slt.u32 s9, $0xF7A;
	s5 =	simm.s32 @!p2 $0x0  }
0x1d: {  	s5 =	simm.s32 @p1 $0x1;
	p0 =	seq.s32 s7, s2  }
0x1e: {  	s7 =	smul.u32 @!p0 $0xF7A, s2;
	p2 =	seq.s32 @!p0 s5, $0x0  }
0x1f: {  	s9 =	smul.u32 $0xF7A, s1;
	s8 =	simm.s32 @!p0 $0x1BF5;
	p2 =	por !p2, p0  }
0x20: {  	[sflag:s8] =	ssyncset.s32 @!p0 $0xFFFFF086;
	s6 =	sadd.s32 @!p0 s3, s7;
	s7 =	simm.s32 @!p0 $0x108  }
0x21: {  	s3 =	sadd.s32 s3, s9;
	s6 =	sadd.s32 @!p0 $0x88, s6;
	s7 =	simm.s32 @p2 $0x1082  }
0x22: {  	[simem:s7], [sflag:s8] =	dma.local @!p0 [hbm:s6], $0xF7A  }
0x23: {  	s9 =	sor.u32 $0xD0000000, s2;
	s6 =	simm.s32 $0x108;
	_ =	swait.ge @!p0 [sflag:s8], $0x0  }
0x24: {  	s3 =	sadd.s32 $0x88, s3;
	s6 =	simm.s32 @!p1 $0x1082;
	[sflag:s4] =	ssyncset.s32 $0xFFFFF086  }
0x25: {  	[simem:s6], [sflag:s4] =	dma.local [hbm:s3], $0xF7A  }
0x26: {  	[smem:$0x3F9D] =	sst s1;
	(tag) =	ssettag s2;
	_ =	strace s9  }
0x27: {  	s1 =	sld [smem:$0x3FAD]  }
0x28: {  	s2 =	sld [smem:$0x3FAE]  }
0x29: {  	s4 =	sld [smem:$0x3FB0]  }
0x2a: {  	p0 =	seq.s32 s5, $0x0;
	s5 =	sld [smem:$0x3FB1]  }
0x2b: {  	s6 =	sld [smem:$0x3FB2]  }
0x2c: {  	s7 =	sld [smem:$0x3FB3]  }
0x2d: {  	s3 =	simm.s32 $0x108;
	s8 =	sld [smem:$0x3FB4]  }
0x2e: {  	s3 =	simm.s32 @!p0 $0x1082;
	s9 =	sld [smem:$0x3FB5]  }
0x2f: {  	lr =	sadd.s32 s0, s3;
	s0 =	sld [smem:$0x3FAC]  }
0x30: {  	s3 =	sld [smem:$0x3FAF]  }
0x31: {  	[smem:$0x3FB8] =	sst s10  }
0x32: {  	s10 =	sld [smem:$0x3FB6];
	_ =	sdelay $0x3  }
0x33: {  	p0 =	seq.s32 s10, $0x1;
	s10 =	sld [smem:$0x3FB8];
	_ =	sdelay $0x3  }
0x34: {  	[smem:$0x3FB8] =	sst s10  }
0x35: {  	s10 =	sld [smem:$0x3FB7];
	_ =	sdelay $0x3  }
0x36: {  	p1 =	seq.s32 s10, $0x1;
	s10 =	sld [smem:$0x3FB8];
	_ =	sdelay $0x3  }
0x37: {  	[smem:$0x3FB8] =	sst s10  }
0x38: {  	s10 =	sld [smem:$0x3FB9]  }
0x39: {  	_ = 	snop;
	(pc) =	sbr.ind lr, $3  }
0x3a: {  	_ = 	snop  }
0x3b: {  	_ = 	snop  }
0x3c: {  	p2 =	seq.s32 s10, $0x1;
	s10 =	sld [smem:$0x3FB8]  }
0x3d: {  	_ =	shalt  }
0x3e: {  	_ =	shalt  }
0x3f: {  	_ =	shalt  }
0x40: {  	_ =	shalt  }
0x41: {  	_ =	shalt  }
0x42: {  	_ =	shalt  }
0x43: {  	_ =	shalt  }
0x44: {  	_ =	shalt  }
0x45: {  	_ =	shalt  }
0x46: {  	_ =	shalt  }
0x47: {  	_ =	shalt  }
0x48: {  	_ =	shalt  }
0x49: {  	_ =	shalt  }
0x4a: {  	_ =	shalt  }
0x4b: {  	_ =	shalt  }
0x4c: {  	_ =	shalt  }
0x4d: {  	_ =	shalt  }
0x4e: {  	_ =	shalt  }
0x4f: {  	_ =	shalt  }
0x50: {  	_ =	shalt  }
0x51: {  	_ =	shalt  }
0x52: {  	_ =	shalt  }
0x53: {  	_ =	shalt  }
0x54: {  	_ =	shalt  }
0x55: {  	_ =	shalt  }
0x56: {  	_ =	shalt  }
0x57: {  	_ =	shalt  }
0x58: {  	_ =	shalt  }
0x59: {  	_ =	shalt  }
0x5a: {  	_ =	shalt  }
0x5b: {  	_ =	shalt  }
0x5c: {  	_ =	shalt  }
0x5d: {  	_ =	shalt  }
0x5e: {  	_ =	shalt  }
0x5f: {  	_ =	shalt  }
0x60: {  	_ =	shalt  }
0x61: {  	_ =	shalt  }
0x62: {  	_ =	shalt  }
0x63: {  	_ =	shalt  }
0x64: {  	_ =	shalt  }
0x65: {  	_ =	shalt  }
0x66: {  	_ =	shalt  }
0x67: {  	_ =	shalt  }
0x68: {  	_ =	shalt  }
0x69: {  	_ =	shalt  }
0x6a: {  	_ =	shalt  }
0x6b: {  	_ =	shalt  }
0x6c: {  	_ =	shalt  }
0x6d: {  	_ =	shalt  }
0x6e: {  	_ =	shalt  }
0x6f: {  	_ =	shalt  }
0x70: {  	_ =	shalt  }
0x71: {  	_ =	shalt  }
0x72: {  	_ =	shalt  }
0x73: {  	_ =	shalt  }
0x74: {  	_ =	shalt  }
0x75: {  	_ =	shalt  }
0x76: {  	_ =	shalt  }
0x77: {  	_ =	shalt  }
0x78: {  	_ =	shalt  }
0x79: {  	_ =	shalt  }
0x7a: {  	_ =	shalt  }
0x7b: {  	_ =	shalt  }
0x7c: {  	_ =	shalt  }
0x7d: {  	_ =	shalt  }
0x7e: {  	_ =	shalt  }
0x7f: {  	_ =	shalt  }
0x80: {  	_ =	shalt  }
0x81: {  	_ =	shalt  }
0x82: {  	_ =	shalt  }
0x83: {  	_ =	shalt  }
0x84: {  	_ =	shalt  }
0x85: {  	_ =	shalt  }
0x86: {  	_ =	shalt  }
0x87: {  	_ =	shalt  }
.Lfunc_end0:
.L_simem_size_0:
called_computation_lowered:
.L_overlay_start_0:
0x88: {  	s2 =	sld [smem:$0x3FD9]  }
0x89: {  	s3 =	sld [smem:$0x3FFE];
	_ =	sdelay $0x1  }
0x8a: {  	s1 =	srdreg.scid  }
0x8b: {  	s0 =	sand.u32 $0x1, s1  }
0x8c: {  	s15 =	sshll.u32 s0, $0xA;
	s2 =	sadd.s32 s3, s2  }
0x8d: {  	s2 =	sadd.s32 s2, s15  }
0x8e: {  	[smem:$0x3FC4] =	sst s2  }
0x8f: {  	_ = 	snop  }
0x90: {  	(tm) =	ssettm $0x1  }
0x91: {  	s16 =	sld [smem:$0x3FFB];
	_ =	sdelay $0x3  }
0x92: {  	_ =	strace s16  }
0x93: {  	s2 =	sld [smem:$0x3FFC];
	_ =	sdelay $0x3  }
0x94: {  	_ =	strace s2  }
0x95: {  	s2 =	sld [smem:$0x3FFD];
	_ =	sdelay $0x3  }
0x96: {  	_ =	strace s2  }
0x97: {  	_ =	strace $0x8FFFFFFF  }
0x98: {  	s17 =	sld [smem:$0x3FDB];
	_ =	sdelay $0x1  }
0x99: {  	s18 =	simm.s32 $_scs_section_size  }
0x9a: {  	s4 =	simm.s32 $_size__tile_overlayer_lowered;
	s5 =	simm.s32 $_tile_overlayer_lowered  }
0x9b: {  	s21 =	simm.s32 $0x1BFF;
	s20 =	sshll.u32 s5, $0x1;
	s2 =	sadd.s32 s18, s17  }
0x9c: {  	s6 =	simm.s32 $0x0;
	s19 =	sshll.u32 s4, $0x1;
	s4 =	sadd.s32 s20, s2  }
0x9d: {  	[timem:s6], [sflag:s21] =	dma.local [hbm:s4], s19  }
0x9e: {  	_ =	swait.ge [sflag:s21], s19  }
0x9f: {  	s3 =	ssub.s32 $0x0, s19;
	[sflag:s21] =	ssyncset.done $0x0  }
0xa0: {  	[sflag:s21] =	ssyncadd.s32 s3;
	_ =	sdelay $0x1  }
0xa1: {  	s22 =	simm.s32 $0x1B8B  }
0xa2: {  	_ =	swait.ge [sflag:s22], $0x1  }
0xa3: {  	[sflag:s22] =	ssyncset.done $0x0  }
0xa4: {  	s23 =	sld [smem:$0x3FFE];
	[sflag:s22] =	ssyncadd.s32 $0xFFFFFFFF  }
0xa5: {  	s25 =	simm.s32 $0x1B8E;
	s24 =	sld [smem:$0x0]  }
0xa6: {  	s26 =	simm.s32 $execute0_lowered;
	[smem:$0x3FD2] =	sst s25  }
0xa7: {  	s5 =	sshll.u32 s26, $0x1;
	_ =	strace $0x8000004C;
	[dreg:$0x1] =	wrdreg $0xFFFFFFFF  }
0xa8: {  	s28 =	simm.s32 $_size_execute0_lowered;
	s2 =	sadd.s32 s2, s5;
	[dreg:$0x0] =	wrdreg $0x0  }
0xa9: {  	s5 =	sshll.u32 s28, $0x1;
	[dreg:$0x2] =	wrdreg s2  }
0xaa: {  	[dreg:$0x3] =	wrdreg s5  }
0xab: {  	[dreg:$0x4] =	wrdreg $0xC0  }
0xac: {  	_ =	task [dreg:s6], $0x5FFFF  }
0xad: {  	[dreg:$0x1] =	wrdreg $0xFFFFFFFF  }
0xae: {  	[dreg:$0x0] =	wrdreg $0x60  }
0xaf: {  	[dreg:$0x2] =	wrdreg s23  }
0xb0: {  	[dreg:$0x3] =	wrdreg s1  }
0xb1: {  	[dreg:$0x4] =	wrdreg s24  }
0xb2: {  	[dreg:$0x5] =	wrdreg $0x9  }
0xb3: {  	_ =	task.clear_ibuf [dreg:s6], $0x6FFFF;
	_ =	strace $0x9000004C  }
0xb4: {  	s29 =	simm.s32 $0x9;
	_ =	strace $0x8000004E  }
0xb5: {  	_ =	swait.ge [sflag:s29], $0x1  }
0xb6: {  	[sflag:s29] =	ssyncadd.s32 $0xFFFFFFFF  }
0xb7: {  	_ =	strace $0x9000004E  }
0xb8: {  	_ =	sfence  }
0xb9: {  	s30 =	sld [smem:$0x0];
	_ =	sdelay $0x2  }
0xba: {  	s31 =	sshll.u32 s1, $0xD;
	s1 =	sshrl.u32 s1, $0x2  }
0xbb: {  	s3 =	sand.u32 $0x4000, s31;
	s1 =	sadd.s32 s1, s30  }
0xbc: {  	s0 =	sor.u32 s3, s0;
	s1 =	sshll.u32 s1, $0x11  }
0xbd: {  	s0 =	sor.u32 s1, s0  }
0xbe: {  	s0 =	sadd.s32 $0x8F2B, s0  }
0xbf: {  	[sflag:s0] =	ssyncadd.remote.s32 $0x1  }
0xc0: {  	_ =	sfence.sel $0xFFFF  }
0xc1: {  	[dreg:$0x0] =	wrdreg $0xFFFFFFFF;
	(pc) =	sbr.abs _section_cstart, $3  }
0xc2: {  	[dreg:$0x1] =	wrdreg $0xFFFFFFFF  }
0xc3: {  	_ =	task.clear_ibuf [dreg:s6], $0x2FFFF;
	_ =	strace $0x9FFFFFFF  }
0xc4: {  	(tm) =	ssettm $0x7FFFFFFF  }
0xc5: {  	_ =	shalt  }
tec
execute0_lowered:
.L_overlay_start_1:
0x0: {  	(tag) =	ssettag $0x1  }
0x1: {  	s7 =	rddreg [dreg:$0x0]  }
0x2: {  	s2 =	rddreg [dreg:$0x1];
	_ =	strace $0x8000004D;
	s3 =	simm.s32 $0x1  }
0x3: {  	v0 =	vimm.s32 $0x0;
	[sflag:s3] =	ssyncpa.u1 $0x0  }
0x4: {  	[tilespmem:$0x48] =	vst v0  }
0x5: {  	[tilespmem:$0x58] =	vst v0  }
0x6: {  	[tilespmem:$0x68] =	vst v0  }
0x7: {  	[tilespmem:$0x78] =	vst v0  }
0x8: {  	[tilespmem:$0x88] =	vst v0  }
0x9: {  	[tilespmem:$0x98] =	vst v0  }
0xa: {  	[tilespmem:$0xA8] =	vst v0  }
0xb: {  	[tilespmem:$0xB8] =	vst v0  }
0xc: {  	[tilespmem:$0xC8] =	vst v0  }
0xd: {  	[tilespmem:$0xD8] =	vst v0  }
0xe: {  	[tilespmem:$0xE8] =	vst v0  }
0xf: {  	[tilespmem:$0xF8] =	vst v0  }
0x10: {  	[tilespmem:$0x108] =	vst v0  }
0x11: {  	[tilespmem:$0x118] =	vst v0  }
0x12: {  	[tilespmem:$0x128] =	vst v0  }
0x13: {  	[tilespmem:$0x138] =	vst v0  }
0x14: {  	[tilespmem:$0x148] =	vst v0  }
0x15: {  	[tilespmem:$0x158] =	vst v0  }
0x16: {  	[tilespmem:$0x168] =	vst v0  }
0x17: {  	[tilespmem:$0x178] =	vst v0  }
0x18: {  	[tilespmem:$0x188] =	vst v0  }
0x19: {  	[tilespmem:$0x198] =	vst v0  }
0x1a: {  	[tilespmem:$0x1A8] =	vst v0  }
0x1b: {  	[tilespmem:$0x1B8] =	vst v0  }
0x1c: {  	[tilespmem:$0x1C8] =	vst v0  }
0x1d: {  	[tilespmem:$0x1D8] =	vst v0  }
0x1e: {  	[tilespmem:$0x1E8] =	vst v0  }
0x1f: {  	[tilespmem:$0x1F8] =	vst v0  }
0x20: {  	[tilespmem:$0x208] =	vst v0  }
0x21: {  	[tilespmem:$0x218] =	vst v0  }
0x22: {  	[tilespmem:$0x228] =	vst v0  }
0x23: {  	[tilespmem:$0x238] =	vst v0  }
0x24: {  	[tilespmem:$0x248] =	vst v0  }
0x25: {  	[tilespmem:$0x258] =	vst v0  }
0x26: {  	[tilespmem:$0x268] =	vst v0  }
0x27: {  	[tilespmem:$0x278] =	vst v0  }
0x28: {  	[tilespmem:$0x288] =	vst v0  }
0x29: {  	[tilespmem:$0x298] =	vst v0  }
0x2a: {  	[tilespmem:$0x2A8] =	vst v0  }
0x2b: {  	[tilespmem:$0x2B8] =	vst v0  }
0x2c: {  	[tilespmem:$0x2C8] =	vst v0  }
0x2d: {  	[tilespmem:$0x2D8] =	vst v0  }
0x2e: {  	[tilespmem:$0x2E8] =	vst v0  }
0x2f: {  	[tilespmem:$0x2F8] =	vst v0  }
0x30: {  	[tilespmem:$0x308] =	vst v0  }
0x31: {  	[tilespmem:$0x318] =	vst v0  }
0x32: {  	[tilespmem:$0x328] =	vst v0  }
0x33: {  	[tilespmem:$0x338] =	vst v0  }
0x34: {  	[tilespmem:$0x348] =	vst v0  }
0x35: {  	[tilespmem:$0x358] =	vst v0  }
0x36: {  	[tilespmem:$0x368] =	vst v0  }
0x37: {  	[tilespmem:$0x378] =	vst v0  }
0x38: {  	[tilespmem:$0x388] =	vst v0  }
0x39: {  	[tilespmem:$0x398] =	vst v0  }
0x3a: {  	[tilespmem:$0x3A8] =	vst v0  }
0x3b: {  	[tilespmem:$0x3B8] =	vst v0  }
0x3c: {  	[tilespmem:$0x3C8] =	vst v0  }
0x3d: {  	[tilespmem:$0x3D8] =	vst v0  }
0x3e: {  	[tilespmem:$0x3E8] =	vst v0  }
0x3f: {  	[tilespmem:$0x3F8] =	vst v0  }
0x40: {  	[tilespmem:$0x408] =	vst v0  }
0x41: {  	[tilespmem:$0x418] =	vst v0  }
0x42: {  	[tilespmem:$0x428] =	vst v0  }
0x43: {  	[tilespmem:$0x438] =	vst v0  }
0x44: {  	[tilespmem:$0x448] =	vst v0  }
0x45: {  	[tilespmem:$0x458] =	vst v0  }
0x46: {  	[tilespmem:$0x468] =	vst v0  }
0x47: {  	[tilespmem:$0x478] =	vst v0  }
0x48: {  	[tilespmem:$0x488] =	vst v0  }
0x49: {  	[tilespmem:$0x498] =	vst v0  }
0x4a: {  	[tilespmem:$0x4A8] =	vst v0  }
0x4b: {  	[tilespmem:$0x4B8] =	vst v0  }
0x4c: {  	[tilespmem:$0x4C8] =	vst v0  }
0x4d: {  	[tilespmem:$0x4D8] =	vst v0  }
0x4e: {  	[tilespmem:$0x4E8] =	vst v0  }
0x4f: {  	[tilespmem:$0x4F8] =	vst v0  }
0x50: {  	[tilespmem:$0x508] =	vst v0  }
0x51: {  	[tilespmem:$0x518] =	vst v0  }
0x52: {  	[tilespmem:$0x528] =	vst v0  }
0x53: {  	[tilespmem:$0x538] =	vst v0  }
0x54: {  	[tilespmem:$0x548] =	vst v0  }
0x55: {  	[tilespmem:$0x558] =	vst v0  }
0x56: {  	[tilespmem:$0x568] =	vst v0  }
0x57: {  	[tilespmem:$0x578] =	vst v0  }
0x58: {  	[tilespmem:$0x588] =	vst v0  }
0x59: {  	[tilespmem:$0x598] =	vst v0  }
0x5a: {  	[tilespmem:$0x5A8] =	vst v0  }
0x5b: {  	[tilespmem:$0x5B8] =	vst v0  }
0x5c: {  	[tilespmem:$0x5C8] =	vst v0  }
0x5d: {  	[tilespmem:$0x5D8] =	vst v0  }
0x5e: {  	[tilespmem:$0x5E8] =	vst v0  }
0x5f: {  	[tilespmem:$0x5F8] =	vst v0  }
0x60: {  	[tilespmem:$0x608] =	vst v0  }
0x61: {  	[tilespmem:$0x618] =	vst v0  }
0x62: {  	[tilespmem:$0x628] =	vst v0  }
0x63: {  	[tilespmem:$0x638] =	vst v0  }
0x64: {  	[tilespmem:$0x648] =	vst v0  }
0x65: {  	[tilespmem:$0x658] =	vst v0  }
0x66: {  	[tilespmem:$0x668] =	vst v0  }
0x67: {  	[tilespmem:$0x678] =	vst v0  }
0x68: {  	[tilespmem:$0x688] =	vst v0  }
0x69: {  	[tilespmem:$0x698] =	vst v0  }
0x6a: {  	[tilespmem:$0x6A8] =	vst v0  }
0x6b: {  	[tilespmem:$0x6B8] =	vst v0  }
0x6c: {  	[tilespmem:$0x6C8] =	vst v0  }
0x6d: {  	[tilespmem:$0x6D8] =	vst v0  }
0x6e: {  	[tilespmem:$0x6E8] =	vst v0  }
0x6f: {  	[tilespmem:$0x6F8] =	vst v0  }
0x70: {  	[tilespmem:$0x708] =	vst v0  }
0x71: {  	[tilespmem:$0x718] =	vst v0  }
0x72: {  	[tilespmem:$0x728] =	vst v0  }
0x73: {  	[tilespmem:$0x738] =	vst v0  }
0x74: {  	[tilespmem:$0x748] =	vst v0  }
0x75: {  	[tilespmem:$0x758] =	vst v0  }
0x76: {  	[tilespmem:$0x768] =	vst v0  }
0x77: {  	[tilespmem:$0x778] =	vst v0  }
0x78: {  	[tilespmem:$0x788] =	vst v0  }
0x79: {  	[tilespmem:$0x798] =	vst v0  }
0x7a: {  	[tilespmem:$0x7A8] =	vst v0  }
0x7b: {  	[tilespmem:$0x7B8] =	vst v0  }
0x7c: {  	[tilespmem:$0x7C8] =	vst v0  }
0x7d: {  	[tilespmem:$0x7D8] =	vst v0  }
0x7e: {  	[tilespmem:$0x7E8] =	vst v0  }
0x7f: {  	[tilespmem:$0x7F8] =	vst v0  }
0x80: {  	[tilespmem:$0x808] =	vst v0  }
0x81: {  	[tilespmem:$0x818] =	vst v0  }
0x82: {  	[tilespmem:$0x828] =	vst v0  }
0x83: {  	[tilespmem:$0x838] =	vst v0  }
0x84: {  	[tilespmem:$0x848] =	vst v0  }
0x85: {  	[tilespmem:$0x858] =	vst v0  }
0x86: {  	[tilespmem:$0x868] =	vst v0  }
0x87: {  	[tilespmem:$0x878] =	vst v0  }
0x88: {  	[tilespmem:$0x888] =	vst v0  }
0x89: {  	[tilespmem:$0x898] =	vst v0  }
0x8a: {  	[tilespmem:$0x8A8] =	vst v0  }
0x8b: {  	[tilespmem:$0x8B8] =	vst v0  }
0x8c: {  	[tilespmem:$0x8C8] =	vst v0  }
0x8d: {  	[tilespmem:$0x8D8] =	vst v0  }
0x8e: {  	[tilespmem:$0x8E8] =	vst v0  }
0x8f: {  	[tilespmem:$0x8F8] =	vst v0  }
0x90: {  	[tilespmem:$0x908] =	vst v0  }
0x91: {  	[tilespmem:$0x918] =	vst v0  }
0x92: {  	[tilespmem:$0x928] =	vst v0  }
0x93: {  	[tilespmem:$0x938] =	vst v0  }
0x94: {  	[tilespmem:$0x948] =	vst v0  }
0x95: {  	[tilespmem:$0x958] =	vst v0  }
0x96: {  	[tilespmem:$0x968] =	vst v0  }
0x97: {  	[tilespmem:$0x978] =	vst v0  }
0x98: {  	[tilespmem:$0x988] =	vst v0  }
0x99: {  	[tilespmem:$0x998] =	vst v0  }
0x9a: {  	[tilespmem:$0x9A8] =	vst v0  }
0x9b: {  	[tilespmem:$0x9B8] =	vst v0  }
0x9c: {  	[tilespmem:$0x9C8] =	vst v0  }
0x9d: {  	[tilespmem:$0x9D8] =	vst v0  }
0x9e: {  	[tilespmem:$0x9E8] =	vst v0  }
0x9f: {  	[tilespmem:$0x9F8] =	vst v0  }
0xa0: {  	[tilespmem:$0xA08] =	vst v0  }
0xa1: {  	[tilespmem:$0xA18] =	vst v0  }
0xa2: {  	[tilespmem:$0xA28] =	vst v0  }
0xa3: {  	[tilespmem:$0xA38] =	vst v0  }
0xa4: {  	[tilespmem:$0xA48] =	vst v0  }
0xa5: {  	[tilespmem:$0xA58] =	vst v0  }
0xa6: {  	[tilespmem:$0xA68] =	vst v0  }
0xa7: {  	[tilespmem:$0xA78] =	vst v0  }
0xa8: {  	[tilespmem:$0xA88] =	vst v0  }
0xa9: {  	[tilespmem:$0xA98] =	vst v0  }
0xaa: {  	[tilespmem:$0xAA8] =	vst v0  }
0xab: {  	[tilespmem:$0xAB8] =	vst v0  }
0xac: {  	[tilespmem:$0xAC8] =	vst v0  }
0xad: {  	[tilespmem:$0xAD8] =	vst v0  }
0xae: {  	[tilespmem:$0xAE8] =	vst v0  }
0xaf: {  	[tilespmem:$0xAF8] =	vst v0  }
0xb0: {  	[tilespmem:$0xB08] =	vst v0  }
0xb1: {  	[tilespmem:$0xB18] =	vst v0  }
0xb2: {  	[tilespmem:$0xB28] =	vst v0  }
0xb3: {  	[tilespmem:$0xB38] =	vst v0  }
0xb4: {  	[tilespmem:$0xB48] =	vst v0  }
0xb5: {  	[tilespmem:$0xB58] =	vst v0  }
0xb6: {  	[tilespmem:$0xB68] =	vst v0  }
0xb7: {  	[tilespmem:$0xB78] =	vst v0  }
0xb8: {  	[tilespmem:$0xB88] =	vst v0  }
0xb9: {  	[tilespmem:$0xB98] =	vst v0  }
0xba: {  	[tilespmem:$0xBA8] =	vst v0  }
0xbb: {  	[tilespmem:$0xBB8] =	vst v0  }
0xbc: {  	[tilespmem:$0xBC8] =	vst v0  }
0xbd: {  	[tilespmem:$0xBD8] =	vst v0  }
0xbe: {  	[tilespmem:$0xBE8] =	vst v0  }
0xbf: {  	[tilespmem:$0xBF8] =	vst v0  }
0xc0: {  	[tilespmem:$0xC08] =	vst v0  }
0xc1: {  	[tilespmem:$0xC18] =	vst v0  }
0xc2: {  	[tilespmem:$0xC28] =	vst v0  }
0xc3: {  	[tilespmem:$0xC38] =	vst v0  }
0xc4: {  	[tilespmem:$0xC48] =	vst v0  }
0xc5: {  	[tilespmem:$0xC58] =	vst v0  }
0xc6: {  	[tilespmem:$0xC68] =	vst v0  }
0xc7: {  	[tilespmem:$0xC78] =	vst v0  }
0xc8: {  	[tilespmem:$0xC88] =	vst v0  }
0xc9: {  	[tilespmem:$0xC98] =	vst v0  }
0xca: {  	[tilespmem:$0xCA8] =	vst v0  }
0xcb: {  	[tilespmem:$0xCB8] =	vst v0  }
0xcc: {  	[tilespmem:$0xCC8] =	vst v0  }
0xcd: {  	[tilespmem:$0xCD8] =	vst v0  }
0xce: {  	[tilespmem:$0xCE8] =	vst v0  }
0xcf: {  	[tilespmem:$0xCF8] =	vst v0  }
0xd0: {  	[tilespmem:$0xD08] =	vst v0  }
0xd1: {  	[tilespmem:$0xD18] =	vst v0  }
0xd2: {  	[tilespmem:$0xD28] =	vst v0  }
0xd3: {  	[tilespmem:$0xD38] =	vst v0  }
0xd4: {  	[tilespmem:$0xD48] =	vst v0  }
0xd5: {  	[tilespmem:$0xD58] =	vst v0  }
0xd6: {  	[tilespmem:$0xD68] =	vst v0  }
0xd7: {  	[tilespmem:$0xD78] =	vst v0  }
0xd8: {  	[tilespmem:$0xD88] =	vst v0  }
0xd9: {  	[tilespmem:$0xD98] =	vst v0  }
0xda: {  	[tilespmem:$0xDA8] =	vst v0  }
0xdb: {  	[tilespmem:$0xDB8] =	vst v0  }
0xdc: {  	[tilespmem:$0xDC8] =	vst v0  }
0xdd: {  	[tilespmem:$0xDD8] =	vst v0  }
0xde: {  	[tilespmem:$0xDE8] =	vst v0  }
0xdf: {  	[tilespmem:$0xDF8] =	vst v0  }
0xe0: {  	[tilespmem:$0xE08] =	vst v0  }
0xe1: {  	[tilespmem:$0xE18] =	vst v0  }
0xe2: {  	[tilespmem:$0xE28] =	vst v0  }
0xe3: {  	[tilespmem:$0xE38] =	vst v0  }
0xe4: {  	[tilespmem:$0xE48] =	vst v0  }
0xe5: {  	[tilespmem:$0xE58] =	vst v0  }
0xe6: {  	[tilespmem:$0xE68] =	vst v0  }
0xe7: {  	[tilespmem:$0xE78] =	vst v0  }
0xe8: {  	[tilespmem:$0xE88] =	vst v0  }
0xe9: {  	[tilespmem:$0xE98] =	vst v0  }
0xea: {  	[tilespmem:$0xEA8] =	vst v0  }
0xeb: {  	[tilespmem:$0xEB8] =	vst v0  }
0xec: {  	[tilespmem:$0xEC8] =	vst v0  }
0xed: {  	[tilespmem:$0xED8] =	vst v0  }
0xee: {  	[tilespmem:$0xEE8] =	vst v0  }
0xef: {  	[tilespmem:$0xEF8] =	vst v0  }
0xf0: {  	[tilespmem:$0xF08] =	vst v0  }
0xf1: {  	[tilespmem:$0xF18] =	vst v0  }
0xf2: {  	[tilespmem:$0xF28] =	vst v0  }
0xf3: {  	[tilespmem:$0xF38] =	vst v0  }
0xf4: {  	[tilespmem:$0xF48] =	vst v0  }
0xf5: {  	[tilespmem:$0xF58] =	vst v0  }
0xf6: {  	[tilespmem:$0xF68] =	vst v0  }
0xf7: {  	[tilespmem:$0xF78] =	vst v0  }
0xf8: {  	[tilespmem:$0xF88] =	vst v0  }
0xf9: {  	[tilespmem:$0xF98] =	vst v0  }
0xfa: {  	[tilespmem:$0xFA8] =	vst v0  }
0xfb: {  	[tilespmem:$0xFB8] =	vst v0  }
0xfc: {  	[tilespmem:$0xFC8] =	vst v0  }
0xfd: {  	[tilespmem:$0xFD8] =	vst v0  }
0xfe: {  	[tilespmem:$0xFE8] =	vst v0  }
0xff: {  	[tilespmem:$0xFF8] =	vst v0  }
0x100: {  	[tilespmem:$0x1008] =	vst v0  }
0x101: {  	[tilespmem:$0x1018] =	vst v0  }
0x102: {  	[tilespmem:$0x1028] =	vst v0  }
0x103: {  	[tilespmem:$0x1168] =	vst v0  }
0x104: {  	[tilespmem:$0x1038] =	vst v0  }
0x105: {  	[tilespmem:$0x1048] =	vst v0  }
0x106: {  	[tilespmem:$0x1058] =	vst v0  }
0x107: {  	[tilespmem:$0x1068] =	vst v0  }
0x108: {  	[tilespmem:$0x1078] =	vst v0  }
0x109: {  	[tilespmem:$0x1088] =	vst v0  }
0x10a: {  	[tilespmem:$0x1098] =	vst v0  }
0x10b: {  	[tilespmem:$0x10A8] =	vst v0  }
0x10c: {  	[tilespmem:$0x10B8] =	vst v0  }
0x10d: {  	[tilespmem:$0x10C8] =	vst v0  }
0x10e: {  	[tilespmem:$0x10D8] =	vst v0  }
0x10f: {  	[tilespmem:$0x10E8] =	vst v0  }
0x110: {  	[tilespmem:$0x10F8] =	vst v0  }
0x111: {  	[tilespmem:$0x1108] =	vst v0  }
0x112: {  	[tilespmem:$0x1118] =	vst v0  }
0x113: {  	[tilespmem:$0x1128] =	vst v0  }
0x114: {  	[tilespmem:$0x1138] =	vst v0  }
0x115: {  	[tilespmem:$0x1148] =	vst v0  }
0x116: {  	[tilespmem:$0x1158] =	vst v0  }
0x117: {  	[tilespmem:$0x1178] =	vst v0  }
0x118: {  	[tilespmem:$0x1188] =	vst v0  }
0x119: {  	[tilespmem:$0x1198] =	vst v0  }
0x11a: {  	[tilespmem:$0x11A8] =	vst v0  }
0x11b: {  	[tilespmem:$0x11B8] =	vst v0  }
0x11c: {  	[tilespmem:$0x11C8] =	vst v0  }
0x11d: {  	[tilespmem:$0x11D8] =	vst v0  }
0x11e: {  	[tilespmem:$0x11E8] =	vst v0  }
0x11f: {  	[tilespmem:$0x11F8] =	vst v0  }
0x120: {  	[tilespmem:$0x1208] =	vst v0  }
0x121: {  	[tilespmem:$0x1218] =	vst v0  }
0x122: {  	[tilespmem:$0x1228] =	vst v0  }
0x123: {  	[tilespmem:$0x1238] =	vst v0  }
0x124: {  	[tilespmem:$0x1248] =	vst v0  }
0x125: {  	[tilespmem:$0x1258] =	vst v0  }
0x126: {  	[tilespmem:$0x1268] =	vst v0  }
0x127: {  	[tilespmem:$0x1278] =	vst v0  }
0x128: {  	[tilespmem:$0x1288] =	vst v0  }
0x129: {  	[tilespmem:$0x1298] =	vst v0  }
0x12a: {  	[tilespmem:$0x12A8] =	vst v0  }
0x12b: {  	[tilespmem:$0x12B8] =	vst v0  }
0x12c: {  	[tilespmem:$0x12C8] =	vst v0  }
0x12d: {  	[tilespmem:$0x12D8] =	vst v0  }
0x12e: {  	[tilespmem:$0x12E8] =	vst v0  }
0x12f: {  	[tilespmem:$0x12F8] =	vst v0  }
0x130: {  	[tilespmem:$0x1308] =	vst v0  }
0x131: {  	[tilespmem:$0x1318] =	vst v0  }
0x132: {  	[tilespmem:$0x1328] =	vst v0  }
0x133: {  	[tilespmem:$0x1338] =	vst v0  }
0x134: {  	[tilespmem:$0x1348] =	vst v0  }
0x135: {  	[tilespmem:$0x1358] =	vst v0  }
0x136: {  	[tilespmem:$0x1368] =	vst v0  }
0x137: {  	[tilespmem:$0x1378] =	vst v0  }
0x138: {  	[tilespmem:$0x1388] =	vst v0  }
0x139: {  	[tilespmem:$0x1398] =	vst v0  }
0x13a: {  	[tilespmem:$0x13A8] =	vst v0  }
0x13b: {  	[tilespmem:$0x13B8] =	vst v0  }
0x13c: {  	[tilespmem:$0x13C8] =	vst v0  }
0x13d: {  	[tilespmem:$0x13D8] =	vst v0  }
0x13e: {  	[tilespmem:$0x13E8] =	vst v0  }
0x13f: {  	[tilespmem:$0x13F8] =	vst v0  }
0x140: {  	[tilespmem:$0x1408] =	vst v0  }
0x141: {  	[tilespmem:$0x1418] =	vst v0  }
0x142: {  	[tilespmem:$0x1428] =	vst v0  }
0x143: {  	[tilespmem:$0x1438] =	vst v0  }
0x144: {  	[tilespmem:$0x1448] =	vst v0  }
0x145: {  	[tilespmem:$0x1458] =	vst v0  }
0x146: {  	[tilespmem:$0x1468] =	vst v0  }
0x147: {  	[tilespmem:$0x1478] =	vst v0  }
0x148: {  	[tilespmem:$0x1488] =	vst v0  }
0x149: {  	[tilespmem:$0x1498] =	vst v0  }
0x14a: {  	[tilespmem:$0x14A8] =	vst v0  }
0x14b: {  	[tilespmem:$0x14B8] =	vst v0  }
0x14c: {  	[tilespmem:$0x14C8] =	vst v0  }
0x14d: {  	[tilespmem:$0x14D8] =	vst v0  }
0x14e: {  	[tilespmem:$0x14E8] =	vst v0  }
0x14f: {  	[tilespmem:$0x14F8] =	vst v0  }
0x150: {  	[tilespmem:$0x1508] =	vst v0  }
0x151: {  	[tilespmem:$0x1518] =	vst v0  }
0x152: {  	[tilespmem:$0x1528] =	vst v0  }
0x153: {  	[tilespmem:$0x1538] =	vst v0  }
0x154: {  	[tilespmem:$0x1548] =	vst v0  }
0x155: {  	[tilespmem:$0x1558] =	vst v0  }
0x156: {  	[tilespmem:$0x1568] =	vst v0  }
0x157: {  	[tilespmem:$0x1578] =	vst v0  }
0x158: {  	[tilespmem:$0x1588] =	vst v0  }
0x159: {  	[tilespmem:$0x1598] =	vst v0  }
0x15a: {  	[tilespmem:$0x15A8] =	vst v0  }
0x15b: {  	[tilespmem:$0x15B8] =	vst v0  }
0x15c: {  	[tilespmem:$0x15C8] =	vst v0  }
0x15d: {  	[tilespmem:$0x15D8] =	vst v0  }
0x15e: {  	[tilespmem:$0x15E8] =	vst v0  }
0x15f: {  	[tilespmem:$0x15F8] =	vst v0  }
0x160: {  	[tilespmem:$0x1608] =	vst v0  }
0x161: {  	[tilespmem:$0x1618] =	vst v0  }
0x162: {  	[tilespmem:$0x1628] =	vst v0  }
0x163: {  	[tilespmem:$0x1638] =	vst v0  }
0x164: {  	[tilespmem:$0x1648] =	vst v0  }
0x165: {  	[tilespmem:$0x1658] =	vst v0  }
0x166: {  	[tilespmem:$0x1668] =	vst v0  }
0x167: {  	[tilespmem:$0x1678] =	vst v0  }
0x168: {  	[tilespmem:$0x1688] =	vst v0  }
0x169: {  	[tilespmem:$0x1698] =	vst v0  }
0x16a: {  	[tilespmem:$0x16A8] =	vst v0  }
0x16b: {  	[tilespmem:$0x16B8] =	vst v0  }
0x16c: {  	[tilespmem:$0x16C8] =	vst v0  }
0x16d: {  	[tilespmem:$0x16D8] =	vst v0  }
0x16e: {  	[tilespmem:$0x16E8] =	vst v0  }
0x16f: {  	[tilespmem:$0x16F8] =	vst v0  }
0x170: {  	[tilespmem:$0x1708] =	vst v0  }
0x171: {  	[tilespmem:$0x1718] =	vst v0  }
0x172: {  	[tilespmem:$0x1728] =	vst v0  }
0x173: {  	[tilespmem:$0x1738] =	vst v0  }
0x174: {  	[tilespmem:$0x1748] =	vst v0  }
0x175: {  	[tilespmem:$0x1758] =	vst v0  }
0x176: {  	[tilespmem:$0x1768] =	vst v0  }
0x177: {  	[tilespmem:$0x1778] =	vst v0  }
0x178: {  	[tilespmem:$0x1788] =	vst v0  }
0x179: {  	[tilespmem:$0x1798] =	vst v0  }
0x17a: {  	[tilespmem:$0x17A8] =	vst v0  }
0x17b: {  	[tilespmem:$0x17B8] =	vst v0  }
0x17c: {  	[tilespmem:$0x17C8] =	vst v0  }
0x17d: {  	[tilespmem:$0x17D8] =	vst v0  }
0x17e: {  	[tilespmem:$0x17E8] =	vst v0  }
0x17f: {  	[tilespmem:$0x17F8] =	vst v0  }
0x180: {  	[tilespmem:$0x1808] =	vst v0  }
0x181: {  	[tilespmem:$0x1818] =	vst v0  }
0x182: {  	[tilespmem:$0x1828] =	vst v0  }
0x183: {  	[tilespmem:$0x1838] =	vst v0  }
0x184: {  	[tilespmem:$0x1848] =	vst v0  }
0x185: {  	[tilespmem:$0x1858] =	vst v0  }
0x186: {  	[tilespmem:$0x1868] =	vst v0  }
0x187: {  	[tilespmem:$0x1878] =	vst v0  }
0x188: {  	[tilespmem:$0x1888] =	vst v0  }
0x189: {  	[tilespmem:$0x1898] =	vst v0  }
0x18a: {  	[tilespmem:$0x18A8] =	vst v0  }
0x18b: {  	[tilespmem:$0x18B8] =	vst v0  }
0x18c: {  	[tilespmem:$0x18C8] =	vst v0  }
0x18d: {  	[tilespmem:$0x18D8] =	vst v0  }
0x18e: {  	[tilespmem:$0x18E8] =	vst v0  }
0x18f: {  	[tilespmem:$0x18F8] =	vst v0  }
0x190: {  	[tilespmem:$0x1908] =	vst v0  }
0x191: {  	[tilespmem:$0x1918] =	vst v0  }
0x192: {  	[tilespmem:$0x1928] =	vst v0  }
0x193: {  	[tilespmem:$0x1938] =	vst v0  }
0x194: {  	[tilespmem:$0x1948] =	vst v0  }
0x195: {  	[tilespmem:$0x1958] =	vst v0  }
0x196: {  	[tilespmem:$0x1968] =	vst v0  }
0x197: {  	[tilespmem:$0x1978] =	vst v0  }
0x198: {  	[tilespmem:$0x1988] =	vst v0  }
0x199: {  	[tilespmem:$0x1998] =	vst v0  }
0x19a: {  	[tilespmem:$0x19A8] =	vst v0  }
0x19b: {  	[tilespmem:$0x19B8] =	vst v0  }
0x19c: {  	[tilespmem:$0x19C8] =	vst v0  }
0x19d: {  	[tilespmem:$0x19D8] =	vst v0  }
0x19e: {  	[tilespmem:$0x19E8] =	vst v0  }
0x19f: {  	[tilespmem:$0x19F8] =	vst v0  }
0x1a0: {  	[tilespmem:$0x1A08] =	vst v0  }
0x1a1: {  	[tilespmem:$0x1A18] =	vst v0  }
0x1a2: {  	[tilespmem:$0x1A28] =	vst v0  }
0x1a3: {  	[tilespmem:$0x1A38] =	vst v0  }
0x1a4: {  	[tilespmem:$0x1A48] =	vst v0  }
0x1a5: {  	[tilespmem:$0x1A58] =	vst v0  }
0x1a6: {  	[tilespmem:$0x1A68] =	vst v0  }
0x1a7: {  	[tilespmem:$0x1A78] =	vst v0  }
0x1a8: {  	[tilespmem:$0x1A88] =	vst v0  }
0x1a9: {  	[tilespmem:$0x1A98] =	vst v0  }
0x1aa: {  	[tilespmem:$0x1AA8] =	vst v0  }
0x1ab: {  	[tilespmem:$0x1AB8] =	vst v0  }
0x1ac: {  	[tilespmem:$0x1AC8] =	vst v0  }
0x1ad: {  	[tilespmem:$0x1AD8] =	vst v0  }
0x1ae: {  	[tilespmem:$0x1AE8] =	vst v0  }
0x1af: {  	[tilespmem:$0x1AF8] =	vst v0  }
0x1b0: {  	[tilespmem:$0x1B08] =	vst v0  }
0x1b1: {  	[tilespmem:$0x1B18] =	vst v0  }
0x1b2: {  	[tilespmem:$0x1B28] =	vst v0  }
0x1b3: {  	[tilespmem:$0x1B38] =	vst v0  }
0x1b4: {  	[tilespmem:$0x1B48] =	vst v0  }
0x1b5: {  	[tilespmem:$0x1B58] =	vst v0  }
0x1b6: {  	[tilespmem:$0x1B68] =	vst v0  }
0x1b7: {  	[tilespmem:$0x1B78] =	vst v0  }
0x1b8: {  	[tilespmem:$0x1B88] =	vst v0  }
0x1b9: {  	[tilespmem:$0x1B98] =	vst v0  }
0x1ba: {  	[tilespmem:$0x1BA8] =	vst v0  }
0x1bb: {  	[tilespmem:$0x1BB8] =	vst v0  }
0x1bc: {  	[tilespmem:$0x1BC8] =	vst v0  }
0x1bd: {  	[tilespmem:$0x1BD8] =	vst v0  }
0x1be: {  	[tilespmem:$0x1BE8] =	vst v0  }
0x1bf: {  	[tilespmem:$0x1BF8] =	vst v0  }
0x1c0: {  	[tilespmem:$0x1C08] =	vst v0  }
0x1c1: {  	[tilespmem:$0x1C18] =	vst v0  }
0x1c2: {  	[tilespmem:$0x1C28] =	vst v0  }
0x1c3: {  	[tilespmem:$0x1C38] =	vst v0  }
0x1c4: {  	[tilespmem:$0x1C48] =	vst v0  }
0x1c5: {  	[tilespmem:$0x1C58] =	vst v0  }
0x1c6: {  	[tilespmem:$0x1C68] =	vst v0  }
0x1c7: {  	[tilespmem:$0x1C78] =	vst v0  }
0x1c8: {  	[tilespmem:$0x1C88] =	vst v0  }
0x1c9: {  	[tilespmem:$0x1C98] =	vst v0  }
0x1ca: {  	[tilespmem:$0x1CA8] =	vst v0  }
0x1cb: {  	[tilespmem:$0x1CB8] =	vst v0  }
0x1cc: {  	[tilespmem:$0x1CC8] =	vst v0  }
0x1cd: {  	[tilespmem:$0x1CD8] =	vst v0  }
0x1ce: {  	[tilespmem:$0x1CE8] =	vst v0  }
0x1cf: {  	[tilespmem:$0x1CF8] =	vst v0  }
0x1d0: {  	[tilespmem:$0x1D08] =	vst v0  }
0x1d1: {  	[tilespmem:$0x1D18] =	vst v0  }
0x1d2: {  	[tilespmem:$0x1D28] =	vst v0  }
0x1d3: {  	[tilespmem:$0x1D38] =	vst v0  }
0x1d4: {  	[tilespmem:$0x1D48] =	vst v0  }
0x1d5: {  	[tilespmem:$0x1D58] =	vst v0  }
0x1d6: {  	[tilespmem:$0x1D68] =	vst v0  }
0x1d7: {  	[tilespmem:$0x1D78] =	vst v0  }
0x1d8: {  	[tilespmem:$0x1D88] =	vst v0  }
0x1d9: {  	[tilespmem:$0x1D98] =	vst v0  }
0x1da: {  	[tilespmem:$0x1DA8] =	vst v0  }
0x1db: {  	[tilespmem:$0x1DB8] =	vst v0  }
0x1dc: {  	[tilespmem:$0x1DC8] =	vst v0  }
0x1dd: {  	[tilespmem:$0x1DD8] =	vst v0  }
0x1de: {  	[tilespmem:$0x1DE8] =	vst v0  }
0x1df: {  	[tilespmem:$0x1DF8] =	vst v0  }
0x1e0: {  	[tilespmem:$0x1E08] =	vst v0  }
0x1e1: {  	[tilespmem:$0x1E18] =	vst v0  }
0x1e2: {  	[tilespmem:$0x1E28] =	vst v0  }
0x1e3: {  	[tilespmem:$0x1E38] =	vst v0  }
0x1e4: {  	[tilespmem:$0x1E48] =	vst v0  }
0x1e5: {  	[tilespmem:$0x1E58] =	vst v0  }
0x1e6: {  	[tilespmem:$0x1E68] =	vst v0  }
0x1e7: {  	[tilespmem:$0x1E78] =	vst v0  }
0x1e8: {  	[tilespmem:$0x1E88] =	vst v0  }
0x1e9: {  	[tilespmem:$0x1E98] =	vst v0  }
0x1ea: {  	[tilespmem:$0x1EA8] =	vst v0  }
0x1eb: {  	[tilespmem:$0x1EB8] =	vst v0  }
0x1ec: {  	[tilespmem:$0x1EC8] =	vst v0  }
0x1ed: {  	[tilespmem:$0x1ED8] =	vst v0  }
0x1ee: {  	[tilespmem:$0x1EE8] =	vst v0  }
0x1ef: {  	[tilespmem:$0x1EF8] =	vst v0  }
0x1f0: {  	[tilespmem:$0x1F08] =	vst v0  }
0x1f1: {  	[tilespmem:$0x1F18] =	vst v0  }
0x1f2: {  	[tilespmem:$0x1F28] =	vst v0  }
0x1f3: {  	[tilespmem:$0x1F38] =	vst v0  }
0x1f4: {  	[tilespmem:$0x1F48] =	vst v0  }
0x1f5: {  	[tilespmem:$0x1F58] =	vst v0  }
0x1f6: {  	[tilespmem:$0x1F68] =	vst v0  }
0x1f7: {  	[tilespmem:$0x1F78] =	vst v0  }
0x1f8: {  	[tilespmem:$0x1F88] =	vst v0  }
0x1f9: {  	[tilespmem:$0x1F98] =	vst v0  }
0x1fa: {  	[tilespmem:$0x1FA8] =	vst v0  }
0x1fb: {  	[tilespmem:$0x1FB8] =	vst v0  }
0x1fc: {  	[tilespmem:$0x1FC8] =	vst v0  }
0x1fd: {  	[tilespmem:$0x1FD8] =	vst v0  }
0x1fe: {  	[tilespmem:$0x1FE8] =	vst v0  }
0x1ff: {  	[tilespmem:$0x1FF8] =	vst v0  }
0x200: {  	[tilespmem:$0x2008] =	vst v0  }
0x201: {  	[tilespmem:$0x2018] =	vst v0  }
0x202: {  	[tilespmem:$0x2028] =	vst v0  }
0x203: {  	[tilespmem:$0x2038] =	vst v0  }
0x204: {  	[tilespmem:$0x2048] =	vst v0  }
0x205: {  	[tilespmem:$0x2058] =	vst v0  }
0x206: {  	[tilespmem:$0x2068] =	vst v0  }
0x207: {  	[tilespmem:$0x2078] =	vst v0  }
0x208: {  	[tilespmem:$0x2088] =	vst v0  }
0x209: {  	[tilespmem:$0x2098] =	vst v0  }
0x20a: {  	[tilespmem:$0x20A8] =	vst v0  }
0x20b: {  	[tilespmem:$0x20B8] =	vst v0  }
0x20c: {  	[tilespmem:$0x20C8] =	vst v0  }
0x20d: {  	[tilespmem:$0x20D8] =	vst v0  }
0x20e: {  	[tilespmem:$0x20E8] =	vst v0  }
0x20f: {  	[tilespmem:$0x20F8] =	vst v0  }
0x210: {  	[tilespmem:$0x2108] =	vst v0  }
0x211: {  	[tilespmem:$0x2118] =	vst v0  }
0x212: {  	[tilespmem:$0x2128] =	vst v0  }
0x213: {  	[tilespmem:$0x2138] =	vst v0  }
0x214: {  	[tilespmem:$0x2148] =	vst v0  }
0x215: {  	[tilespmem:$0x2158] =	vst v0  }
0x216: {  	[tilespmem:$0x2168] =	vst v0  }
0x217: {  	[tilespmem:$0x2218] =	vst v0  }
0x218: {  	[tilespmem:$0x3058] =	vst v0  }
0x219: {  	[tilespmem:$0x3048] =	vst v0  }
0x21a: {  	[tilespmem:$0x3038] =	vst v0  }
0x21b: {  	[tilespmem:$0x3028] =	vst v0  }
0x21c: {  	[tilespmem:$0x3018] =	vst v0  }
0x21d: {  	[tilespmem:$0x3008] =	vst v0  }
0x21e: {  	[tilespmem:$0x2FF8] =	vst v0  }
0x21f: {  	[tilespmem:$0x2FE8] =	vst v0  }
0x220: {  	[tilespmem:$0x2FD8] =	vst v0  }
0x221: {  	[tilespmem:$0x2FC8] =	vst v0  }
0x222: {  	[tilespmem:$0x2FB8] =	vst v0  }
0x223: {  	[tilespmem:$0x2FA8] =	vst v0  }
0x224: {  	[tilespmem:$0x2F98] =	vst v0  }
0x225: {  	[tilespmem:$0x2F88] =	vst v0  }
0x226: {  	[tilespmem:$0x2F78] =	vst v0  }
0x227: {  	[tilespmem:$0x2F68] =	vst v0  }
0x228: {  	[tilespmem:$0x2F58] =	vst v0  }
0x229: {  	[tilespmem:$0x2F48] =	vst v0  }
0x22a: {  	[tilespmem:$0x2F38] =	vst v0  }
0x22b: {  	[tilespmem:$0x2F28] =	vst v0  }
0x22c: {  	[tilespmem:$0x2F18] =	vst v0  }
0x22d: {  	[tilespmem:$0x2F08] =	vst v0  }
0x22e: {  	[tilespmem:$0x2EF8] =	vst v0  }
0x22f: {  	[tilespmem:$0x2EE8] =	vst v0  }
0x230: {  	[tilespmem:$0x2ED8] =	vst v0  }
0x231: {  	[tilespmem:$0x2EC8] =	vst v0  }
0x232: {  	[tilespmem:$0x2EB8] =	vst v0  }
0x233: {  	[tilespmem:$0x2EA8] =	vst v0  }
0x234: {  	[tilespmem:$0x2E98] =	vst v0  }
0x235: {  	[tilespmem:$0x2E88] =	vst v0  }
0x236: {  	[tilespmem:$0x2E78] =	vst v0  }
0x237: {  	[tilespmem:$0x2E68] =	vst v0  }
0x238: {  	[tilespmem:$0x2E58] =	vst v0  }
0x239: {  	[tilespmem:$0x2E48] =	vst v0  }
0x23a: {  	[tilespmem:$0x2E38] =	vst v0  }
0x23b: {  	[tilespmem:$0x2E28] =	vst v0  }
0x23c: {  	[tilespmem:$0x2E18] =	vst v0  }
0x23d: {  	[tilespmem:$0x2E08] =	vst v0  }
0x23e: {  	[tilespmem:$0x2DF8] =	vst v0  }
0x23f: {  	[tilespmem:$0x2DE8] =	vst v0  }
0x240: {  	[tilespmem:$0x2DD8] =	vst v0  }
0x241: {  	[tilespmem:$0x2DC8] =	vst v0  }
0x242: {  	[tilespmem:$0x2DB8] =	vst v0  }
0x243: {  	[tilespmem:$0x2DA8] =	vst v0  }
0x244: {  	[tilespmem:$0x2D98] =	vst v0  }
0x245: {  	[tilespmem:$0x2D88] =	vst v0  }
0x246: {  	[tilespmem:$0x2D78] =	vst v0  }
0x247: {  	[tilespmem:$0x2D68] =	vst v0  }
0x248: {  	[tilespmem:$0x2D58] =	vst v0  }
0x249: {  	[tilespmem:$0x2D48] =	vst v0  }
0x24a: {  	[tilespmem:$0x2D38] =	vst v0  }
0x24b: {  	[tilespmem:$0x2D28] =	vst v0  }
0x24c: {  	[tilespmem:$0x2D18] =	vst v0  }
0x24d: {  	[tilespmem:$0x2D08] =	vst v0  }
0x24e: {  	[tilespmem:$0x2CF8] =	vst v0  }
0x24f: {  	[tilespmem:$0x2CE8] =	vst v0  }
0x250: {  	[tilespmem:$0x2CD8] =	vst v0  }
0x251: {  	[tilespmem:$0x2CC8] =	vst v0  }
0x252: {  	[tilespmem:$0x2CB8] =	vst v0  }
0x253: {  	[tilespmem:$0x2CA8] =	vst v0  }
0x254: {  	[tilespmem:$0x2C98] =	vst v0  }
0x255: {  	[tilespmem:$0x2C88] =	vst v0  }
0x256: {  	[tilespmem:$0x2C78] =	vst v0  }
0x257: {  	[tilespmem:$0x2C68] =	vst v0  }
0x258: {  	[tilespmem:$0x2C58] =	vst v0  }
0x259: {  	[tilespmem:$0x2C48] =	vst v0  }
0x25a: {  	[tilespmem:$0x2C38] =	vst v0  }
0x25b: {  	[tilespmem:$0x2C28] =	vst v0  }
0x25c: {  	[tilespmem:$0x2C18] =	vst v0  }
0x25d: {  	[tilespmem:$0x2C08] =	vst v0  }
0x25e: {  	[tilespmem:$0x2BF8] =	vst v0  }
0x25f: {  	[tilespmem:$0x2BE8] =	vst v0  }
0x260: {  	[tilespmem:$0x2BD8] =	vst v0  }
0x261: {  	[tilespmem:$0x2BC8] =	vst v0  }
0x262: {  	[tilespmem:$0x2BB8] =	vst v0  }
0x263: {  	[tilespmem:$0x2BA8] =	vst v0  }
0x264: {  	[tilespmem:$0x2B98] =	vst v0  }
0x265: {  	[tilespmem:$0x2B88] =	vst v0  }
0x266: {  	[tilespmem:$0x2B78] =	vst v0  }
0x267: {  	[tilespmem:$0x2B68] =	vst v0  }
0x268: {  	[tilespmem:$0x2B58] =	vst v0  }
0x269: {  	[tilespmem:$0x2B48] =	vst v0  }
0x26a: {  	[tilespmem:$0x2B38] =	vst v0  }
0x26b: {  	[tilespmem:$0x2B28] =	vst v0  }
0x26c: {  	[tilespmem:$0x2B18] =	vst v0  }
0x26d: {  	[tilespmem:$0x2B08] =	vst v0  }
0x26e: {  	[tilespmem:$0x2AF8] =	vst v0  }
0x26f: {  	[tilespmem:$0x2AE8] =	vst v0  }
0x270: {  	[tilespmem:$0x2AD8] =	vst v0  }
0x271: {  	[tilespmem:$0x2AC8] =	vst v0  }
0x272: {  	[tilespmem:$0x2AB8] =	vst v0  }
0x273: {  	[tilespmem:$0x2AA8] =	vst v0  }
0x274: {  	[tilespmem:$0x2A98] =	vst v0  }
0x275: {  	[tilespmem:$0x2A88] =	vst v0  }
0x276: {  	[tilespmem:$0x2A78] =	vst v0  }
0x277: {  	[tilespmem:$0x2A68] =	vst v0  }
0x278: {  	[tilespmem:$0x2A58] =	vst v0  }
0x279: {  	[tilespmem:$0x2A48] =	vst v0  }
0x27a: {  	[tilespmem:$0x2A38] =	vst v0  }
0x27b: {  	[tilespmem:$0x2A28] =	vst v0  }
0x27c: {  	[tilespmem:$0x2A18] =	vst v0  }
0x27d: {  	[tilespmem:$0x2A08] =	vst v0  }
0x27e: {  	[tilespmem:$0x29F8] =	vst v0  }
0x27f: {  	[tilespmem:$0x29E8] =	vst v0  }
0x280: {  	[tilespmem:$0x29D8] =	vst v0  }
0x281: {  	[tilespmem:$0x29C8] =	vst v0  }
0x282: {  	[tilespmem:$0x29B8] =	vst v0  }
0x283: {  	[tilespmem:$0x29A8] =	vst v0  }
0x284: {  	[tilespmem:$0x2998] =	vst v0  }
0x285: {  	[tilespmem:$0x2988] =	vst v0  }
0x286: {  	[tilespmem:$0x2978] =	vst v0  }
0x287: {  	[tilespmem:$0x2968] =	vst v0  }
0x288: {  	[tilespmem:$0x2958] =	vst v0  }
0x289: {  	[tilespmem:$0x2948] =	vst v0  }
0x28a: {  	[tilespmem:$0x2938] =	vst v0  }
0x28b: {  	[tilespmem:$0x2928] =	vst v0  }
0x28c: {  	[tilespmem:$0x2918] =	vst v0  }
0x28d: {  	[tilespmem:$0x2908] =	vst v0  }
0x28e: {  	[tilespmem:$0x28F8] =	vst v0  }
0x28f: {  	[tilespmem:$0x28E8] =	vst v0  }
0x290: {  	[tilespmem:$0x28D8] =	vst v0  }
0x291: {  	[tilespmem:$0x28C8] =	vst v0  }
0x292: {  	[tilespmem:$0x28B8] =	vst v0  }
0x293: {  	[tilespmem:$0x28A8] =	vst v0  }
0x294: {  	[tilespmem:$0x2898] =	vst v0  }
0x295: {  	[tilespmem:$0x2888] =	vst v0  }
0x296: {  	[tilespmem:$0x2878] =	vst v0  }
0x297: {  	[tilespmem:$0x2868] =	vst v0  }
0x298: {  	[tilespmem:$0x2858] =	vst v0  }
0x299: {  	[tilespmem:$0x2848] =	vst v0  }
0x29a: {  	[tilespmem:$0x2838] =	vst v0  }
0x29b: {  	[tilespmem:$0x2828] =	vst v0  }
0x29c: {  	[tilespmem:$0x2818] =	vst v0  }
0x29d: {  	[tilespmem:$0x2808] =	vst v0  }
0x29e: {  	[tilespmem:$0x27F8] =	vst v0  }
0x29f: {  	[tilespmem:$0x27E8] =	vst v0  }
0x2a0: {  	[tilespmem:$0x27D8] =	vst v0  }
0x2a1: {  	[tilespmem:$0x27C8] =	vst v0  }
0x2a2: {  	[tilespmem:$0x27B8] =	vst v0  }
0x2a3: {  	[tilespmem:$0x27A8] =	vst v0  }
0x2a4: {  	[tilespmem:$0x2798] =	vst v0  }
0x2a5: {  	[tilespmem:$0x2788] =	vst v0  }
0x2a6: {  	[tilespmem:$0x2778] =	vst v0  }
0x2a7: {  	[tilespmem:$0x2768] =	vst v0  }
0x2a8: {  	[tilespmem:$0x2758] =	vst v0  }
0x2a9: {  	[tilespmem:$0x2748] =	vst v0  }
0x2aa: {  	[tilespmem:$0x2738] =	vst v0  }
0x2ab: {  	[tilespmem:$0x2728] =	vst v0  }
0x2ac: {  	[tilespmem:$0x2718] =	vst v0  }
0x2ad: {  	[tilespmem:$0x2708] =	vst v0  }
0x2ae: {  	[tilespmem:$0x26F8] =	vst v0  }
0x2af: {  	[tilespmem:$0x26E8] =	vst v0  }
0x2b0: {  	[tilespmem:$0x26D8] =	vst v0  }
0x2b1: {  	[tilespmem:$0x26C8] =	vst v0  }
0x2b2: {  	[tilespmem:$0x26B8] =	vst v0  }
0x2b3: {  	[tilespmem:$0x26A8] =	vst v0  }
0x2b4: {  	[tilespmem:$0x2698] =	vst v0  }
0x2b5: {  	[tilespmem:$0x2688] =	vst v0  }
0x2b6: {  	[tilespmem:$0x2678] =	vst v0  }
0x2b7: {  	[tilespmem:$0x2668] =	vst v0  }
0x2b8: {  	[tilespmem:$0x2658] =	vst v0  }
0x2b9: {  	[tilespmem:$0x2648] =	vst v0  }
0x2ba: {  	[tilespmem:$0x2638] =	vst v0  }
0x2bb: {  	[tilespmem:$0x2628] =	vst v0  }
0x2bc: {  	[tilespmem:$0x2618] =	vst v0  }
0x2bd: {  	[tilespmem:$0x2608] =	vst v0  }
0x2be: {  	[tilespmem:$0x25F8] =	vst v0  }
0x2bf: {  	[tilespmem:$0x25E8] =	vst v0  }
0x2c0: {  	[tilespmem:$0x25D8] =	vst v0  }
0x2c1: {  	[tilespmem:$0x25C8] =	vst v0  }
0x2c2: {  	[tilespmem:$0x25B8] =	vst v0  }
0x2c3: {  	[tilespmem:$0x25A8] =	vst v0  }
0x2c4: {  	[tilespmem:$0x2598] =	vst v0  }
0x2c5: {  	[tilespmem:$0x2588] =	vst v0  }
0x2c6: {  	[tilespmem:$0x2578] =	vst v0  }
0x2c7: {  	[tilespmem:$0x2568] =	vst v0  }
0x2c8: {  	[tilespmem:$0x2558] =	vst v0  }
0x2c9: {  	[tilespmem:$0x2548] =	vst v0  }
0x2ca: {  	[tilespmem:$0x2538] =	vst v0  }
0x2cb: {  	[tilespmem:$0x2528] =	vst v0  }
0x2cc: {  	[tilespmem:$0x2518] =	vst v0  }
0x2cd: {  	[tilespmem:$0x2508] =	vst v0  }
0x2ce: {  	[tilespmem:$0x24F8] =	vst v0  }
0x2cf: {  	[tilespmem:$0x24E8] =	vst v0  }
0x2d0: {  	[tilespmem:$0x24D8] =	vst v0  }
0x2d1: {  	[tilespmem:$0x24C8] =	vst v0  }
0x2d2: {  	[tilespmem:$0x24B8] =	vst v0  }
0x2d3: {  	[tilespmem:$0x24A8] =	vst v0  }
0x2d4: {  	[tilespmem:$0x2498] =	vst v0  }
0x2d5: {  	[tilespmem:$0x2488] =	vst v0  }
0x2d6: {  	[tilespmem:$0x2478] =	vst v0  }
0x2d7: {  	[tilespmem:$0x2468] =	vst v0  }
0x2d8: {  	[tilespmem:$0x2458] =	vst v0  }
0x2d9: {  	[tilespmem:$0x2448] =	vst v0  }
0x2da: {  	[tilespmem:$0x2438] =	vst v0  }
0x2db: {  	[tilespmem:$0x2428] =	vst v0  }
0x2dc: {  	[tilespmem:$0x2418] =	vst v0  }
0x2dd: {  	[tilespmem:$0x2408] =	vst v0  }
0x2de: {  	[tilespmem:$0x23F8] =	vst v0  }
0x2df: {  	[tilespmem:$0x23E8] =	vst v0  }
0x2e0: {  	[tilespmem:$0x23D8] =	vst v0  }
0x2e1: {  	[tilespmem:$0x23C8] =	vst v0  }
0x2e2: {  	[tilespmem:$0x23B8] =	vst v0  }
0x2e3: {  	[tilespmem:$0x23A8] =	vst v0  }
0x2e4: {  	[tilespmem:$0x2398] =	vst v0  }
0x2e5: {  	[tilespmem:$0x2388] =	vst v0  }
0x2e6: {  	[tilespmem:$0x2378] =	vst v0  }
0x2e7: {  	[tilespmem:$0x2368] =	vst v0  }
0x2e8: {  	[tilespmem:$0x2358] =	vst v0  }
0x2e9: {  	[tilespmem:$0x2348] =	vst v0  }
0x2ea: {  	[tilespmem:$0x2338] =	vst v0  }
0x2eb: {  	[tilespmem:$0x2328] =	vst v0  }
0x2ec: {  	[tilespmem:$0x2318] =	vst v0  }
0x2ed: {  	[tilespmem:$0x2308] =	vst v0  }
0x2ee: {  	[tilespmem:$0x22F8] =	vst v0  }
0x2ef: {  	[tilespmem:$0x22E8] =	vst v0  }
0x2f0: {  	[tilespmem:$0x22D8] =	vst v0  }
0x2f1: {  	[tilespmem:$0x22C8] =	vst v0  }
0x2f2: {  	[tilespmem:$0x22B8] =	vst v0  }
0x2f3: {  	[tilespmem:$0x22A8] =	vst v0  }
0x2f4: {  	[tilespmem:$0x2298] =	vst v0  }
0x2f5: {  	[tilespmem:$0x2288] =	vst v0  }
0x2f6: {  	[tilespmem:$0x2278] =	vst v0  }
0x2f7: {  	s10 =	stileid.u32;
	[tilespmem:$0x2268] =	vst v0  }
0x2f8: {  	s0 =	smul.u32 $0x82, s10;
	[tilespmem:$0x2258] =	vst v0  }
0x2f9: {  	s1 =	smin.u32 s10, $0x6;
	[tilespmem:$0x2248] =	vst v0  }
0x2fa: {  	[tilespmem:$0x2238] =	vst v0;
	s0 =	sadd.s32 s1, s0  }
0x2fb: {  	p0 =	slt.u32 s10, $0x6;
	[tilespmem:$0x2228] =	vst v0;
	s1 =	simm.s32 $0xC480;
	s8 =	smul.u32 $0x180, s0  }
0x2fc: {  	s1 =	simm.s32 @!p0 $0xC300;
	[tilespmem:$0x21F8] =	vst v0  }
0x2fd: {  	[tilespmem:$0x2208] =	vst v0;
	s0 =	sadd.s32 s1, s8  }
0x2fe: {  	s4 =	simm.s32 $0x2;
	[tilespmem:$0x21E8] =	vst v0;
	s9 =	smin.u32 s0, $0xC3800  }
0x2ff: {  	s31 =	simm.s32 $0x9;
	s5 =	simm.s32 $0xA;
	[tilespmem:$0x2188] =	vst v0;
	s0 =	ssub.s32 s9, s8  }
0x300: {  	s12 =	simm.s32 $0xB;
	s18 =	simm.s32 $0x0;
	[tilespmem:$0x21D8] =	vst v0;
	p0 =	sgt.s32 s0, $0x0  }
0x301: {  	p1 =	por $0x0, $0x0;
	s19 =	simm.s32 $0xC;
	[tilespmem:$0x21C8] =	vst v0;
	s0 =	simm.s32 @!p0 $0x0  }
0x302: {  	s23 =	simm.s32 $0x0;
	s20 =	simm.s32 $0x0;
	[tilespmem:$0x21B8] =	vst v0;
	s30 =	smulhi.u32 $0x2AAAAAAB, s0  }
0x303: {  	s22 =	simm.s32 $0x0;
	s2 =	sand.u32 $0x1, s2;
	s16 =	sshll.u32 s10, $0x6;
	[tilespmem:$0x21A8] =	vst v0  }
0x304: {  	s1 =	sshrl.u32 s30, $0x6;
	[tilespmem:$0x2198] =	vst v0;
	[dreg:$0x4] =	wrdreg s2;
	s2 =	smul.u32 $0x18700, s2  }
0x305: {  	[tilespmem:$0x2178] =	vst v0;
	[sflag:s4] =	ssyncpa.u1 $0x0;
	v0 =	vimm.s32 $0xFFFFFFFF;
	s4 =	sadd.s32 $0x62200, s7;
	s6 =	smul.u32 $0x180, s1  }
.Ltmp0:
0x306: {  	[tilespmem:$0x6088] =	vst v0;
	[sflag:s31] =	ssyncpa.u1 $0x0;
	s2 =	sadd.s32 s2, s7;
	(pc) =	sbr.rel .LBB2_1-.Ltmp0, $4  }
0x307: {  	[sflag:s5] =	ssyncpa.u1 $0x0;
	p0 =	sne.s32 s0, s6;
	s0 =	simm.s32 $0x1  }
0x308: {  	s7 =	sadd.s32 $0x3142200, s7;
	[sflag:s12] =	ssyncpa.u1 $0x0;
	s0 =	simm.s32 @!p0 $0x0  }
0x309: {  	s14 =	sadd.s32 $0x31400, s2;
	s15 =	sadd.s32 $0x600, s2;
	s13 =	sadd.s32 s0, s1  }
0x30a: {  	v0 =	vlaneseq.u32;
	s21 =	smov.u32 s8;
	p0 =	por $0x1, $0x1;
	s17 =	sadd.s32 $0x1, s13  }
.LBB2_22:
0x30b: {  	s0 =	sshrl.u32 s0, $0x2  }
.LBB2_24:
0x30c: {  	_ =	swait.ge [sflag:s19], s0  }
0x30d: {  	s30 =	ssub.s32 $0x0, s0;
	v1 =	vmov s25;
	vm0 =	veq.s32 v0, $0x0;
	[sflag:s19] =	ssyncset.done $0x0  }
0x30e: {  	vm15 =	veq.s32 v0, $0x2;
	v1 =	vsel vm0, s31, v1;
	[sflag:s19] =	ssyncadd.s32 s30  }
0x30f: {  	v1 =	vsel vm15, s23, v1;
	[sflag:s19] =	ssyncpa.u1 $0x1  }
0x310: {  	[tilespmem:$0x6088] =	vst v1  }
.LBB2_25:
0x311: {  	s0 =	sadd.s32 $0x180, s21  }
0x312: {  	s1 =	smov.u32 s8;
	p2 =	slt.s32 s0, s9  }
0x313: {  	s1 =	smov.u32 @p2 s0;
	p2 =	sne.s32 s22, s17  }
.Ltmp1:
0x314: {  	_ = 	snop;
	(pc) =	sbr.rel @!p2 .LBB2_26-.Ltmp1, $4  }
0x315: {  	_ = 	snop  }
0x316: {  	s23 =	smov.u32 s20  }
0x317: {  	s31 =	sadd.s32 $0x1, s22;
	s20 =	smov.u32 s21;
	p0 =	por !p0, !p0  }
0x318: {  	p1 =	por !p1, !p1;
	s22 =	smov.u32 s31;
	s21 =	smov.u32 s1  }
.LBB2_1:
0x319: {  	p2 =	sge.u32 s22, s13  }
0x31a: {  	s0 =	smulhi.u32 @!p2 $0xAAAAAAAB, s22  }
0x31b: {  	s1 =	smov.u32 s21;
	p3 =	sgt.s32 @!p2 s21, $0xC3680  }
0x31c: {  	s2 =	sshra.s32 @!p2 s21, $0x1F;
	p3 =	por !p3, p2;
	s0 =	sshrl.u32 @!p2 s0, $0x1  }
0x31d: {  	s2 =	sand.u32 @!p2 s2, s21;
	s1 =	simm.s32 @p3 $0xC3680;
	s0 =	smul.u32 @!p2 $0x3, s0  }
0x31e: {  	s1 =	ssub.s32 @!p2 s1, s2  }
0x31f: {  	s1 =	sadd.s32 @!p2 $0xFFF3C980, s1;
	s0 =	ssub.s32 @!p2 s22, s0  }
0x320: {  	s2 =	sshll.u32 @!p2 s1, $0x2;
	p3 =	sgt.s32 @!p2 s1, $0x17F;
	s0 =	smul.u32 @!p2 $0x600, s0  }
0x321: {  	s5 =	sand.u32 @!p2 $0x7, s21;
	s1 =	ssub.s32 @!p2 $0x600, s2;
	p3 =	por !p3, p2  }
0x322: {  	s2 =	sshrl.u32 @!p2 s21, $0x3;
	s1 =	sshrl.u32 @!p2 s1, $0x2;
	s0 =	sshrl.u32 @!p2 s0, $0x2  }
0x323: {  	s2 =	sadd.s32 @!p2 s2, s14;
	s1 =	simm.s32 @!p3 $0x0;
	s0 =	sadd.s32 @!p2 $0x64C8, s0  }
0x324: {  	[tilespmem:s0], [sflag:$0xA] =	stream.linear.gather @!p2 [hbm4b:s2+s5], s1, $0x38;
	[tilespmem:$0x1EC48] =	vst v63  }
0x325: {  	s1 =	sadd.s32 $0xFFFFFFFF, s22  }
0x326: {  	p2 =	sge.u32 s1, s13  }
0x327: {  	p3 =	sgt.s32 @!p2 s20, $0xC3680  }
0x328: {  	s0 =	smov.u32 s20;
	s2 =	sshra.s32 @!p2 s20, $0x1F;
	p3 =	por !p3, p2  }
0x329: {  	s2 =	sand.u32 @!p2 s2, s20;
	s0 =	simm.s32 @p3 $0xC3680  }
0x32a: {  	s0 =	ssub.s32 @!p2 s0, s2  }
0x32b: {  	s0 =	sadd.s32 @!p2 $0xFFF3C980, s0  }
0x32c: {  	s2 =	sshll.u32 @!p2 s0, $0x2  }
0x32d: {  	p3 =	sgt.s32 @!p2 s0, $0x17F;
	s0 =	ssub.s32 @!p2 $0x600, s2  }
0x32e: {  	p3 =	por !p3, p2;
	s0 =	sshrl.u32 @!p2 s0, $0x2  }
0x32f: {  	s5 =	simm.s32 @!p2 $0xA;
	s2 =	sand.u32 @!p2 $0x1, s1;
	s0 =	simm.s32 @!p3 $0x0  }
0x330: {  	s2 =	smul.u32 @!p2 $0x600, s2;
	_ =	swait.ge @!p2 [sflag:s5], s0  }
0x331: {  	s6 =	ssub.s32 @!p2 $0x0, s0;
	[sflag:s5] =	ssyncset.done @!p2 $0x0  }
0x332: {  	s2 =	sshrl.u32 @!p2 s2, $0x2;
	[sflag:s5] =	ssyncadd.s32 @!p2 s6;
	s5 =	sshrl.u32 @!p2 s20, $0x3  }
0x333: {  	s2 =	sadd.s32 @!p2 $0x6948, s2;
	s6 =	sand.u32 @!p2 $0x7, s20;
	s5 =	sadd.s32 @!p2 s5, s15  }
0x334: {  	[tilespmem:s2], [sflag:$0xB] =	stream.linear.gather @!p2 [hbm4b:s5+s6], s0, $0x38;
	[tilespmem:$0x1EC48] =	vst v63  }
0x335: {  	s0 =	ssub.s32 @!p2 $0xC3800, s20  }
0x336: {  	p3 =	slt.s32 @!p2 s0, $0x1  }
0x337: {  	p3 =	por p2, p3  }
.Ltmp2:
0x338: {  	_ = 	snop;
	(pc) =	sbr.rel @p3 .LBB2_7-.Ltmp2, $1  }
0x339: {  	_ =	sdelay $0x3  }
0x33a: {  	s2 =	smulhi.u32 $0xAAAAAAAB, s1;
	_ =	sdelay $0x1  }
0x33b: {  	s2 =	sshrl.u32 s2, $0x1  }
0x33c: {  	s2 =	smul.u32 $0x3, s2;
	_ =	sdelay $0x1  }
0x33d: {  	s29 =	ssub.s32 s1, s2  }
0x33e: {  	s5 =	simm.s32 $0x1;
	s1 =	smul.u32 $0x600, s29  }
.Ltmp3:
0x33f: {  	s5 =	simm.s32 @!p0 $0x0;
	(pc) =	sbr.rel .LBB2_4-.Ltmp3, $4  }
0x340: {  	s30 =	smul.u32 $0x30000, s5  }
0x341: {  	p3 =	slt.s32 @!p2 s0, $0x180;
	s1 =	sshrl.u32 s1, $0x2  }
0x342: {  	p2 =	por !p3, p2;
	s2 =	sshrl.u32 s30, $0x2;
	s31 =	sadd.s32 $0x64C8, s1  }
0x343: {  	s24 =	simm.s32 $0x0;
	s0 =	simm.s32 @p2 $0x180;
	s1 =	sadd.s32 $0x6C48, s2;
	v1 =	vmov s31  }
.LBB2_3:
0x344: {  	p2 =	sge.s32 s24, s0  }
.Ltmp4:
0x345: {  	_ = 	snop;
	(pc) =	sbr.rel @p2 .LBB2_7-.Ltmp4, $2  }
0x346: {  	_ =	sdelay $0x2  }
0x347: {  	s1 =	sadd.s32 $0x800, s1  }
.LBB2_4:
0x348: {  	p2 =	sle.s32 s0, s24  }
.Ltmp5:
0x349: {  	_ = 	snop;
	(pc) =	sbr.rel @p2 .LBB2_3-.Ltmp5, $2  }
0x34a: {  	_ =	sdelay $0x2  }
0x34b: {  	s2 =	smov.u32 s24;
	s24 =	sadd.s32 $0x10, s24  }
0x34c: {  	s5 =	ssub.s32 s0, s2  }
0x34d: {  	p2 =	slt.s32 s5, $0x10  }
0x34e: {  	s5 =	simm.s32 @!p2 $0x10  }
0x34f: {  	v2 =	vmov s5  }
0x350: {  	vm0 =	vgt.s32 v2, v0;
	_ =	sdelay $0x5  }
0x351: {  	v2 =	vld.idx.msk [tilespmem:v1+s2+$0x0 ss:$0x1], vm0;
	_ =	sdelay $0x2  }
0x352: {  	s6 =	smov.u32 s0;
	p2 =	slt.s32 s24, s0  }
0x353: {  	s25 =	simm.s32 $0x0;
	s6 =	smov.u32 @p2 s24;
	s5 =	smov.u32 s1  }
.LBB2_6:
0x354: {  	(v2sf) =	vpush v2, s25;
	_ =	sdelay $0xc  }
0x355: {  	s25 =	sadd.s32 $0x1, s25  }
0x356: {  	s31 =	sadd.s32 s25, s2  }
0x357: {  	p2 =	slt.s32 s31, s6;
	s10 =	spop (v2sf)  }
.Ltmp6:
0x358: {  	s10 =	sshll.u32 s10, $0x4;
	(pc) =	sbr.rel @p2 .LBB2_6-.Ltmp6, $4  }
0x359: {  	s10 =	sand.u32 $0x1FFFFFF0, s10  }
0x35a: {  	s10 =	sadd.s32 s7, s10  }
0x35b: {  	[tilespmem:s5], [sflag:$0x9] =	stream.linear.gather [hbm4b:s10+s18], $0x20, $0x38;
	[tilespmem:$0x1EC48] =	vst v63  }
0x35c: {  	s5 =	sadd.s32 $0x80, s5  }
.Ltmp7:
0x35d: {  	_ = 	snop;
	(pc) =	sbr.rel .LBB2_3-.Ltmp7, $1  }
0x35e: {  	_ =	sdelay $0x3  }
.LBB2_7:
0x35f: {  	p2 =	slt.u32 s22, $0x2  }
.Ltmp8:
0x360: {  	_ = 	snop;
	(pc) =	sbr.rel @p2 .LBB2_25-.Ltmp8, $1  }
0x361: {  	_ =	sdelay $0x3  }
0x362: {  	p2 =	sgt.s32 s23, $0xC3680  }
0x363: {  	s0 =	smov.u32 s23;
	s1 =	sshra.s32 s23, $0x1F;
	s2 =	ssub.s32 $0xC3800, s23  }
0x364: {  	s0 =	simm.s32 @!p2 $0xC3680;
	s1 =	sand.u32 s1, s23;
	p2 =	slt.s32 s2, $0x180  }
0x365: {  	s0 =	ssub.s32 s0, s1;
	s2 =	simm.s32 @!p2 $0x180  }
0x366: {  	s0 =	sadd.s32 $0xFFF3C980, s0;
	s11 =	sshll.u32 s2, $0x5  }
0x367: {  	s26 =	simm.s32 $0x9;
	s24 =	sshll.u32 s0, $0x2;
	s1 =	sand.u32 $0x3FFFFFE0, s11  }
0x368: {  	p2 =	sgt.s32 s0, $0x17F;
	s25 =	ssub.s32 $0x600, s24;
	_ =	swait.ge [sflag:s26], s1  }
0x369: {  	s1 =	ssub.s32 $0x0, s1;
	[sflag:s26] =	ssyncset.done $0x0;
	s0 =	sshrl.u32 s25, $0x2  }
0x36a: {  	[sflag:s26] =	ssyncadd.s32 s1;
	s0 =	simm.s32 @p2 $0x0  }
0x36b: {  	_ =	swait.ge [sflag:s12], s0  }
0x36c: {  	s0 =	ssub.s32 $0x0, s0;
	[sflag:s12] =	ssyncset.done $0x0  }
0x36d: {  	[sflag:s12] =	ssyncadd.s32 s0  }
0x36e: {  	v1 =	vld [tilespmem:$0x6088];
	_ =	sdelay $0x4  }
0x36f: {  	(v2sf) =	vpush v1, $0x0  }
0x370: {  	(v2sf) =	vpush v1, $0x1  }
0x371: {  	(v2sf) =	vpush v1, $0x2;
	_ =	sdelay $0x3  }
0x372: {  	s0 =	sadd.s32 $0x180, s23  }
0x373: {  	s1 =	ssub.s32 $0x187000, s23;
	p2 =	slt.s32 s9, s0  }
0x374: {  	s0 =	smov.u32 @p2 s9;
	p2 =	sgt.s32 s1, $0x0  }
0x375: {  	s28 =	ssub.s32 s0, s23;
	s1 =	simm.s32 @!p2 $0x0  }
0x376: {  	p2 =	slt.s32 s1, s28  }
0x377: {  	s28 =	smov.u32 @p2 s1  }
0x378: {  	s26 =	simm.s32 $0x1;
	p2 =	slt.s32 s28, $0x1  }
.Ltmp9:
0x379: {  	s26 =	simm.s32 @!p1 $0x0;
	(pc) =	sbr.rel @p2 .LBB2_12-.Ltmp9, $4  }
0x37a: {  	s30 =	smul.u32 $0x600, s26  }
0x37b: {  	s0 =	spop (v2sf)  }
0x37c: {  	s31 =	sshrl.u32 s30, $0x2;
	s29 =	spop (v2sf)  }
0x37d: {  	s24 =	sadd.s32 $0x6948, s31;
	s23 =	spop (v2sf)  }
0x37e: {  	s1 =	smin.u32 s28, $0x10  }
0x37f: {  	v1 =	vmov s1  }
0x380: {  	p3 =	sgt.s32 s28, $0x10;
	vm1 =	vgt.u32 v1, v0  }
.Ltmp10:
0x381: {  	_ = 	snop;
	(pc) =	sbr.rel @!p3 .LBB2_11-.Ltmp10, $2  }
0x382: {  	_ =	sdelay $0x2  }
0x383: {  	s2 =	simm.s32 $0x10;
	s25 =	sadd.s32 $0xFFFFFFF0, s28;
	s1 =	smov.u32 s24;
	vm0 =	vmmov vm1  }
.LBB2_10:
0x384: {  	s5 =	smin.u32 s25, $0x10;
	s2 =	sadd.s32 $0x10, s2;
	v1 =	vld.msk [tilespmem:s1+$0x0 ss:$0x1], vm1  }
0x385: {  	v2 =	vmov s5;
	p3 =	slt.s32 s2, s28  }
0x386: {  	vm1 =	vgt.u32 v2, v0  }
.Ltmp11:
0x387: {  	(pc) =	sbr.rel @p3 .LBB2_10-.Ltmp11, $3  }
0x388: {  	_ =	sdelay $0x1  }
0x389: {  	v1 =	vshll.u32 v1, $0x4  }
0x38a: {  	s25 =	sadd.s32 $0xFFFFFFF0, s25;
	[tilespmem:s1+$0x0] =	vst.msk vm0, v1;
	s1 =	sadd.s32 $0x10, s1;
	vm0 =	vmmov vm1  }
.LBB2_11:
0x38b: {  	_ =	sdelay $0x4  }
0x38c: {  	v1 =	vld.msk [tilespmem:s1+$0x0 ss:$0x1], vm1;
	_ =	sdelay $0x4  }
0x38d: {  	v1 =	vshll.u32 v1, $0x4  }
0x38e: {  	[tilespmem:s1+$0x0] =	vst.msk vm0, v1  }
.LBB2_12:
0x38f: {  	s1 =	sand.u32 $0x1, s22  }
0x390: {  	s1 =	smul.u32 $0x180, s1  }
0x391: {  	p3 =	sne.s32 s29, $0xFFFFFFFF  }
0x392: {  	v1 =	vld.msk @!p3 [tilespmem:s1+$0x6948], $0x1;
	_ =	sdelay $0x4  }
0x393: {  	(v2sf) =	vpush @!p3 v1, $0x0;
	_ =	sdelay $0xc  }
.Ltmp12:
0x394: {  	_ = 	snop;
	(pc) =	sbr.rel @p2 .LBB2_23-.Ltmp12, $4  }
0x395: {  	_ = 	snop  }
0x396: {  	s30 =	spop @!p3 (v2sf)  }
0x397: {  	s23 =	simm.s32 @!p3 $0x0;
	s25 =	smov.u32 s30  }
0x398: {  	[sflag:s19] =	ssyncpa.u1 $0x0;
	s30 =	smov.u32 @p3 s0;
	s25 =	smov.u32 @p3 s29  }
0x399: {  	v1 =	vld.msk [tilespmem:s24+$0x0], $0x1;
	_ =	sdelay $0x4  }
0x39a: {  	(v2sf) =	vpush v1, $0x0;
	_ =	sdelay $0xe  }
0x39b: {  	s0 =	smul.u32 $0x30000, s26;
	s1 =	spop (v2sf)  }
0x39c: {  	s28 =	ssub.s32 $0x0, s28;
	p2 =	seq.s32 s30, s1  }
0x39d: {  	s31 =	sadd.s32 $0x1, s28;
	s0 =	sshrl.u32 s0, $0x2;
	p3 =	sgt.s32 @!p2 s30, $0x0  }
0x39e: {  	s26 =	sadd.s32 $0x6C58, s0;
	s0 =	smov.u32 s30;
	p3 =	por !p3, p2  }
0x39f: {  	s0 =	simm.s32 @p3 $0x0;
	p3 =	seq.s32 s31, $0x0  }
.Ltmp13:
0x3a0: {  	_ = 	snop;
	(pc) =	sbr.rel @p3 .LBB2_15-.Ltmp13, $4  }
0x3a1: {  	_ = 	snop  }
0x3a2: {  	s29 =	simm.s32 $0x0;
	s2 =	simm.s32 @!p2 $0x1;
	s0 =	smin.u32 @!p2 s0, $0x1869FC  }
0x3a3: {  	s6 =	simm.s32 @!p2 $0x3068;
	s2 =	smov.u32 @p2 s29;
	s10 =	sand.u32 @!p2 $0x1FFFF8, s0  }
0x3a4: {  	s5 =	sand.u32 @!p2 $0x7, s0;
	s0 =	sadd.s32 $0x1, s24;
	s10 =	sadd.s32 @!p2 s4, s10  }
.LBB2_14:
0x3a5: {  	s11 =	smov.u32 s2  }
0x3a6: {  	[tilespmem:s6], [sflag:$0x2] =	stream.linear.gather @!p2 [hbm4b:s10+s5], $0x20, $0x38;
	[tilespmem:$0x1EC48] =	vst v63  }
0x3a7: {  	s31 =	sadd.s32 $0x1, s31;
	s5 =	smov.u32 s1;
	v1 =	vld.msk [tilespmem:s0+$0x0], $0x1  }
0x3a8: {  	p3 =	seq.s32 s31, $0x0;
	_ =	sdelay $0x3  }
0x3a9: {  	(v2sf) =	vpush v1, $0x0;
	_ =	sdelay $0xe  }
0x3aa: {  	s1 =	spop (v2sf)  }
0x3ab: {  	p2 =	seq.s32 s5, s1  }
0x3ac: {  	p4 =	sgt.s32 @!p2 s5, $0x0;
	s6 =	sshll.u32 @!p2 s2, $0x7;
	s2 =	sadd.s32 @!p2 $0x1, s2  }
.Ltmp14:
0x3ad: {  	p4 =	por !p4, p2;
	s6 =	sshra.s32 @!p2 s6, $0x2;
	(pc) =	sbr.rel @!p3 .LBB2_14-.Ltmp14, $4  }
0x3ae: {  	s2 =	smov.u32 @p2 s11;
	s5 =	simm.s32 @p4 $0x0;
	s6 =	sadd.s32 @!p2 $0x3068, s6  }
0x3af: {  	s5 =	smin.u32 @!p2 s5, $0x1869FC  }
0x3b0: {  	s10 =	sand.u32 @!p2 $0x1FFFF8, s5;
	s5 =	sand.u32 @!p2 $0x7, s5  }
0x3b1: {  	s0 =	sadd.s32 $0x1, s0;
	s10 =	sadd.s32 @!p2 s4, s10  }
.LBB2_15:
0x3b2: {  	[tilespmem:s6], [sflag:$0x2] =	stream.linear.gather @!p2 [hbm4b:s10+s5], $0x20, $0x38;
	[tilespmem:$0x1EC48] =	vst v63  }
.Ltmp15:
0x3b3: {  	s0 =	sshll.u32 s2, $0x5;
	(pc) =	sbr.rel .LBB2_16-.Ltmp15, $4  }
0x3b4: {  	s1 =	simm.s32 $0x2;
	s0 =	sand.u32 $0x3FFFFFE0, s0  }
0x3b5: {  	_ =	swait.ge [sflag:s1], s0  }
0x3b6: {  	s0 =	ssub.s32 $0x0, s0;
	[sflag:s1] =	ssyncset.done $0x0  }
0x3b7: {  	[sflag:s1] =	ssyncadd.s32 s0;
	s0 =	simm.s32 $0x0  }
.LBB2_17:
0x3b8: {  	v1 =	vld [tilespmem:s26+$0xFFFFFFF0];
	_ =	sdelay $0x4  }
0x3b9: {  	[tilespmem:s1+$0x48] =	vst.add.f32.msk $0xffff, v1  }
0x3ba: {  	v1 =	vld [tilespmem:s26+$0x0];
	_ =	sdelay $0x4  }
0x3bb: {  	[tilespmem:s1+$0x58] =	vst.add.f32.msk $0xffff, v1  }
.LBB2_21:
0x3bc: {  	s28 =	sadd.s32 $0x1, s28  }
0x3bd: {  	p2 =	seq.s32 s28, $0x0  }
.Ltmp16:
0x3be: {  	_ = 	snop;
	(pc) =	sbr.rel @p2 .LBB2_22-.Ltmp16, $2  }
0x3bf: {  	_ =	sdelay $0x2  }
0x3c0: {  	s26 =	sadd.s32 $0x80, s26;
	s24 =	sadd.s32 $0x1, s24;
	s30 =	smov.u32 s31  }
.LBB2_16:
0x3c1: {  	v1 =	vld.msk [tilespmem:s24+$0x0], $0x1;
	_ =	sdelay $0x4  }
0x3c2: {  	(v2sf) =	vpush v1, $0x0;
	_ =	sdelay $0xe  }
0x3c3: {  	s31 =	spop (v2sf)  }
0x3c4: {  	p2 =	sne.s32 s30, s31  }
.Ltmp17:
0x3c5: {  	_ = 	snop;
	(pc) =	sbr.rel @!p2 .LBB2_17-.Ltmp17, $3  }
0x3c6: {  	_ =	sdelay $0x1  }
0x3c7: {  	s1 =	sshll.u32 s23, $0x7  }
0x3c8: {  	s1 =	sshra.s32 s1, $0x2  }
0x3c9: {  	p2 =	seq.s32 s30, s25  }
.Ltmp18:
0x3ca: {  	_ = 	snop;
	(pc) =	sbr.rel @!p2 .LBB2_19-.Ltmp18, $1  }
0x3cb: {  	_ =	sdelay $0x3  }
.Ltmp19:
0x3cc: {  	s1 =	sadd.s32 $0x48, s1;
	(pc) =	sbr.rel .LBB2_20-.Ltmp19, $4  }
0x3cd: {  	[spmem:s16] =	stream.linear.scatter [tilespmem:s1], [sflag:$0x1], $0x20, $0x38;
	[tilespmem:$0x1EC48] =	vst v63  }
0x3ce: {  	_ =	swait.ge [sflag:s3], $0x20  }
0x3cf: {  	[sflag:s3] =	ssyncset.done $0x0  }
0x3d0: {  	[sflag:s3] =	ssyncadd.s32 $0xFFFFFFE0  }
.LBB2_19:
0x3d1: {  	s2 =	sshll.u32 s29, $0x7  }
0x3d2: {  	s2 =	sshra.s32 s2, $0x2  }
0x3d3: {  	v1 =	vld [tilespmem:s2+$0x3068];
	_ =	sdelay $0x4  }
0x3d4: {  	[tilespmem:s1+$0x48] =	vst.add.f32.msk $0xffff, v1  }
0x3d5: {  	v1 =	vld [tilespmem:s2+$0x3078];
	_ =	sdelay $0x2  }
0x3d6: {  	p2 =	sgt.u32 s30, $0x1869FC  }
0x3d7: {  	s2 =	sand.u32 @!p2 $0x1FFFF8, s30  }
0x3d8: {  	s5 =	sadd.s32 $0x48, s1;
	[tilespmem:s1+$0x58] =	vst.add.f32.msk $0xffff, v1;
	s1 =	sadd.s32 @!p2 s4, s2;
	s2 =	sand.u32 @!p2 $0x7, s30  }
0x3d9: {  	[hbm4b:s1+s2] =	stream.linear.scatter @!p2 [tilespmem:s5], [sflag:$0xC], $0x20, $0x38;
	[tilespmem:$0x1EC48] =	vst v63  }
0x3da: {  	s1 =	simm.s32 $0x0  }
0x3db: {  	s1 =	simm.s32 @!p2 $0x80  }
0x3dc: {  	s0 =	sadd.s32 s1, s0  }
.LBB2_20:
0x3dd: {  	s1 =	sadd.s32 $0x1, s23  }
0x3de: {  	s2 =	smulhi.u32 $0xAAAAAAAB, s1;
	_ =	sdelay $0x1  }
0x3df: {  	v1 =	vld [tilespmem:s26+$0xFFFFFFF0];
	s2 =	sshrl.u32 s2, $0x8  }
0x3e0: {  	s2 =	smul.u32 $0x180, s2;
	_ =	sdelay $0x1  }
0x3e1: {  	s23 =	ssub.s32 s1, s2  }
0x3e2: {  	s1 =	sshll.u32 s23, $0x5  }
0x3e3: {  	[tilespmem:s1+$0x48] =	vst v1  }
0x3e4: {  	v1 =	vld [tilespmem:s26+$0x0]  }
.Ltmp20:
0x3e5: {  	_ = 	snop;
	(pc) =	sbr.rel .LBB2_21-.Ltmp20, $2  }
0x3e6: {  	_ =	sdelay $0x2  }
0x3e7: {  	s29 =	sadd.s32 $0x1, s29;
	[tilespmem:s1+$0x58] =	vst v1  }
.LBB2_23:
.Ltmp21:
0x3e8: {  	(pc) =	sbr.rel .LBB2_24-.Ltmp21, $4  }
0x3e9: {  	_ = 	snop  }
0x3ea: {  	s0 =	simm.s32 $0x2  }
0x3eb: {  	_ =	swait.ge [sflag:s0], $0x0  }
0x3ec: {  	s31 =	smov.u32 s30;
	[sflag:s0] =	ssyncset.done $0x0;
	s0 =	simm.s32 $0x0  }
.LBB2_26:
0x3ed: {  	_ =	sfence.sel $0x180000  }
0x3ee: {  	s0 =	simm.s32 $0x9;
	[bflag:$0x0] =	sbarrier.arrive $0xFFFF  }
0x3ef: {  	s24 =	simm.s32 $0xA;
	[sflag:s0] =	ssyncpa.u1 $0x1  }
0x3f0: {  	s25 =	simm.s32 $0xB;
	[sflag:s24] =	ssyncpa.u1 $0x1  }
0x3f1: {  	s26 =	simm.s32 $0x2;
	[sflag:s25] =	ssyncpa.u1 $0x1  }
0x3f2: {  	[sflag:s26] =	ssyncpa.u1 $0x1  }
0x3f3: {  	v0 =	vld [tilespmem:$0x6088];
	_ =	sdelay $0x4  }
0x3f4: {  	(v2sf) =	vpush v0, $0x0  }
0x3f5: {  	(v2sf) =	vpush v0, $0x1;
	_ =	sdelay $0x1  }
0x3f6: {  	(v2sf) =	vpush v0, $0x2;
	_ =	sdelay $0xb  }
0x3f7: {  	s0 =	spop (v2sf)  }
0x3f8: {  	s1 =	spop (v2sf)  }
0x3f9: {  	s2 =	smov.u32 s0;
	p0 =	sne.s32 s0, s1  }
0x3fa: {  	s3 =	spop (v2sf);
	s2 =	simm.s32 @!p0 $0xFFFFFFFF  }
0x3fb: {  	v2 =	vimm.s32 $0x1;
	v3 =	vlaneseq.u32;
	p0 =	seq.s32 s3, $0xFFFFFFFF;
	v1 =	vmov s2  }
0x3fc: {  	s14 =	stileid.u32;
	v0 =	vperm.xlane v0, v2;
	p1 =	sne.s32 @!p0 s0, s1;
	v1 =	vperm.xlane v1, v3  }
0x3fd: {  	vm0 =	vcmask $0x3F04;
	s6 =	simm.s32 $0x6088;
	s0 =	simm.s32 @!p0 $0x1;
	p1 =	por !p1, p0  }
0x3fe: {  	s2 =	sshll.u32 s14, $0x1;
	s1 =	sshll.u32 @!p0 s3, $0x7;
	s0 =	simm.s32 @p1 $0x0;
	v0 =	vsel vm0, v1, v0  }
0x3ff: {  	s5 =	sor.u32 $0x400, s2;
	s1 =	sshra.s32 @!p0 s1, $0x2;
	s0 =	sor.u32 @!p0 s0, s2;
	[tilespmem:$0x6088] =	vst v0  }
0x400: {  	[spmem:s5] =	stream.linear.scatter [tilespmem:s6], [sflag:$0x1], $0x2, $0x38;
	[tilespmem:$0x1EC48] =	vst v63  }
0x401: {  	s1 =	sadd.s32 @!p0 $0x48, s1;
	s0 =	sshll.u32 @!p0 s0, $0x5  }
0x402: {  	[spmem:s0] =	stream.linear.scatter @!p0 [tilespmem:s1], [sflag:$0x1], $0x20, $0x38;
	[tilespmem:$0x1EC48] =	vst v63  }
0x403: {  	s0 =	simm.s32 @!p0 $0x22  }
0x404: {  	s28 =	simm.s32 $0x1;
	s0 =	simm.s32 @p0 $0x2  }
0x405: {  	_ =	swait.ge [sflag:s28], s0  }
0x406: {  	s0 =	ssub.s32 $0x0, s0;
	[sflag:s28] =	ssyncset.done $0x0  }
0x407: {  	p0 =	sne.s32 s14, $0x0;
	[sflag:s28] =	ssyncadd.s32 s0  }
.Ltmp22:
0x408: {  	_ =	sfence.stream.spmem;
	(pc) =	sbr.rel @p0 .LBB2_43-.Ltmp22, $4  }
0x409: {  	s29 =	simm.s32 $0x3;
	[bflag:$0x0] =	sbarrier.arrive $0xFFFF  }
0x40a: {  	s30 =	simm.s32 $0x4;
	[sflag:s29] =	ssyncpa.u1 $0x1  }
0x40b: {  	s31 =	simm.s32 $0x3C;
	[sflag:s30] =	ssyncpa.u1 $0x1  }
0x40c: {  	s15 =	rddreg [dreg:$0x4];
	[sflag:s31] =	ssyncpa.u1 $0x1  }
0x40d: {  	_ =	sfence.stream.spmem;
	s0 =	simm.s32 $0x5  }
0x40e: {  	s1 =	simm.s32 $0x400;
	s2 =	simm.s32 $0x6098;
	[sflag:s0] =	ssyncpa.u1 $0x0  }
0x40f: {  	[tilespmem:s2], [sflag:$0x5] =	stream.linear.gather [spmem:s1], $0x20, $0x38;
	[tilespmem:$0x1EC48] =	vst v63  }
0x410: {  	s26 =	simm.s32 $0x0;
	s28 =	simm.s32 $0x60B8  }
0x411: {  	[tilespmem:s28], [sflag:$0x5] =	stream.linear.gather [spmem:s26], $0x400, $0x38;
	[tilespmem:$0x1EC48] =	vst v63  }
0x412: {  	_ =	swait.ge [sflag:s0], $0x420  }
0x413: {  	[sflag:s0] =	ssyncset.done $0x0  }
0x414: {  	s29 =	simm.s32 $0x0;
	[sflag:s0] =	ssyncadd.s32 $0xFFFFFBE0  }
0x415: {  	v0 =	vld.msk [tilespmem:s29+$0x6098], $0x1;
	_ =	sdelay $0x1  }
0x416: {  	s30 =	simm.s32 $0x1  }
0x417: {  	v1 =	vld.msk [tilespmem:s30+$0x6098], $0x1;
	_ =	sdelay $0x1  }
0x418: {  	(v2sf) =	vpush v0, $0x0;
	_ =	sdelay $0x2  }
0x419: {  	(v2sf) =	vpush v1, $0x0;
	_ =	sdelay $0x2  }
0x41a: {  	s31 =	simm.s32 $0x2  }
0x41b: {  	v0 =	vld.msk [tilespmem:s31+$0x6098], $0x1;
	_ =	sdelay $0x2  }
0x41c: {  	s1 =	simm.s32 $0xFFFFFFFF;
	s2 =	simm.s32 $0xFFFFFFFF;
	s0 =	simm.s32 $0xC  }
.LBB2_28:
0x41d: {  	s3 =	smov.u32 s2;
	s5 =	smov.u32 s1  }
0x41e: {  	s1 =	sshra.s32 s0, $0x2;
	p1 =	sne.s32 s0, $0x7C;
	s0 =	sadd.s32 $0x4, s0;
	(v2sf) =	vpush v0, $0x0  }
0x41f: {  	v0 =	vld.msk [tilespmem:s1+$0x6098], $0x1  }
.Ltmp23:
0x420: {  	(pc) =	sbr.rel @p1 .LBB2_28-.Ltmp23, $4  }
0x421: {  	s2 =	spop (v2sf)  }
0x422: {  	p2 =	sne.s32 s5, $0xFFFFFFFF;
	s1 =	smov.u32 s2  }
0x423: {  	p3 =	seq.s32 s2, $0xFFFFFFFF;
	s1 =	smov.u32 @p2 s5  }
0x424: {  	s2 =	smov.u32 @p3 s3;
	s1 =	smov.u32 @p3 s5  }
0x425: {  	(v2sf) =	vpush v0, $0x0;
	_ =	sdelay $0x8  }
0x426: {  	s0 =	spop (v2sf)  }
0x427: {  	p1 =	sne.s32 s1, $0xFFFFFFFF;
	s3 =	smov.u32 s0  }
0x428: {  	s9 =	simm.s32 $0x6;
	p2 =	seq.s32 s0, $0xFFFFFFFF;
	s3 =	smov.u32 @p1 s1  }
0x429: {  	s10 =	simm.s32 $0x6068;
	s3 =	smov.u32 @p2 s1;
	s1 =	spop (v2sf)  }
0x42a: {  	s0 =	smov.u32 @p2 s2;
	p1 =	sne.s32 s3, $0xFFFFFFFF;
	s5 =	smov.u32 s1  }
.Ltmp24:
0x42b: {  	p2 =	seq.s32 s1, $0xFFFFFFFF;
	s5 =	smov.u32 @p1 s3;
	(pc) =	sbr.rel .LBB2_30-.Ltmp24, $4  }
0x42c: {  	s11 =	simm.s32 $0x0;
	s5 =	smov.u32 @p2 s3;
	s7 =	spop (v2sf)  }
0x42d: {  	[sflag:s9] =	ssyncpa.u1 $0x0;
	p1 =	sne.s32 s5, $0xFFFFFFFF;
	s8 =	smov.u32 s7  }
0x42e: {  	s1 =	smov.u32 @p2 s0;
	p2 =	seq.s32 s7, $0xFFFFFFFF;
	s8 =	smov.u32 @p1 s5  }
0x42f: {  	s3 =	simm.s32 $0x0;
	s7 =	smov.u32 @p2 s1;
	s8 =	smov.u32 @p2 s5  }
.LBB2_36:
0x430: {  	p1 =	sgt.u32 s12, $0x1869FC  }
0x431: {  	p2 =	seq.s32 @!p1 s12, s8  }
0x432: {  	p1 =	por p1, p2  }
0x433: {  	p2 =	sne.s32 @!p1 s12, s7  }
0x434: {  	p1 =	por p1, !p2  }
0x435: {  	s0 =	sshll.u32 @p1 s11, $0x7  }
0x436: {  	s0 =	sand.u32 @!p1 $0x1FFFF8, s12  }
0x437: {  	s1 =	sand.u32 @!p1 $0x7, s12;
	s0 =	sadd.s32 @!p1 s4, s0  }
0x438: {  	[tilespmem:s10], [sflag:$0x6] =	stream.linear.gather @!p1 [hbm4b:s0+s1], $0x20, $0x38;
	[tilespmem:$0x1EC48] =	vst v63  }
0x439: {  	_ =	swait.ge @!p1 [sflag:s9], $0x20  }
0x43a: {  	[sflag:s9] =	ssyncset.done @!p1 $0x0  }
0x43b: {  	[sflag:s9] =	ssyncadd.s32 @!p1 $0xFFFFFFE0  }
0x43c: {  	v1 =	vld @!p1 [tilespmem:$0x6068];
	_ =	sdelay $0x2  }
0x43d: {  	s0 =	sshll.u32 @!p1 s11, $0x7  }
0x43e: {  	s1 =	sshrl.u32 @!p1 s0, $0x2  }
0x43f: {  	[tilespmem:s1+$0x60B8] =	vst.add.f32.msk @!p1 $0xffff, v1  }
0x440: {  	v1 =	vld @!p1 [tilespmem:$0x6078];
	_ =	sdelay $0x4  }
0x441: {  	[tilespmem:s1+$0x60C8] =	vst.add.f32.msk @!p1 $0xffff, v1  }
0x442: {  	s0 =	sshrl.u32 s0, $0x2;
	[tilespmem:s3+$0x6098] =	vst.msk $0x1, v0  }
0x443: {  	v0 =	vld [tilespmem:s0+$0x60B8];
	_ =	sdelay $0x2  }
0x444: {  	s31 =	sshll.u32 s3, $0x7  }
0x445: {  	s1 =	sshra.s32 s31, $0x2  }
0x446: {  	[tilespmem:s1+$0x60B8] =	vst v0  }
0x447: {  	v0 =	vld [tilespmem:s0+$0x60C8];
	_ =	sdelay $0x4  }
0x448: {  	s3 =	sadd.s32 $0x1, s3;
	[tilespmem:s1+$0x60C8] =	vst v0  }
.LBB2_37:
0x449: {  	s11 =	sadd.s32 $0x1, s11  }
0x44a: {  	p1 =	sne.s32 s11, $0x20  }
.Ltmp25:
0x44b: {  	_ = 	snop;
	(pc) =	sbr.rel @!p1 .LBB2_38-.Ltmp25, $1  }
0x44c: {  	_ =	sdelay $0x3  }
.LBB2_30:
0x44d: {  	v0 =	vld.msk [tilespmem:s11+$0x6098], $0x1;
	_ =	sdelay $0x4  }
0x44e: {  	(v2sf) =	vpush v0, $0x0;
	_ =	sdelay $0xe  }
0x44f: {  	s12 =	spop (v2sf)  }
0x450: {  	p1 =	seq.s32 s12, $0xFFFFFFFF  }
.Ltmp26:
0x451: {  	_ = 	snop;
	(pc) =	sbr.rel @p1 .LBB2_37-.Ltmp26, $1  }
0x452: {  	_ =	sdelay $0x3  }
0x453: {  	p1 =	slt.s32 s3, $0x1  }
.Ltmp27:
0x454: {  	_ = 	snop;
	(pc) =	sbr.rel @p1 .LBB2_36-.Ltmp27, $1  }
0x455: {  	_ =	sdelay $0x3  }
0x456: {  	s0 =	simm.s32 $0x6098;
	p1 =	por $0x0, $0x0  }
0x457: {  	v1 =	vld.msk @!p1 [tilespmem:s0+$0x0], $0x1;
	_ =	sdelay $0x4  }
0x458: {  	(v2sf) =	vpush @!p1 v1, $0x0;
	_ =	sdelay $0xd  }
0x459: {  	p3 =	sne.s32 s3, $0x1  }
.Ltmp28:
0x45a: {  	s1 =	spop @!p1 (v2sf);
	(pc) =	sbr.rel @!p3 .LBB2_34-.Ltmp28, $4  }
0x45b: {  	p2 =	seq.s32 @!p1 s12, s1  }
0x45c: {  	s13 =	simm.s32 $0x0;
	p2 =	por !p2, p1  }
0x45d: {  	s2 =	simm.s32 $0xFFFFFFFF;
	s13 =	simm.s32 @p2 $0xFFFFFFFF  }
0x45e: {  	s1 =	simm.s32 $0x1;
	s13 =	smov.u32 @p1 s2  }
.LBB2_33:
0x45f: {  	s2 =	smov.u32 s13;
	p1 =	sne.s32 s13, $0xFFFFFFFF  }
0x460: {  	s0 =	sadd.s32 $0x1, s0;
	s13 =	smov.u32 s1;
	s1 =	sadd.s32 $0x1, s1  }
0x461: {  	p2 =	sne.s32 s3, s1;
	v1 =	vld.msk @!p1 [tilespmem:s0+$0x0], $0x1;
	_ =	sdelay $0x4  }
0x462: {  	(v2sf) =	vpush @!p1 v1, $0x0;
	_ =	sdelay $0xe  }
.Ltmp29:
0x463: {  	s5 =	spop @!p1 (v2sf);
	(pc) =	sbr.rel @p2 .LBB2_33-.Ltmp29, $4  }
0x464: {  	p3 =	seq.s32 @!p1 s12, s5  }
0x465: {  	p3 =	por !p3, p1  }
0x466: {  	s13 =	simm.s32 @p3 $0xFFFFFFFF  }
0x467: {  	s13 =	smov.u32 @p1 s2  }
.LBB2_34:
0x468: {  	p1 =	seq.s32 s13, $0xFFFFFFFF  }
.Ltmp30:
0x469: {  	_ = 	snop;
	(pc) =	sbr.rel @p1 .LBB2_36-.Ltmp30, $1  }
0x46a: {  	_ =	sdelay $0x3  }
0x46b: {  	s0 =	sshll.u32 s11, $0x5  }
0x46c: {  	s0 =	sand.u32 $0x3FFFFFE0, s0  }
0x46d: {  	v0 =	vld [tilespmem:s0+$0x60B8];
	_ =	sdelay $0x2  }
0x46e: {  	s1 =	sshll.u32 s13, $0x7  }
0x46f: {  	s1 =	sshra.s32 s1, $0x2  }
0x470: {  	[tilespmem:s1+$0x60B8] =	vst.add.f32.msk $0xffff, v0  }
0x471: {  	v0 =	vld [tilespmem:s0+$0x60C8]  }
.Ltmp31:
0x472: {  	_ = 	snop;
	(pc) =	sbr.rel .LBB2_37-.Ltmp31, $2  }
0x473: {  	_ =	sdelay $0x2  }
0x474: {  	[tilespmem:s1+$0x60C8] =	vst.add.f32.msk $0xffff, v0  }
.LBB2_38:
0x475: {  	s0 =	simm.s32 $0x6;
	p1 =	seq.s32 s3, $0x0  }
0x476: {  	[sflag:s0] =	ssyncpa.u1 $0x1;
	v0 =	vimm.s32 @p1 $0xFFFFFFFF  }
0x477: {  	s9 =	sadd.s32 $0xFFFFFFFF, s3;
	[tilespmem:$0x64B8] =	vst @p1 v0  }
0x478: {  	v0 =	vld.msk @!p1 [tilespmem:s9+$0x6098], $0x1;
	_ =	sdelay $0x1  }
0x479: {  	v1 =	vld.msk @!p1 [tilespmem:$0x6098], $0x1;
	_ =	sdelay $0x2  }
0x47a: {  	p2 =	seq.s32 @!p1 s9, $0x0;
	v0 =	vbroadcast @!p1 v0, $0x0  }
0x47b: {  	vm0 =	vmmov @!p1 $0x1;
	p2 =	por !p2, p1  }
0x47c: {  	v1 =	vnsel @!p1 vm0, $0xFFFFFFFF, v1;
	vm0 =	vcmask @!p1 $0x308;
	v0 =	vpsel !p2, $0xFFFFFFFF, v0  }
0x47d: {  	p2 =	sne.s32 @!p1 s8, s7;
	v0 =	vsel @!p1 vm0, v1, v0  }
0x47e: {  	s0 =	simm.s32 @!p1 $0x60B8;
	s1 =	simm.s32 @!p1 $0x0;
	p3 =	por !p2, p1;
	[tilespmem:$0x64B8] =	vst @!p1 v0  }
0x47f: {  	[spmem:s1] =	stream.linear.scatter @!p1 [tilespmem:s0], [sflag:$0x1], $0x20, $0x38;
	[tilespmem:$0x1EC48] =	vst v63  }
0x480: {  	s0 =	sshll.u32 @!p3 s9, $0x7  }
0x481: {  	s0 =	sshra.s32 @!p3 s0, $0x2  }
0x482: {  	s1 =	simm.s32 @!p3 $0x20;
	s0 =	sadd.s32 @!p3 $0x60B8, s0  }
0x483: {  	[spmem:s1] =	stream.linear.scatter @!p3 [tilespmem:s0], [sflag:$0x1], $0x20, $0x38;
	[tilespmem:$0x1EC48] =	vst v63  }
0x484: {  	s0 =	simm.s32 @!p3 $0x1  }
0x485: {  	_ =	swait.ge @!p3 [sflag:s0], $0x40  }
0x486: {  	p1 =	por p2, p1;
	[sflag:s0] =	ssyncset.done @!p3 $0x0  }
0x487: {  	[sflag:s0] =	ssyncadd.s32 @!p3 $0xFFFFFFC0;
	s0 =	simm.s32 @!p1 $0x1  }
0x488: {  	_ =	swait.ge @!p1 [sflag:s0], $0x20  }
0x489: {  	s29 =	simm.s32 $0x64B8;
	[sflag:s0] =	ssyncset.done @!p1 $0x0  }
0x48a: {  	s30 =	simm.s32 $0x400;
	s31 =	simm.s32 $0x1;
	[sflag:s0] =	ssyncadd.s32 @!p1 $0xFFFFFFE0  }
0x48b: {  	[spmem:s30] =	stream.linear.scatter [tilespmem:s29], [sflag:$0x1], $0x10, $0x38;
	[tilespmem:$0x1EC48] =	vst v63  }
0x48c: {  	_ =	swait.ge [sflag:s31], $0x10  }
0x48d: {  	[sflag:s31] =	ssyncset.done $0x0  }
0x48e: {  	p1 =	seq.s32 s15, $0x0;
	s8 =	rddreg [dreg:$0x1];
	[sflag:s31] =	ssyncadd.s32 $0xFFFFFFF0  }
0x48f: {  	s1 =	sshll.u32 @p1 s8, $0xE;
	s7 =	rddreg [dreg:$0x2]  }
0x490: {  	s0 =	sadd.s32 @p1 $0x15C3C, s1;
	s1 =	sshll.u32 @p1 s7, $0x11  }
0x491: {  	_ =	sfence.stream.spmem;
	s0 =	sor.u32 @p1 s1, s0  }
0x492: {  	[sflag:s0] =	ssyncadd.remote.s32 @p1 $0x1;
	s0 =	simm.s32 @p1 $0x4  }
0x493: {  	s2 =	simm.s32 @!p1 $0x3C;
	s1 =	sand.u32 $0xFFFFFFFE, s8;
	_ =	swait.ge @p1 [sflag:s0], $0xA  }
0x494: {  	s5 =	simm.s32 @!p1 $0x0;
	s1 =	sadd.s32 @!p1 $0x4, s1;
	[sflag:s0] =	ssyncset.done @p1 $0x0  }
0x495: {  	s6 =	simm.s32 @!p1 $0x40;
	[sflag:s0] =	ssyncadd.s32 @p1 $0xFFFFFFF6;
	s0 =	sshll.u32 @!p1 s1, $0x1A  }
0x496: {  	s1 =	sshll.u32 @!p1 s1, $0xD;
	s0 =	sor.u32 @!p1 s0, s7;
	_ =	swait.eq @!p1 [sflag:s2], $0x1  }
0x497: {  	s1 =	sor.u32 @!p1 $0x1C04, s1;
	s2 =	simm.s32 @!p1 $0x1C03;
	s0 =	sor.u32 @!p1 $0x80004000, s0  }
0x498: {  	[spmem:s6], [sflag:s1] =	dma.general @!p1 [spmem:s5], [sflag:s2], length:$0x8, [dreg:$0x0], stride_count:$0x0, ici_dest:s0, dma_misc:DstOpCode:WRITE  }
0x499: {  	p2 =	slt.s32 s9, $0x2;
	s5 =	simm.s32 @!p1 $0x80;
	s6 =	simm.s32 @!p1 $0x82  }
0x49a: {  	[spmem:s6], [sflag:s1] =	dma.general @!p1 [spmem:s5], [sflag:s2], length:$0x2, [dreg:$0x0], stride_count:$0x0, ici_dest:s0, dma_misc:DstOpCode:WRITE  }
.Ltmp32:
0x49b: {  	s0 =	simm.s32 @!p1 $0x3;
	(pc) =	sbr.rel @p2 .LBB2_42-.Ltmp32, $4  }
0x49c: {  	s1 =	sshll.u32 @!p1 s8, $0xE;
	_ =	swait.ge @!p1 [sflag:s0], $0xA  }
0x49d: {  	s2 =	sshll.u32 @!p1 s7, $0x11;
	s1 =	sadd.s32 @!p1 $0x11C3C, s1;
	[sflag:s0] =	ssyncset.done @!p1 $0x0  }
0x49e: {  	[sflag:s0] =	ssyncadd.s32 @!p1 $0xFFFFFFF6;
	s0 =	sor.u32 @!p1 s2, s1  }
0x49f: {  	[sflag:s0] =	ssyncadd.remote.s32 @!p1 $0xFFFFFFFF;
	s0 =	simm.s32 $0x0  }
0x4a0: {  	s0 =	simm.s32 $0x6099  }
0x4a1: {  	v0 =	vld.msk [tilespmem:s0+$0x0], $0x1;
	_ =	sdelay $0x4  }
0x4a2: {  	(v2sf) =	vpush v0, $0x0;
	_ =	sdelay $0xc  }
0x4a3: {  	s1 =	sadd.s32 $0xFFFFFFFE, s3  }
0x4a4: {  	s1 =	sadd.s32 $0xFFFFFFFF, s1  }
0x4a5: {  	p2 =	sne.s32 s1, $0x0;
	s2 =	spop (v2sf)  }
.Ltmp33:
0x4a6: {  	p1 =	sgt.u32 s2, $0x1869FC;
	(pc) =	sbr.rel @!p2 .LBB2_41-.Ltmp33, $4  }
0x4a7: {  	s6 =	simm.s32 $0x0;
	s3 =	sand.u32 @!p1 $0x1FFFF8, s2  }
0x4a8: {  	s0 =	simm.s32 $0x60D8;
	s2 =	sand.u32 @!p1 $0x7, s2;
	s3 =	sadd.s32 @!p1 s4, s3  }
0x4a9: {  	[hbm4b:s3+s2] =	stream.linear.scatter @!p1 [tilespmem:s0], [sflag:$0x5], $0x20, $0x38;
	[tilespmem:$0x1EC48] =	vst v63  }
0x4aa: {  	s6 =	simm.s32 @!p1 $0x80;
	s2 =	simm.s32 $0x0;
	s3 =	simm.s32 $0x609A  }
.LBB2_40:
0x4ab: {  	v0 =	vld.msk [tilespmem:s3+$0x0], $0x1;
	s1 =	sadd.s32 $0xFFFFFFFF, s1;
	s2 =	sadd.s32 s2, s6  }
0x4ac: {  	p1 =	sne.s32 s1, $0x0;
	_ =	sdelay $0x3  }
0x4ad: {  	(v2sf) =	vpush v0, $0x0;
	_ =	sdelay $0xe  }
.Ltmp34:
0x4ae: {  	s5 =	spop (v2sf);
	(pc) =	sbr.rel @p1 .LBB2_40-.Ltmp34, $4  }
0x4af: {  	s6 =	simm.s32 $0x0;
	p2 =	sgt.u32 s5, $0x1869FC  }
0x4b0: {  	s0 =	sadd.s32 $0x20, s0;
	s6 =	simm.s32 @!p2 $0x80;
	s7 =	sand.u32 @!p2 $0x1FFFF8, s5  }
0x4b1: {  	s3 =	sadd.s32 $0x1, s3;
	s5 =	sand.u32 @!p2 $0x7, s5;
	s7 =	sadd.s32 @!p2 s4, s7  }
0x4b2: {  	[hbm4b:s7+s5] =	stream.linear.scatter @!p2 [tilespmem:s0], [sflag:$0x5], $0x20, $0x38;
	[tilespmem:$0x1EC48] =	vst v63  }
.LBB2_41:
0x4b3: {  	s0 =	sadd.s32 s2, s6  }
0x4b4: {  	s0 =	sshrl.u32 s0, $0x2  }
.LBB2_42:
0x4b5: {  	s1 =	simm.s32 $0x5  }
0x4b6: {  	_ =	swait.ge [sflag:s1], s0  }
0x4b7: {  	s31 =	ssub.s32 $0x0, s0;
	[sflag:s1] =	ssyncset.done $0x0  }
0x4b8: {  	[sflag:s1] =	ssyncadd.s32 s31  }
0x4b9: {  	[sflag:s1] =	ssyncpa.u1 $0x1  }
.LBB2_43:
0x4ba: {  	s0 =	sor.u32 s15, s14  }
0x4bb: {  	p1 =	sne.s32 s0, $0x0  }
.Ltmp35:
0x4bc: {  	_ = 	snop;
	(pc) =	sbr.rel @p1 .LBB2_58-.Ltmp35, $3  }
0x4bd: {  	_ =	sdelay $0x1  }
0x4be: {  	[bflag:$0x0] =	sbarrier.arrive $0xFFFF  }
0x4bf: {  	_ =	sfence  }
0x4c0: {  	s0 =	simm.s32 $0x7  }
0x4c1: {  	s1 =	simm.s32 $0x400;
	s2 =	simm.s32 $0x6098;
	[sflag:s0] =	ssyncpa.u1 $0x0  }
0x4c2: {  	[tilespmem:s2], [sflag:$0x7] =	stream.linear.gather [spmem:s1], $0x20, $0x38;
	[tilespmem:$0x1EC48] =	vst v63  }
0x4c3: {  	s30 =	simm.s32 $0x60B8;
	s1 =	simm.s32 $0x0  }
0x4c4: {  	[tilespmem:s30], [sflag:$0x7] =	stream.linear.gather [spmem:s1], $0x400, $0x38;
	[tilespmem:$0x1EC48] =	vst v63  }
.Ltmp36:
0x4c5: {  	_ = 	snop;
	(pc) =	sbr.rel .LBB2_45-.Ltmp36, $4  }
0x4c6: {  	_ =	swait.ge [sflag:s0], $0x420  }
0x4c7: {  	[sflag:s0] =	ssyncset.done $0x0  }
0x4c8: {  	s31 =	simm.s32 $0x8;
	[sflag:s0] =	ssyncadd.s32 $0xFFFFFBE0  }
0x4c9: {  	s2 =	simm.s32 $0x0;
	[sflag:s31] =	ssyncpa.u1 $0x0  }
.LBB2_51:
0x4ca: {  	p1 =	slt.u32 s3, $0x1869FD  }
0x4cb: {  	s0 =	sand.u32 @p1 $0x1FFFF8, s3  }
0x4cc: {  	s3 =	sand.u32 @p1 $0x7, s3;
	s5 =	simm.s32 @p1 $0x6068;
	s0 =	sadd.s32 @p1 s4, s0  }
0x4cd: {  	[tilespmem:s5], [sflag:$0x8] =	stream.linear.gather @p1 [hbm4b:s0+s3], $0x20, $0x38;
	[tilespmem:$0x1EC48] =	vst v63  }
0x4ce: {  	s0 =	simm.s32 @p1 $0x8  }
0x4cf: {  	_ =	swait.ge @p1 [sflag:s0], $0x20  }
0x4d0: {  	[sflag:s0] =	ssyncset.done @p1 $0x0  }
0x4d1: {  	[sflag:s0] =	ssyncadd.s32 @p1 $0xFFFFFFE0  }
0x4d2: {  	v1 =	vld @p1 [tilespmem:$0x6068];
	_ =	sdelay $0x2  }
0x4d3: {  	s0 =	sshll.u32 @p1 s2, $0x7  }
0x4d4: {  	s3 =	sshrl.u32 @p1 s0, $0x2  }
0x4d5: {  	[tilespmem:s3+$0x60B8] =	vst.add.f32.msk @p1 $0xffff, v1  }
0x4d6: {  	v1 =	vld @p1 [tilespmem:$0x6078];
	_ =	sdelay $0x3  }
0x4d7: {  	s5 =	sshll.u32 @!p1 s2, $0x7  }
0x4d8: {  	s5 =	smov.u32 @p1 s0;
	[tilespmem:s3+$0x60C8] =	vst.add.f32.msk @p1 $0xffff, v1  }
0x4d9: {  	s0 =	sshrl.u32 s5, $0x2;
	[tilespmem:s1+$0x6098] =	vst.msk $0x1, v0  }
0x4da: {  	v0 =	vld [tilespmem:s0+$0x60B8];
	_ =	sdelay $0x2  }
0x4db: {  	s31 =	sshll.u32 s1, $0x7  }
0x4dc: {  	s3 =	sshra.s32 s31, $0x2  }
0x4dd: {  	[tilespmem:s3+$0x60B8] =	vst v0  }
0x4de: {  	v0 =	vld [tilespmem:s0+$0x60C8];
	_ =	sdelay $0x4  }
0x4df: {  	s1 =	sadd.s32 $0x1, s1;
	[tilespmem:s3+$0x60C8] =	vst v0  }
.LBB2_52:
0x4e0: {  	s2 =	sadd.s32 $0x1, s2  }
0x4e1: {  	p1 =	sne.s32 s2, $0x20  }
.Ltmp37:
0x4e2: {  	_ = 	snop;
	(pc) =	sbr.rel @!p1 .LBB2_53-.Ltmp37, $1  }
0x4e3: {  	_ =	sdelay $0x3  }
.LBB2_45:
0x4e4: {  	v0 =	vld.msk [tilespmem:s2+$0x6098], $0x1;
	_ =	sdelay $0x4  }
0x4e5: {  	(v2sf) =	vpush v0, $0x0;
	_ =	sdelay $0xe  }
0x4e6: {  	s3 =	spop (v2sf)  }
0x4e7: {  	p1 =	seq.s32 s3, $0xFFFFFFFF  }
.Ltmp38:
0x4e8: {  	_ = 	snop;
	(pc) =	sbr.rel @p1 .LBB2_52-.Ltmp38, $1  }
0x4e9: {  	_ =	sdelay $0x3  }
0x4ea: {  	p1 =	slt.s32 s1, $0x1  }
.Ltmp39:
0x4eb: {  	_ = 	snop;
	(pc) =	sbr.rel @p1 .LBB2_51-.Ltmp39, $1  }
0x4ec: {  	_ =	sdelay $0x3  }
0x4ed: {  	s0 =	simm.s32 $0x6098;
	p1 =	por $0x0, $0x0  }
0x4ee: {  	v1 =	vld.msk @!p1 [tilespmem:s0+$0x0], $0x1;
	_ =	sdelay $0x4  }
0x4ef: {  	(v2sf) =	vpush @!p1 v1, $0x0;
	_ =	sdelay $0xd  }
0x4f0: {  	p3 =	sne.s32 s1, $0x1  }
.Ltmp40:
0x4f1: {  	s5 =	spop @!p1 (v2sf);
	(pc) =	sbr.rel @!p3 .LBB2_49-.Ltmp40, $4  }
0x4f2: {  	p2 =	seq.s32 @!p1 s3, s5  }
0x4f3: {  	s5 =	simm.s32 $0x0;
	p2 =	por !p2, p1  }
0x4f4: {  	s7 =	simm.s32 $0xFFFFFFFF;
	s5 =	simm.s32 @p2 $0xFFFFFFFF  }
0x4f5: {  	s6 =	simm.s32 $0x1;
	s5 =	smov.u32 @p1 s7  }
.LBB2_48:
0x4f6: {  	s7 =	smov.u32 s5;
	p1 =	sne.s32 s5, $0xFFFFFFFF  }
0x4f7: {  	s0 =	sadd.s32 $0x1, s0;
	s5 =	smov.u32 s6;
	s6 =	sadd.s32 $0x1, s6  }
0x4f8: {  	p2 =	sne.s32 s1, s6;
	v1 =	vld.msk @!p1 [tilespmem:s0+$0x0], $0x1;
	_ =	sdelay $0x4  }
0x4f9: {  	(v2sf) =	vpush @!p1 v1, $0x0;
	_ =	sdelay $0xe  }
.Ltmp41:
0x4fa: {  	s8 =	spop @!p1 (v2sf);
	(pc) =	sbr.rel @p2 .LBB2_48-.Ltmp41, $4  }
0x4fb: {  	p3 =	seq.s32 @!p1 s3, s8  }
0x4fc: {  	p3 =	por !p3, p1  }
0x4fd: {  	s5 =	simm.s32 @p3 $0xFFFFFFFF  }
0x4fe: {  	s5 =	smov.u32 @p1 s7  }
.LBB2_49:
0x4ff: {  	p1 =	seq.s32 s5, $0xFFFFFFFF  }
.Ltmp42:
0x500: {  	_ = 	snop;
	(pc) =	sbr.rel @p1 .LBB2_51-.Ltmp42, $1  }
0x501: {  	_ =	sdelay $0x3  }
0x502: {  	s0 =	sshll.u32 s2, $0x5  }
0x503: {  	s0 =	sand.u32 $0x3FFFFFE0, s0  }
0x504: {  	v0 =	vld [tilespmem:s0+$0x60B8];
	_ =	sdelay $0x2  }
0x505: {  	s3 =	sshll.u32 s5, $0x7  }
0x506: {  	s3 =	sshra.s32 s3, $0x2  }
0x507: {  	[tilespmem:s3+$0x60B8] =	vst.add.f32.msk $0xffff, v0  }
0x508: {  	v0 =	vld [tilespmem:s0+$0x60C8]  }
.Ltmp43:
0x509: {  	_ = 	snop;
	(pc) =	sbr.rel .LBB2_52-.Ltmp43, $2  }
0x50a: {  	_ =	sdelay $0x2  }
0x50b: {  	[tilespmem:s3+$0x60C8] =	vst.add.f32.msk $0xffff, v0  }
.LBB2_53:
0x50c: {  	p1 =	slt.s32 s1, $0x1  }
.Ltmp44:
0x50d: {  	_ = 	snop;
	(pc) =	sbr.rel @p1 .LBB2_57-.Ltmp44, $3  }
0x50e: {  	_ =	sdelay $0x1  }
0x50f: {  	s0 =	simm.s32 $0x8  }
0x510: {  	s2 =	simm.s32 $0x0;
	[sflag:s0] =	ssyncpa.u1 $0x1  }
0x511: {  	s0 =	simm.s32 $0x6098  }
0x512: {  	v0 =	vld.msk [tilespmem:s0+$0x0], $0x1;
	_ =	sdelay $0x4  }
0x513: {  	(v2sf) =	vpush v0, $0x0;
	_ =	sdelay $0xe  }
0x514: {  	s1 =	sadd.s32 $0xFFFFFFFF, s1;
	s3 =	spop (v2sf)  }
0x515: {  	p2 =	sne.s32 s1, $0x0;
	p1 =	sgt.u32 s3, $0x1869FC  }
.Ltmp45:
0x516: {  	s5 =	sand.u32 @!p1 $0x1FFFF8, s3;
	(pc) =	sbr.rel @!p2 .LBB2_56-.Ltmp45, $4  }
0x517: {  	s0 =	simm.s32 $0x60B8;
	s3 =	sand.u32 @!p1 $0x7, s3;
	s5 =	sadd.s32 @!p1 s4, s5  }
0x518: {  	[hbm4b:s5+s3] =	stream.linear.scatter @!p1 [tilespmem:s0], [sflag:$0x7], $0x20, $0x38;
	[tilespmem:$0x1EC48] =	vst v63  }
0x519: {  	s5 =	simm.s32 $0x0  }
0x51a: {  	s3 =	simm.s32 $0x6099;
	s5 =	simm.s32 @!p1 $0x80  }
.LBB2_55:
0x51b: {  	v0 =	vld.msk [tilespmem:s3+$0x0], $0x1;
	s1 =	sadd.s32 $0xFFFFFFFF, s1;
	s2 =	sadd.s32 s2, s5  }
0x51c: {  	p1 =	sne.s32 s1, $0x0;
	_ =	sdelay $0x3  }
0x51d: {  	(v2sf) =	vpush v0, $0x0;
	_ =	sdelay $0xe  }
.Ltmp46:
0x51e: {  	s6 =	spop (v2sf);
	(pc) =	sbr.rel @p1 .LBB2_55-.Ltmp46, $4  }
0x51f: {  	s5 =	simm.s32 $0x0;
	p2 =	sgt.u32 s6, $0x1869FC  }
0x520: {  	s0 =	sadd.s32 $0x20, s0;
	s5 =	simm.s32 @!p2 $0x80;
	s7 =	sand.u32 @!p2 $0x1FFFF8, s6  }
0x521: {  	s3 =	sadd.s32 $0x1, s3;
	s6 =	sand.u32 @!p2 $0x7, s6;
	s7 =	sadd.s32 @!p2 s4, s7  }
0x522: {  	[hbm4b:s7+s6] =	stream.linear.scatter @!p2 [tilespmem:s0], [sflag:$0x7], $0x20, $0x38;
	[tilespmem:$0x1EC48] =	vst v63  }
.LBB2_56:
0x523: {  	s0 =	sadd.s32 s2, s5  }
0x524: {  	s2 =	sshrl.u32 s0, $0x2  }
.LBB2_57:
0x525: {  	s0 =	simm.s32 $0x7  }
0x526: {  	_ =	swait.ge [sflag:s0], s2  }
0x527: {  	s1 =	ssub.s32 $0x0, s2;
	[sflag:s0] =	ssyncset.done $0x0  }
0x528: {  	[sflag:s0] =	ssyncadd.s32 s1  }
0x529: {  	[sflag:s0] =	ssyncpa.u1 $0x1  }
.LBB2_58:
0x52a: {  	_ =	sfence;
	s0 =	simm.s32 $0x1  }
0x52b: {  	[sflag:s0] =	ssyncpa.u1 $0x1  }
0x52c: {  	_ =	strace $0x9000004D  }
0x52d: {  	[bflag:$0x2] =	sbarrier.arrive $0xFFFF  }
0x52e: {  	s0 =	rddreg [dreg:$0x3]  }
0x52f: {  	s0 =	sadd.s32 @!p0 $0x100000, s0  }
0x530: {  	[sflag:s0] =	ssyncadd.tile.s32 @!p0 $0x1;
	_ =	shalt  }
.Lfunc_end2:
_tile_overlayer_lowered:
.L_overlay_start_2:
0x531: {  	(tag) =	ssettag $0x2  }
0x532: {  	s0 =	rddreg [dreg:$0x0];
	s2 =	stileid.u32  }
0x533: {  	s1 =	rddreg [dreg:$0x1];
	p0 =	sne.s32 s2, $0x0  }
0x534: {  	s3 =	rddreg [dreg:$0x2];
	[bflag:$0x3] =	sbarrier.arrive $0xFFFF;
	s2 =	simm.s32 @!p0 $0x1C01  }
0x535: {  	[timem:s3], [sflag:s2] =	dma.local @!p0 [hbm:s0], s1  }
0x536: {  	s0 =	simm.s32 @!p0 $0x1  }
0x537: {  	_ =	swait.ge @!p0 [sflag:s0], s1  }
0x538: {  	s1 =	ssub.s32 @!p0 $0x0, s1;
	[sflag:s0] =	ssyncset.done @!p0 $0x0  }
0x539: {  	[sflag:s0] =	ssyncadd.s32 @!p0 s1  }
0x53a: {  	[bflag:$0x3] =	sbarrier.arrive $0xFFFF  }
0x53b: {  	_ =	shalt  }

// kernel: sparse-core-data-format-call.1.cloned.1.call-start
scs
called_computation.3_lowered:
.L_overlay_start_0:
0x0: {  	s1 =	sld [smem:$0x3FD9]  }
0x1: {  	s2 =	sld [smem:$0x3FFE];
	_ =	sdelay $0x1  }
0x2: {  	s3 =	srdreg.scid  }
0x3: {  	s0 =	sand.u32 $0x1, s3  }
0x4: {  	s17 =	sshll.u32 s0, $0xA;
	s1 =	sadd.s32 s2, s1  }
0x5: {  	s1 =	sadd.s32 s1, s17  }
0x6: {  	[smem:$0x3FC4] =	sst s1  }
0x7: {  	_ = 	snop  }
0x8: {  	(tm) =	ssettm $0x1  }
0x9: {  	s18 =	sld [smem:$0x3FFB];
	_ =	sdelay $0x3  }
0xa: {  	_ =	strace s18  }
0xb: {  	s1 =	sld [smem:$0x3FFC];
	_ =	sdelay $0x3  }
0xc: {  	_ =	strace s1  }
0xd: {  	s1 =	sld [smem:$0x3FFD];
	_ =	sdelay $0x3  }
0xe: {  	_ =	strace s1  }
0xf: {  	_ =	strace $0x8FFFFFFF  }
0x10: {  	s19 =	sld [smem:$0x3FDB];
	_ =	sdelay $0x1  }
0x11: {  	s20 =	simm.s32 $_scs_section_size  }
0x12: {  	s4 =	simm.s32 $_size__tile_overlayer_lowered;
	s5 =	simm.s32 $_tile_overlayer_lowered  }
0x13: {  	s23 =	simm.s32 $0x1BFF;
	s22 =	sshll.u32 s5, $0x1;
	s1 =	sadd.s32 s20, s19  }
0x14: {  	s6 =	simm.s32 $0x0;
	s21 =	sshll.u32 s4, $0x1;
	s4 =	sadd.s32 s22, s1  }
0x15: {  	[timem:s6], [sflag:s23] =	dma.local [hbm:s4], s21  }
0x16: {  	_ =	swait.ge [sflag:s23], s21  }
0x17: {  	s2 =	ssub.s32 $0x0, s21;
	[sflag:s23] =	ssyncset.done $0x0  }
0x18: {  	[sflag:s23] =	ssyncadd.s32 s2;
	_ =	sdelay $0x1  }
0x19: {  	s24 =	simm.s32 $0x1B8B  }
0x1a: {  	_ =	swait.ge [sflag:s24], $0x1  }
0x1b: {  	[sflag:s24] =	ssyncset.done $0x0  }
0x1c: {  	s26 =	simm.s32 $0x1B8E;
	s25 =	sld [smem:$0x3FFE];
	[sflag:s24] =	ssyncadd.s32 $0xFFFFFFFF  }
0x1d: {  	s27 =	simm.s32 $execute0_lowered;
	[smem:$0x3FD2] =	sst s26  }
0x1e: {  	s4 =	sshll.u32 s27, $0x1;
	_ =	strace $0x80000046;
	[dreg:$0x1] =	wrdreg $0xFFFFFFFF  }
0x1f: {  	s28 =	simm.s32 $_size_execute0_lowered;
	s1 =	sadd.s32 s1, s4;
	[dreg:$0x0] =	wrdreg $0x0  }
0x20: {  	s4 =	sshll.u32 s28, $0x1;
	[dreg:$0x2] =	wrdreg s1  }
0x21: {  	[dreg:$0x3] =	wrdreg s4  }
0x22: {  	[dreg:$0x4] =	wrdreg $0xC0  }
0x23: {  	_ =	task [dreg:s6], $0x5FFFF  }
0x24: {  	[dreg:$0x1] =	wrdreg $0xFFFFFFFF  }
0x25: {  	[dreg:$0x0] =	wrdreg $0x60  }
0x26: {  	[dreg:$0x2] =	wrdreg s25  }
0x27: {  	[dreg:$0x3] =	wrdreg $0xA  }
0x28: {  	_ =	task.clear_ibuf [dreg:s6], $0x4FFFF;
	_ =	strace $0x90000046  }
0x29: {  	s29 =	simm.s32 $0xA;
	_ =	strace $0x80000048  }
0x2a: {  	_ =	swait.ge [sflag:s29], $0x1  }
0x2b: {  	[sflag:s29] =	ssyncadd.s32 $0xFFFFFFFF  }
0x2c: {  	_ =	strace $0x90000048  }
0x2d: {  	_ =	sfence  }
0x2e: {  	s30 =	sld [smem:$0x0];
	_ =	sdelay $0x2  }
0x2f: {  	s31 =	sshll.u32 s3, $0xD;
	s3 =	sshrl.u32 s3, $0x2  }
0x30: {  	s2 =	sand.u32 $0x4000, s31;
	s1 =	sadd.s32 s3, s30  }
0x31: {  	s0 =	sor.u32 s2, s0;
	s1 =	sshll.u32 s1, $0x11  }
0x32: {  	s0 =	sor.u32 s1, s0  }
0x33: {  	s0 =	sadd.s32 $0x8F2B, s0  }
0x34: {  	[sflag:s0] =	ssyncadd.remote.s32 $0x1  }
0x35: {  	_ =	sfence.sel $0xFFFF  }
0x36: {  	[dreg:$0x0] =	wrdreg $0xFFFFFFFF;
	(pc) =	sbr.abs _section_cstart, $3  }
0x37: {  	[dreg:$0x1] =	wrdreg $0xFFFFFFFF  }
0x38: {  	_ =	task.clear_ibuf [dreg:s6], $0x2FFFF;
	_ =	strace $0x9FFFFFFF  }
0x39: {  	(tm) =	ssettm $0x7FFFFFFF  }
tec
execute0_lowered:
.L_overlay_start_1:
0x0: {  	(tag) =	ssettag $0x1  }
0x1: {  	s0 =	srdreg.scid  }
0x2: {  	s1 =	sshll.u32 s0, $0x4  }
0x3: {  	s4 =	rddreg [dreg:$0x0];
	s0 =	stileid.u32;
	s1 =	sand.u32 $0x10, s1  }
0x4: {  	s7 =	simm.s32 $0x1;
	s8 =	simm.s32 $0x2;
	s2 =	sor.u32 s0, s1  }
0x5: {  	s11 =	simm.s32 $0x0;
	s3 =	sadd.s32 $0x24AA00, s4;
	s2 =	sshll.u32 s2, $0x7  }
0x6: {  	s10 =	simm.s32 $0x0;
	s4 =	sadd.s32 $0x1ABAA00, s4;
	s6 =	ssub.s32 $0x187000, s2  }
.Ltmp0:
0x7: {  	s1 =	rddreg [dreg:$0x1];
	s5 =	sand.u32 $0xF80, s6;
	(pc) =	sbr.rel .LBB1_1-.Ltmp0, $4  }
0x8: {  	_ =	strace $0x80000047;
	s9 =	smov.u32 s2;
	p0 =	sne.s32 s5, $0x0  }
0x9: {  	s6 =	sshrl.u32 s6, $0xC;
	s5 =	simm.s32 $0x1;
	s7 =	simm.s32 @!p0 $0x0  }
0xa: {  	[sflag:s5] =	ssyncpa.u1 $0x0;
	p0 =	por $0x0, $0x0;
	s6 =	sadd.s32 s7, s6  }
0xb: {  	[sflag:s8] =	ssyncpa.u1 $0x0;
	s8 =	simm.s32 $0xC38000;
	s7 =	sadd.s32 $0x1, s6  }
.LBB1_4:
0xc: {  	s14 =	sshll.u32 s11, $0x3  }
0xd: {  	s30 =	sand.u32 $0x7F, s11;
	s15 =	sand.u32 $0xFFFFFC00, s14  }
0xe: {  	s11 =	sor.u32 s30, s15  }
0xf: {  	s15 =	smulhi.u32 $0xA79C7B17, s11  }
0x10: {  	s14 =	smulhi.u32 $0xA79C7B17, s14  }
0x11: {  	s15 =	sshrl.u32 s15, $0x14  }
0x12: {  	s14 =	sshrl.u32 s14, $0x14;
	s15 =	smul.u32 $0x187000, s15  }
0x13: {  	s14 =	sand.u32 $0x1F, s14  }
0x14: {  	s14 =	smul.u32 $0x30E00, s14;
	s11 =	ssub.s32 s11, s15  }
0x15: {  	s15 =	sand.u32 $0x7, s11  }
0x16: {  	s14 =	sadd.s32 s4, s14;
	s11 =	sshrl.u32 s11, $0x3;
	s15 =	sshll.u32 s15, $0x12  }
0x17: {  	[tilespmem:s13+$0x0 ss:$0x81] =	vst.msk $0xffff, v0;
	s11 =	sadd.s32 s11, s14;
	s31 =	sor.u32 $0x400, s15  }
0x18: {  	[hbm4b:s11+s31] =	stream.strided.scatter [tilespmem:s12], [sflag:$0x2], $0x1000, s8, s31, $0x20;
	[tilespmem:$0x4040] =	vst v63  }
.LBB1_5:
0x19: {  	s13 =	sadd.s32 $0x1000, s9  }
0x1a: {  	p2 =	sgt.s32 s13, $0x186FFF  }
0x1b: {  	s13 =	smov.u32 @p2 s2;
	p2 =	sne.s32 s10, s7  }
.Ltmp1:
0x1c: {  	p1 =	slt.u32 s10, $0x2;
	(pc) =	sbr.rel @!p2 .LBB1_6-.Ltmp1, $4  }
0x1d: {  	s12 =	simm.s32 @!p1 $0x2  }
0x1e: {  	s14 =	sadd.s32 $0x1, s10;
	_ =	swait.ge @!p1 [sflag:s12], $0x1000  }
0x1f: {  	s11 =	smov.u32 s9;
	p0 =	por !p0, !p0;
	[sflag:s12] =	ssyncset.done @!p1 $0x0  }
0x20: {  	s10 =	smov.u32 s14;
	s9 =	smov.u32 s13;
	[sflag:s12] =	ssyncadd.s32 @!p1 $0xFFFFF000  }
.LBB1_1:
0x21: {  	p1 =	sge.u32 s10, s6  }
0x22: {  	s12 =	sand.u32 @!p1 $0x1FFFFFF, s9  }
0x23: {  	s13 =	smulhi.u32 @!p1 $0x29E71ED, s12;
	_ =	sdelay $0x1  }
0x24: {  	s13 =	sshrl.u32 @!p1 s13, $0xE  }
0x25: {  	s13 =	smul.u32 @!p1 $0x187000, s13;
	_ =	sdelay $0x1  }
0x26: {  	s31 =	sadd.s32 $0xFFFFFFFF, s10;
	s14 =	sxor.u32 @!p1 $0xFFFFFFFF, s10;
	s12 =	ssub.s32 @!p1 s12, s13  }
0x27: {  	s15 =	simm.s32 @!p1 $0x80;
	s14 =	sshll.u32 @!p1 s14, $0xC;
	s12 =	sshll.u32 @!p1 s12, $0x4  }
0x28: {  	s13 =	sand.u32 @!p1 $0x1000, s14;
	s14 =	simm.s32 @!p1 $0x20;
	s12 =	sadd.s32 @!p1 s3, s12  }
0x29: {  	[tilespmem:s13], [sflag:$0x1] =	stream.strided.gather @!p1 [hbm4b:s12+s14], $0x1000, s15, s14, $0x38;
	[tilespmem:$0x4040] =	vst v63  }
0x2a: {  	p1 =	sge.u32 s31, s6  }
.Ltmp2:
0x2b: {  	_ = 	snop;
	(pc) =	sbr.rel @p1 .LBB1_5-.Ltmp2, $1  }
0x2c: {  	_ =	sdelay $0x3  }
0x2d: {  	s12 =	simm.s32 $0x1  }
0x2e: {  	_ =	swait.ge [sflag:s5], $0x1000;
	s12 =	simm.s32 @!p0 $0x0  }
0x2f: {  	[sflag:s5] =	ssyncset.done $0x0;
	s13 =	sshll.u32 s12, $0xC  }
0x30: {  	[sflag:s5] =	ssyncadd.s32 $0xFFFFF000;
	s16 =	sor.u32 $0x10, s13  }
0x31: {  	s12 =	smul.u32 $0x4080, s12;
	v1 =	vld [tilespmem:s16+$0x0]  }
0x32: {  	s30 =	sand.u32 $0x1, s10;
	v0 =	vld [tilespmem:s16+$0xFFFFFFF0]  }
0x33: {  	s13 =	smul.u32 $0x4080, s30;
	s12 =	sshrl.u32 s12, $0x2  }
0x34: {  	s14 =	sor.u32 $0x2000, s12  }
0x35: {  	s31 =	sshrl.u32 s13, $0x2;
	s13 =	sadd.s32 $0x0, s14  }
0x36: {  	s15 =	simm.s32 $0x4;
	s16 =	sadd.s32 $0x20, s16;
	s12 =	sor.u32 $0x2000, s31;
	[tilespmem:s13+$0x810 ss:$0x81] =	vst.msk $0xffff, v1  }
.LBB1_3:
0x37: {  	v1 =	vld [tilespmem:s16+$0x0];
	p1 =	sne.s32 s15, $0x1FC;
	[tilespmem:s13+$0x0 ss:$0x81] =	vst.msk $0xffff, v0;
	s13 =	smov.u32 s15;
	s15 =	sadd.s32 $0x4, s15  }
.Ltmp3:
0x38: {  	v0 =	vld [tilespmem:s16+$0xFFFFFFF0];
	(pc) =	sbr.rel @p1 .LBB1_3-.Ltmp3, $4  }
0x39: {  	_ = 	snop  }
0x3a: {  	s13 =	sshra.s32 s13, $0x2  }
0x3b: {  	s13 =	sadd.s32 s13, s14  }
0x3c: {  	s16 =	sadd.s32 $0x20, s16;
	[tilespmem:s13+$0x810 ss:$0x81] =	vst.msk $0xffff, v1  }
.Ltmp4:
0x3d: {  	_ = 	snop;
	(pc) =	sbr.rel .LBB1_4-.Ltmp4, $1  }
0x3e: {  	_ =	sdelay $0x3  }
.LBB1_6:
0x3f: {  	_ =	sfence.sel $0x180000  }
0x40: {  	s2 =	simm.s32 $0x1;
	[bflag:$0x0] =	sbarrier.arrive $0xFFFF  }
0x41: {  	s31 =	simm.s32 $0x2;
	[sflag:s2] =	ssyncpa.u1 $0x1  }
0x42: {  	[sflag:s31] =	ssyncpa.u1 $0x1  }
0x43: {  	p0 =	sne.s32 s0, $0x0;
	_ =	strace $0x90000047  }
0x44: {  	s0 =	sadd.s32 @!p0 $0x100000, s1;
	[bflag:$0x2] =	sbarrier.arrive $0xFFFF  }
0x45: {  	[sflag:s0] =	ssyncadd.tile.s32 @!p0 $0x1;
	_ =	shalt  }
.Lfunc_end1:
_tile_overlayer_lowered:
.L_overlay_start_2:
0x46: {  	(tag) =	ssettag $0x2  }
0x47: {  	s0 =	rddreg [dreg:$0x0];
	s2 =	stileid.u32  }
0x48: {  	s1 =	rddreg [dreg:$0x1];
	p0 =	sne.s32 s2, $0x0  }
0x49: {  	s3 =	rddreg [dreg:$0x2];
	[bflag:$0x3] =	sbarrier.arrive $0xFFFF;
	s2 =	simm.s32 @!p0 $0x1C01  }
0x4a: {  	[timem:s3], [sflag:s2] =	dma.local @!p0 [hbm:s0], s1  }
0x4b: {  	s0 =	simm.s32 @!p0 $0x1  }
0x4c: {  	_ =	swait.ge @!p0 [sflag:s0], s1  }
0x4d: {  	s1 =	ssub.s32 @!p0 $0x0, s1;
	[sflag:s0] =	ssyncset.done @!p0 $0x0  }
0x4e: {  	[sflag:s0] =	ssyncadd.s32 @!p0 s1  }
0x4f: {  	[bflag:$0x3] =	sbarrier.arrive $0xFFFF  }
0x50: {  	_ =	shalt  }

// kernel: sparse-core-data-format-call.cloned.1.call-start
scs
called_computation.2_lowered:
.L_overlay_start_0:
0x0: {  	s2 =	sld [smem:$0x3FD9]  }
0x1: {  	s3 =	sld [smem:$0x3FFE];
	_ =	sdelay $0x1  }
0x2: {  	s1 =	srdreg.scid  }
0x3: {  	s0 =	sand.u32 $0x1, s1  }
0x4: {  	s18 =	sshll.u32 s0, $0xA;
	s2 =	sadd.s32 s3, s2  }
0x5: {  	s2 =	sadd.s32 s2, s18  }
0x6: {  	[smem:$0x3FC4] =	sst s2  }
0x7: {  	_ = 	snop  }
0x8: {  	(tm) =	ssettm $0x1  }
0x9: {  	s19 =	sld [smem:$0x3FFB];
	_ =	sdelay $0x3  }
0xa: {  	_ =	strace s19  }
0xb: {  	s2 =	sld [smem:$0x3FFC];
	_ =	sdelay $0x3  }
0xc: {  	_ =	strace s2  }
0xd: {  	s2 =	sld [smem:$0x3FFD];
	_ =	sdelay $0x3  }
0xe: {  	_ =	strace s2  }
0xf: {  	_ =	strace $0x8FFFFFFF  }
0x10: {  	s20 =	sld [smem:$0x3FDB];
	_ =	sdelay $0x1  }
0x11: {  	s21 =	simm.s32 $_scs_section_size  }
0x12: {  	s4 =	simm.s32 $_size__tile_overlayer_lowered;
	s5 =	simm.s32 $_tile_overlayer_lowered  }
0x13: {  	s6 =	simm.s32 $0x1BFF;
	s22 =	sshll.u32 s5, $0x1;
	s3 =	sadd.s32 s21, s20  }
0x14: {  	s23 =	simm.s32 $0x0;
	s4 =	sshll.u32 s4, $0x1;
	s5 =	sadd.s32 s22, s3  }
0x15: {  	[timem:s23], [sflag:s6] =	dma.local [hbm:s5], s4  }
0x16: {  	_ =	swait.ge [sflag:s6], s4  }
0x17: {  	s4 =	ssub.s32 $0x0, s4;
	[sflag:s6] =	ssyncset.done $0x0  }
0x18: {  	[sflag:s6] =	ssyncadd.s32 s4;
	_ =	sdelay $0x1  }
0x19: {  	s24 =	simm.s32 $0x1B8B  }
0x1a: {  	_ =	swait.ge [sflag:s24], $0x1  }
0x1b: {  	[sflag:s24] =	ssyncset.done $0x0  }
0x1c: {  	[sflag:s24] =	ssyncadd.s32 $0xFFFFFFFF  }
0x1d: {  	s4 =	sld [smem:$0x0]  }
0x1e: {  	s5 =	sand.u32 $0xFFFFFFFE, s1  }
0x1f: {  	p0 =	sne.s32 s1, s5  }
0x20: {  	s5 =	sshll.u32 @p0 s5, $0xE  }
0x21: {  	s5 =	sadd.s32 @p0 $0x11B8D, s5;
	s6 =	sshll.u32 @p0 s4, $0x11  }
0x22: {  	s5 =	sor.u32 @p0 s6, s5  }
0x23: {  	[sflag:s5] =	ssyncadd.remote.s32 @p0 $0x1;
	_ =	sdelay $0x1  }
0x24: {  	s5 =	simm.s32 @p0 $0x1B8D  }
0x25: {  	_ =	swait.eq @p0 [sflag:s5], $0x1  }
0x26: {  	[sflag:s5] =	ssyncadd.s32 @p0 $0xFFFFFFFF  }
0x27: {  	s6 =	sshll.u32 @!p0 s1, $0xE  }
0x28: {  	s6 =	sor.u32 @!p0 $0x4000, s6;
	s5 =	simm.s32 @!p0 $0x1B8D  }
0x29: {  	s4 =	sshll.u32 @!p0 s4, $0x11;
	s6 =	sadd.s32 @!p0 $0x11B8D, s6;
	_ =	swait.eq @!p0 [sflag:s5], $0x1  }
0x2a: {  	s4 =	sor.u32 @!p0 s4, s6;
	[sflag:s5] =	ssyncadd.s32 @!p0 $0xFFFFFFFF  }
0x2b: {  	s26 =	simm.s32 $0x1B8E;
	s25 =	sld [smem:$0x3FFE];
	[sflag:s4] =	ssyncadd.remote.s32 @!p0 $0x1  }
0x2c: {  	s27 =	simm.s32 $execute0_lowered;
	[smem:$0x3FD2] =	sst s26  }
0x2d: {  	s5 =	sshll.u32 s27, $0x1;
	_ =	strace $0x80000049;
	[dreg:$0x1] =	wrdreg $0xFFFFFFFF  }
0x2e: {  	s28 =	simm.s32 $_size_execute0_lowered;
	s3 =	sadd.s32 s3, s5;
	[dreg:$0x0] =	wrdreg $0x0  }
0x2f: {  	s5 =	sshll.u32 s28, $0x1;
	[dreg:$0x2] =	wrdreg s3  }
0x30: {  	[dreg:$0x3] =	wrdreg s5  }
0x31: {  	[dreg:$0x4] =	wrdreg $0xC0  }
0x32: {  	_ =	task [dreg:s23], $0x5FFFF  }
0x33: {  	[dreg:$0x1] =	wrdreg $0xFFFFFFFF  }
0x34: {  	[dreg:$0x0] =	wrdreg $0x60  }
0x35: {  	[dreg:$0x2] =	wrdreg s25  }
0x36: {  	[dreg:$0x3] =	wrdreg $0x9  }
0x37: {  	_ =	task.clear_ibuf [dreg:s23], $0x4FFFF;
	_ =	strace $0x90000049  }
0x38: {  	s29 =	simm.s32 $0x9;
	_ =	strace $0x8000004B  }
0x39: {  	_ =	swait.ge [sflag:s29], $0x1  }
0x3a: {  	[sflag:s29] =	ssyncadd.s32 $0xFFFFFFFF  }
0x3b: {  	_ =	strace $0x9000004B  }
0x3c: {  	_ =	sfence  }
0x3d: {  	s30 =	sld [smem:$0x0];
	_ =	sdelay $0x2  }
0x3e: {  	s31 =	sshll.u32 s1, $0xD;
	s1 =	sshrl.u32 s1, $0x2  }
0x3f: {  	s4 =	sand.u32 $0x4000, s31;
	s1 =	sadd.s32 s1, s30  }
0x40: {  	s0 =	sor.u32 s4, s0;
	s1 =	sshll.u32 s1, $0x11  }
0x41: {  	s0 =	sor.u32 s1, s0  }
0x42: {  	s0 =	sadd.s32 $0x8F2B, s0  }
0x43: {  	[sflag:s0] =	ssyncadd.remote.s32 $0x1  }
0x44: {  	_ =	sfence.sel $0xFFFF  }
0x45: {  	[dreg:$0x0] =	wrdreg $0xFFFFFFFF;
	(pc) =	sbr.abs _section_cstart, $3  }
0x46: {  	[dreg:$0x1] =	wrdreg $0xFFFFFFFF  }
0x47: {  	_ =	task.clear_ibuf [dreg:s23], $0x2FFFF;
	_ =	strace $0x9FFFFFFF  }
0x48: {  	(tm) =	ssettm $0x7FFFFFFF  }
0x49: {  	_ =	shalt  }
tec
execute0_lowered:
.L_overlay_start_1:
0x0: {  	(tag) =	ssettag $0x1  }
0x1: {  	s0 =	srdreg.scid  }
0x2: {  	s1 =	sshll.u32 s0, $0x4  }
0x3: {  	s4 =	rddreg [dreg:$0x0];
	s0 =	stileid.u32;
	s1 =	sand.u32 $0x10, s1  }
0x4: {  	s7 =	simm.s32 $0x1;
	s8 =	simm.s32 $0x2;
	s2 =	sor.u32 s0, s1  }
0x5: {  	s11 =	simm.s32 $0x0;
	s3 =	sadd.s32 $0x20D6A00, s4;
	s2 =	sshll.u32 s2, $0x7  }
0x6: {  	s10 =	simm.s32 $0x0;
	s4 =	sadd.s32 $0x3946A00, s4;
	s6 =	ssub.s32 $0x187000, s2  }
.Ltmp0:
0x7: {  	s1 =	rddreg [dreg:$0x1];
	s5 =	sand.u32 $0xF80, s6;
	(pc) =	sbr.rel .LBB1_1-.Ltmp0, $4  }
0x8: {  	_ =	strace $0x8000004A;
	s9 =	smov.u32 s2;
	p0 =	sne.s32 s5, $0x0  }
0x9: {  	s6 =	sshrl.u32 s6, $0xC;
	s5 =	simm.s32 $0x1;
	s7 =	simm.s32 @!p0 $0x0  }
0xa: {  	[sflag:s5] =	ssyncpa.u1 $0x0;
	p0 =	por $0x0, $0x0;
	s6 =	sadd.s32 s7, s6  }
0xb: {  	[sflag:s8] =	ssyncpa.u1 $0x0;
	s8 =	simm.s32 $0xC38000;
	s7 =	sadd.s32 $0x1, s6  }
.LBB1_4:
0xc: {  	s14 =	sshll.u32 s11, $0x3  }
0xd: {  	s30 =	sand.u32 $0x7F, s11;
	s15 =	sand.u32 $0xFFFFFC00, s14  }
0xe: {  	s11 =	sor.u32 s30, s15  }
0xf: {  	s15 =	smulhi.u32 $0xA79C7B17, s11  }
0x10: {  	s14 =	smulhi.u32 $0xA79C7B17, s14  }
0x11: {  	s15 =	sshrl.u32 s15, $0x14  }
0x12: {  	s14 =	sshrl.u32 s14, $0x14;
	s15 =	smul.u32 $0x187000, s15  }
0x13: {  	s14 =	sand.u32 $0x1F, s14  }
0x14: {  	s14 =	smul.u32 $0x30E00, s14;
	s11 =	ssub.s32 s11, s15  }
0x15: {  	s15 =	sand.u32 $0x7, s11  }
0x16: {  	s14 =	sadd.s32 s4, s14;
	s11 =	sshrl.u32 s11, $0x3;
	s15 =	sshll.u32 s15, $0x12  }
0x17: {  	[tilespmem:s13+$0x0 ss:$0x81] =	vst.msk $0xffff, v0;
	s11 =	sadd.s32 s11, s14;
	s31 =	sor.u32 $0x400, s15  }
0x18: {  	[hbm4b:s11+s31] =	stream.strided.scatter [tilespmem:s12], [sflag:$0x2], $0x1000, s8, s31, $0x20;
	[tilespmem:$0x4040] =	vst v63  }
.LBB1_5:
0x19: {  	s13 =	sadd.s32 $0x1000, s9  }
0x1a: {  	p2 =	sgt.s32 s13, $0x186FFF  }
0x1b: {  	s13 =	smov.u32 @p2 s2;
	p2 =	sne.s32 s10, s7  }
.Ltmp1:
0x1c: {  	p1 =	slt.u32 s10, $0x2;
	(pc) =	sbr.rel @!p2 .LBB1_6-.Ltmp1, $4  }
0x1d: {  	s12 =	simm.s32 @!p1 $0x2  }
0x1e: {  	s14 =	sadd.s32 $0x1, s10;
	_ =	swait.ge @!p1 [sflag:s12], $0x1000  }
0x1f: {  	s11 =	smov.u32 s9;
	p0 =	por !p0, !p0;
	[sflag:s12] =	ssyncset.done @!p1 $0x0  }
0x20: {  	s10 =	smov.u32 s14;
	s9 =	smov.u32 s13;
	[sflag:s12] =	ssyncadd.s32 @!p1 $0xFFFFF000  }
.LBB1_1:
0x21: {  	p1 =	sge.u32 s10, s6  }
0x22: {  	s12 =	sand.u32 @!p1 $0x1FFFFFF, s9  }
0x23: {  	s13 =	smulhi.u32 @!p1 $0x29E71ED, s12;
	_ =	sdelay $0x1  }
0x24: {  	s13 =	sshrl.u32 @!p1 s13, $0xE  }
0x25: {  	s13 =	smul.u32 @!p1 $0x187000, s13;
	_ =	sdelay $0x1  }
0x26: {  	s31 =	sadd.s32 $0xFFFFFFFF, s10;
	s14 =	sxor.u32 @!p1 $0xFFFFFFFF, s10;
	s12 =	ssub.s32 @!p1 s12, s13  }
0x27: {  	s15 =	simm.s32 @!p1 $0x80;
	s14 =	sshll.u32 @!p1 s14, $0xC;
	s12 =	sshll.u32 @!p1 s12, $0x4  }
0x28: {  	s13 =	sand.u32 @!p1 $0x1000, s14;
	s14 =	simm.s32 @!p1 $0x20;
	s12 =	sadd.s32 @!p1 s3, s12  }
0x29: {  	[tilespmem:s13], [sflag:$0x1] =	stream.strided.gather @!p1 [hbm4b:s12+s14], $0x1000, s15, s14, $0x38;
	[tilespmem:$0x4040] =	vst v63  }
0x2a: {  	p1 =	sge.u32 s31, s6  }
.Ltmp2:
0x2b: {  	_ = 	snop;
	(pc) =	sbr.rel @p1 .LBB1_5-.Ltmp2, $1  }
0x2c: {  	_ =	sdelay $0x3  }
0x2d: {  	s12 =	simm.s32 $0x1  }
0x2e: {  	_ =	swait.ge [sflag:s5], $0x1000;
	s12 =	simm.s32 @!p0 $0x0  }
0x2f: {  	[sflag:s5] =	ssyncset.done $0x0;
	s13 =	sshll.u32 s12, $0xC  }
0x30: {  	[sflag:s5] =	ssyncadd.s32 $0xFFFFF000;
	s16 =	sor.u32 $0x10, s13  }
0x31: {  	s12 =	smul.u32 $0x4080, s12;
	v1 =	vld [tilespmem:s16+$0x0]  }
0x32: {  	s30 =	sand.u32 $0x1, s10;
	v0 =	vld [tilespmem:s16+$0xFFFFFFF0]  }
0x33: {  	s13 =	smul.u32 $0x4080, s30;
	s12 =	sshrl.u32 s12, $0x2  }
0x34: {  	s14 =	sor.u32 $0x2000, s12  }
0x35: {  	s31 =	sshrl.u32 s13, $0x2;
	s13 =	sadd.s32 $0x0, s14  }
0x36: {  	s15 =	simm.s32 $0x4;
	s16 =	sadd.s32 $0x20, s16;
	s12 =	sor.u32 $0x2000, s31;
	[tilespmem:s13+$0x810 ss:$0x81] =	vst.msk $0xffff, v1  }
.LBB1_3:
0x37: {  	v1 =	vld [tilespmem:s16+$0x0];
	p1 =	sne.s32 s15, $0x1FC;
	[tilespmem:s13+$0x0 ss:$0x81] =	vst.msk $0xffff, v0;
	s13 =	smov.u32 s15;
	s15 =	sadd.s32 $0x4, s15  }
.Ltmp3:
0x38: {  	v0 =	vld [tilespmem:s16+$0xFFFFFFF0];
	(pc) =	sbr.rel @p1 .LBB1_3-.Ltmp3, $4  }
0x39: {  	_ = 	snop  }
0x3a: {  	s13 =	sshra.s32 s13, $0x2  }
0x3b: {  	s13 =	sadd.s32 s13, s14  }
0x3c: {  	s16 =	sadd.s32 $0x20, s16;
	[tilespmem:s13+$0x810 ss:$0x81] =	vst.msk $0xffff, v1  }
.Ltmp4:
0x3d: {  	_ = 	snop;
	(pc) =	sbr.rel .LBB1_4-.Ltmp4, $1  }
0x3e: {  	_ =	sdelay $0x3  }
.LBB1_6:
0x3f: {  	_ =	sfence.sel $0x180000  }
0x40: {  	s2 =	simm.s32 $0x1;
	[bflag:$0x0] =	sbarrier.arrive $0xFFFF  }
0x41: {  	s31 =	simm.s32 $0x2;
	[sflag:s2] =	ssyncpa.u1 $0x1  }
0x42: {  	[sflag:s31] =	ssyncpa.u1 $0x1  }
0x43: {  	p0 =	sne.s32 s0, $0x0;
	_ =	strace $0x9000004A  }
0x44: {  	s0 =	sadd.s32 @!p0 $0x100000, s1;
	[bflag:$0x2] =	sbarrier.arrive $0xFFFF  }
0x45: {  	[sflag:s0] =	ssyncadd.tile.s32 @!p0 $0x1;
	_ =	shalt  }
.Lfunc_end1:
_tile_overlayer_lowered:
.L_overlay_start_2:
0x46: {  	(tag) =	ssettag $0x2  }
0x47: {  	s0 =	rddreg [dreg:$0x0];
	s2 =	stileid.u32  }
0x48: {  	s1 =	rddreg [dreg:$0x1];
	p0 =	sne.s32 s2, $0x0  }
0x49: {  	s3 =	rddreg [dreg:$0x2];
	[bflag:$0x3] =	sbarrier.arrive $0xFFFF;
	s2 =	simm.s32 @!p0 $0x1C01  }
0x4a: {  	[timem:s3], [sflag:s2] =	dma.local @!p0 [hbm:s0], s1  }
0x4b: {  	s0 =	simm.s32 @!p0 $0x1  }
0x4c: {  	_ =	swait.ge @!p0 [sflag:s0], s1  }
0x4d: {  	s1 =	ssub.s32 @!p0 $0x0, s1;
	[sflag:s0] =	ssyncset.done @!p0 $0x0  }
0x4e: {  	[sflag:s0] =	ssyncadd.s32 @!p0 s1  }
0x4f: {  	[bflag:$0x3] =	sbarrier.arrive $0xFFFF  }
0x50: {  	_ =	shalt  }

</sc_bundles>
